<compile_context>
chip_gen: v7x
topology: tpu7x:2x2x1
jax: 0.10.2.dev20260603
libtpu: 0.0.44.dev20260713+nightly
codegen_flags: <defaults>
</compile_context>

<pallas_src>
import functools

import jax
import jax.numpy as jnp
from jax import lax
from jax.experimental import pallas as pl
from jax.experimental.pallas import tpu as pltpu
from jax.experimental.pallas import tpu_sc as plsc

N = 10000
E = 320000
D = 128
R = 4
H = 128
G = 256
NODE_ALLY = 0

NP = 10240
ROWS_SUB = NP // 16
CHUNK = 128
NSLOT = 4
CH_SUB = 160
EP = 16 * CH_SUB * CHUNK
DEGW = 16



def _tables_body(x_ref, w_ref, out_ref):
    out_ref[0] = jnp.dot(x_ref[...], w_ref[0],
                         preferred_element_type=jnp.float32)


def _build_tables(x, wall):
    bna = 2000
    return pl.pallas_call(
        _tables_body,
        grid=(8, N // bna),
        in_specs=[
            pl.BlockSpec((bna, D), lambda j, i: (i, 0)),
            pl.BlockSpec((1, D, D), lambda j, i: (j, 0, 0)),
        ],
        out_specs=pl.BlockSpec((1, bna, D), lambda j, i: (j, i, 0)),
        out_shape=jax.ShapeDtypeStruct((8, N, D), jnp.float32),
    )(x, wall)



DEG_HALF = CH_SUB // 2


def _gidx_body(src_ref, ety_ref, out_ref):
    out_ref[...] = ety_ref[...] * (2 * N) + src_ref[...] * 2


def _build_gidx(srcp2, etyp2):
    return pl.pallas_call(
        _gidx_body,
        out_shape=jax.ShapeDtypeStruct((EP // CHUNK, CHUNK), jnp.int32),
    )(srcp2, etyp2)


def _edge_body(hr_hbm, gix_hbm, dst_hbm, z2d_hbm, zdeg_hbm,
               ones_hbm, outw_hbm, outv_hbm, outd_hbm,
               acc, dacc, gix_big, dst_big, idx_bs, rows_bs, ones_b, sems):
    c = lax.axis_index("c")
    s = lax.axis_index("s")
    lo = s * ROWS_SUB
    rows = pl.ds(lo, ROWS_SUB)
    flo = s * (N // 16)
    frows = pl.ds(flo, N // 16)
    forow = pl.ds(c * N + flo, N // 16)
    crow = pl.ds(s * CH_SUB, CH_SUB)

    pltpu.sync_copy(ones_hbm, ones_b)
    pltpu.sync_copy(gix_hbm.at[crow], gix_big)
    pltpu.sync_copy(dst_hbm.at[crow], dst_big)
    pltpu.sync_copy(z2d_hbm.at[rows], acc.at[rows])
    pltpu.sync_copy(zdeg_hbm.at[rows], dacc.at[rows])
    plsc.subcore_barrier()

    def run_phase(poff, with_deg):
        shift = poff + c

        def mkidx(ci, p):
            for j in range(CHUNK // 16):
                sl = pl.ds(j * 16, 16)
                idx_bs[p][sl] = gix_big[ci, sl] + shift

        def gstart(p):
            pltpu.async_copy(hr_hbm.at[idx_bs[p]], rows_bs[p], sems[p])

        def gwait(p):
            pltpu.make_async_copy(hr_hbm.at[idx_bs[p]], rows_bs[p],
                                  sems[p]).wait()

        def scat(ci, p):
            pltpu.sync_copy(rows_bs[p], acc.at[dst_big.at[ci]], add=True)
            if with_deg:
                @pl.when((ci < DEG_HALF) == (c == 0))
                def _():
                    pltpu.sync_copy(ones_b, dacc.at[dst_big.at[ci]],
                                    add=True)

        for p in range(NSLOT - 1):
            mkidx(p, p)
            gstart(p)

        def visit(ci, p):
            q = (p + NSLOT - 1) % NSLOT

            @pl.when(ci + NSLOT - 1 < CH_SUB)
            def _():
                mkidx(ci + NSLOT - 1, q)
                gstart(q)

            gwait(p)
            scat(ci, p)

        def body(k, carry):
            base = k * NSLOT
            for p in range(NSLOT):
                visit(base + p, p)
            return carry

        lax.fori_loop(0, CH_SUB // NSLOT, body, 0)

    run_phase(0, True)
    plsc.subcore_barrier()
    pltpu.sync_copy(acc.at[frows], outw_hbm.at[forow])
    pltpu.sync_copy(dacc.at[frows], outd_hbm.at[forow])

    pltpu.sync_copy(z2d_hbm.at[rows], acc.at[rows])
    plsc.subcore_barrier()
    run_phase(8 * N, False)
    plsc.subcore_barrier()
    pltpu.sync_copy(acc.at[frows], outv_hbm.at[forow])


def _edge_pass(hr2, gix2, dstp2):
    mesh = plsc.VectorSubcoreMesh(core_axis_name="c", subcore_axis_name="s")
    z2d = jnp.zeros((NP, D // 2), jnp.float32)
    zdeg = jnp.zeros((NP, DEGW), jnp.float32)
    ones_in = jnp.ones((CHUNK, DEGW), jnp.float32)
    k = pl.kernel(
        _edge_body,
        out_type=[
            jax.ShapeDtypeStruct((2 * N, D // 2), jnp.float32),
            jax.ShapeDtypeStruct((2 * N, D // 2), jnp.float32),
            jax.ShapeDtypeStruct((2 * N, DEGW), jnp.float32),
        ],
        mesh=mesh,
        scratch_types=[
            pltpu.VMEM_SHARED((NP, D // 2), jnp.float32),
            pltpu.VMEM_SHARED((NP, DEGW), jnp.float32),
            pltpu.VMEM((CH_SUB, CHUNK), jnp.int32),
            pltpu.VMEM((CH_SUB, CHUNK), jnp.int32),
            tuple(pltpu.VMEM((CHUNK,), jnp.int32) for _ in range(NSLOT)),
            tuple(pltpu.VMEM((CHUNK, D // 2), jnp.float32)
                  for _ in range(NSLOT)),
            pltpu.VMEM((CHUNK, DEGW), jnp.float32),
            tuple(pltpu.SemaphoreType.DMA for _ in range(NSLOT)),
        ],
        compiler_params=pltpu.CompilerParams(use_tc_tiling_on_sc=False),
    )
    return k(hr2, gix2, dstp2, z2d, zdeg, ones_in)



def _post_body(pw_ref, pv_ref, pd_ref, x_ref, qs_ref, nt_ref, gid_ref,
               wsw_ref, bgw_ref, w1w_ref, b1w_ref, w2w_ref, b2w_ref,
               wsv_ref, bgv_ref, w1v_ref, b1v_ref, w2v_ref, b2v_ref,
               out_ref):
    bn = x_ref.shape[0]
    degc = jnp.maximum(pd_ref[0, :, 0:1] + pd_ref[1, :, 0:1], 1.0)
    xv = x_ref[...]

    def branch(p_ref, ws, bg, w1, b1, w2, b2):
        agg = jnp.concatenate([p_ref[0], p_ref[1]], axis=1) / degc
        h = jnp.maximum(
            agg + jnp.dot(xv, ws[...], preferred_element_type=jnp.float32)
            + bg[...], 0.0)
        a1 = jnp.maximum(
            jnp.dot(h, w1[...], preferred_element_type=jnp.float32)
            + b1[...], 0.0)
        return jnp.dot(a1, w2[...],
                       preferred_element_type=jnp.float32) + b2[...]

    wq = jnp.abs(branch(pw_ref, wsw_ref, bgw_ref, w1w_ref, b1w_ref,
                        w2w_ref, b2w_ref))
    vq = branch(pv_ref, wsv_ref, bgv_ref, w1v_ref, b1v_ref,
                w2v_ref, b2v_ref)
    ally = nt_ref[...] == NODE_ALLY
    contrib = jnp.where(ally, wq * qs_ref[...] + vq, 0.0)
    onehot = (gid_ref[...] ==
              lax.broadcasted_iota(jnp.int32, (bn, G), 1)
              ).astype(jnp.float32)
    part = lax.dot_general(contrib, onehot, (((0,), (0,)), ((), ())),
                           preferred_element_type=jnp.float32)
    @pl.when(pl.program_id(0) == 0)
    def _():
        out_ref[...] = jnp.zeros_like(out_ref)
    out_ref[...] += part


def _post(pw, pv, pd, x, qs2, nt2, gid2, params):
    bnc = 2000
    full = lambda *shape: pl.BlockSpec(shape, lambda i: (0,) * len(shape))
    return pl.pallas_call(
        _post_body,
        grid=(N // bnc,),
        in_specs=[
            pl.BlockSpec((2, bnc, D // 2), lambda i: (0, i, 0)),
            pl.BlockSpec((2, bnc, D // 2), lambda i: (0, i, 0)),
            pl.BlockSpec((2, bnc, DEGW), lambda i: (0, i, 0)),
            pl.BlockSpec((bnc, D), lambda i: (i, 0)),
            pl.BlockSpec((bnc, 1), lambda i: (i, 0)),
            pl.BlockSpec((bnc, 1), lambda i: (i, 0)),
            pl.BlockSpec((bnc, 1), lambda i: (i, 0)),
            full(D, D), full(1, D), full(D, H), full(1, H), full(H, 1),
            full(1, 1),
            full(D, D), full(1, D), full(D, H), full(1, H), full(H, 1),
            full(1, 1),
        ],
        out_specs=pl.BlockSpec((1, G), lambda i: (0, 0)),
        out_shape=jax.ShapeDtypeStruct((1, G), jnp.float32),
    )(pw, pv, pd, x, qs2, nt2, gid2, *params)



def kernel(node_feature, qs, normalized_score, edge_index, edge_type,
           node_type, graph_ids,
           Wr_w, Ws_w, bg_w, W1_w, b1_w, W2_w, b2_w,
           Wr_v, Ws_v, bg_v, W1_v, b1_v, W2_v, b2_v):
    f32 = jnp.float32
    i32 = jnp.int32

    wall = jnp.concatenate([Wr_w, Wr_v], axis=0)

    pad_e = EP - E
    junk = jnp.arange(pad_e, dtype=i32)
    srcp = jnp.concatenate([edge_index[0].astype(i32), junk % N])
    dstp = jnp.concatenate([edge_index[1].astype(i32), N + junk % (NP - N)])
    etyp = jnp.concatenate([edge_type.astype(i32), junk % R])

    hr = _build_tables(node_feature, wall)
    hr2 = hr.reshape(16 * N, D // 2)

    srcp2 = srcp.reshape(EP // CHUNK, CHUNK)
    etyp2 = etyp.reshape(EP // CHUNK, CHUNK)
    dstp2 = dstp.reshape(EP // CHUNK, CHUNK)
    gix2 = _build_gidx(srcp2, etyp2)
    pw, pv, pd = _edge_pass(hr2, gix2, dstp2)
    pw = pw.reshape(2, N, D // 2)
    pv = pv.reshape(2, N, D // 2)
    pd = pd.reshape(2, N, DEGW)

    qs2 = qs.reshape(N, 1).astype(f32)
    nt2 = node_type.reshape(N, 1).astype(i32)
    gid2 = graph_ids.reshape(N, 1).astype(i32)

    params = (Ws_w, bg_w.reshape(1, D), W1_w, b1_w.reshape(1, H), W2_w,
              b2_w.reshape(1, 1),
              Ws_v, bg_v.reshape(1, D), W1_v, b1_v.reshape(1, H), W2_v,
              b2_v.reshape(1, 1))
    out = _post(pw, pv, pd, node_feature, qs2, nt2, gid2, params)
    return out.reshape(-1)

# --- scband reference (transcript-rebuilt; emitter-appended) ---
"""Pipeline reference for scband-soft-sub-qmixer-14267881358091 (READ-ONLY COPY).

The authoritative reference and input builder live on the scoring server;
editing this copy changes nothing except your own understanding.
"""

import jax, jax.numpy as jnp
import numpy as np

N = 10000
E = 320000
D = 128
R = 4
H = 128
G = 256
NODE_ALLY = 0


def setup_inputs(seed: int = 0) -> dict:
    key = jax.random.key(seed)
    ks = jax.random.split(key, 24)
    s = 0.05
    inp = {}
    inp['node_feature'] = jax.random.normal(ks[0], (N, D), dtype=jnp.float32)
    inp['qs'] = jax.random.normal(ks[1], (N,), dtype=jnp.float32)
    inp['normalized_score'] = jax.random.uniform(ks[2], (N, 1), dtype=jnp.float32)
    inp['edge_index'] = jax.random.randint(ks[3], (2, E), 0, N, dtype=jnp.int32)
    inp['edge_type'] = jax.random.randint(ks[4], (E,), 0, R, dtype=jnp.int32)
    inp['node_type'] = jax.random.randint(ks[5], (N,), 0, 3, dtype=jnp.int32)
    inp['graph_ids'] = jnp.sort(jax.random.randint(ks[6], (N,), 0, G, dtype=jnp.int32))
    # learned parameters: w-branch relational GNN + FF
    inp['Wr_w'] = jax.random.normal(ks[7], (R, D, D), dtype=jnp.float32) * s
    inp['Ws_w'] = jax.random.normal(ks[8], (D, D), dtype=jnp.float32) * s
    inp['bg_w'] = jnp.zeros((D,), dtype=jnp.float32)
    inp['W1_w'] = jax.random.normal(ks[9], (D, H), dtype=jnp.float32) * s
    inp['b1_w'] = jnp.zeros((H,), dtype=jnp.float32)
    inp['W2_w'] = jax.random.normal(ks[10], (H, 1), dtype=jnp.float32) * s
    inp['b2_w'] = jnp.zeros((1,), dtype=jnp.float32)
    # learned parameters: v-branch relational GNN + FF
    inp['Wr_v'] = jax.random.normal(ks[11], (R, D, D), dtype=jnp.float32) * s
    inp['Ws_v'] = jax.random.normal(ks[12], (D, D), dtype=jnp.float32) * s
    inp['bg_v'] = jnp.zeros((D,), dtype=jnp.float32)
    inp['W1_v'] = jax.random.normal(ks[13], (D, H), dtype=jnp.float32) * s
    inp['b1_v'] = jnp.zeros((H,), dtype=jnp.float32)
    inp['W2_v'] = jax.random.normal(ks[14], (H, 1), dtype=jnp.float32) * s
    inp['b2_v'] = jnp.zeros((1,), dtype=jnp.float32)
    return inp


def _rgn(x, src, dst, etype, Wr, Ws, bg):
    # relational message passing: per-relation node transform, gather by (etype, src),
    # degree-normalized scatter-add into dst, self-loop transform, relu
    hr = jnp.einsum('nd,rdh->rnh', x, Wr)          # [R, N, D]
    m = hr[etype, src]                              # [E, D] gather
    deg = jax.ops.segment_sum(jnp.ones((src.shape[0],), jnp.float32), dst, num_segments=N)
    agg = jax.ops.segment_sum(m, dst, num_segments=N) / jnp.clip(deg, 1.0)[:, None]
    return jax.nn.relu(agg + x @ Ws + bg)


def _ff(h, W1, b1, W2, b2):
    return jax.nn.relu(h @ W1 + b1) @ W2 + b2


def reference(node_feature, qs, normalized_score, edge_index, edge_type, node_type, graph_ids,
              Wr_w, Ws_w, bg_w, W1_w, b1_w, W2_w, b2_w,
              Wr_v, Ws_v, bg_v, W1_v, b1_v, W2_v, b2_v):
    src = edge_index[0]
    dst = edge_index[1]
    ally = (node_type == NODE_ALLY)
    # w branch
    w_emb = _rgn(node_feature, src, dst, edge_type, Wr_w, Ws_w, bg_w)
    w = jnp.abs(_ff(w_emb, W1_w, b1_w, W2_w, b2_w))            # [N, 1]
    # target_assignment_weight gather (computed but unused in original forward)
    _taw = normalized_score * ally[:, None].astype(jnp.float32)
    # mask to ally nodes, weighted per-agent qs, per-graph sum (dgl.sum_nodes)
    _qs = jnp.where(ally[:, None], w * qs[:, None], 0.0)
    q_tot = jax.ops.segment_sum(_qs, graph_ids, num_segments=G)  # [G, 1]
    # v branch
    v_emb = _rgn(node_feature, src, dst, edge_type, Wr_v, Ws_v, bg_v)
    v = _ff(v_emb, W1_v, b1_v, W2_v, b2_v)                      # [N, 1]
    _v = jnp.where(ally[:, None], v, 0.0)
    v_tot = jax.ops.segment_sum(_v, graph_ids, num_segments=G)   # [G, 1]
    q_tot = q_tot + v_tot
    return q_tot.reshape(-1)

if __name__ == "__main__":
    import jax
    _d = setup_inputs()
    print(jax.jit(kernel)(*tuple(_d.values())))

</pallas_src>

<mosaic_0001>
#map = affine_map<(d0, d1) -> (0, 0)>
module attributes {stable_mosaic.version = 14 : i64} {
  func.func @_edge_body(%arg0: i32, %arg1: i32, %arg2: memref<160000x64xf32, #tpu.memory_space<hbm>>, %arg3: memref<2560x128xi32, #tpu.memory_space<hbm>>, %arg4: memref<2560x128xi32, #tpu.memory_space<hbm>>, %arg5: memref<10240x64xf32, #tpu.memory_space<hbm>>, %arg6: memref<10240x16xf32, #tpu.memory_space<hbm>>, %arg7: memref<128x16xf32, #tpu.memory_space<hbm>>, %arg8: memref<20000x64xf32, #tpu.memory_space<hbm>>, %arg9: memref<20000x64xf32, #tpu.memory_space<hbm>>, %arg10: memref<20000x16xf32, #tpu.memory_space<hbm>>, %arg11: memref<10240x64xf32, #tpu.memory_space<vmem_shared>>, %arg12: memref<10240x16xf32, #tpu.memory_space<vmem_shared>>, %arg13: memref<160x128xi32, #tpu.memory_space<vmem>>, %arg14: memref<160x128xi32, #tpu.memory_space<vmem>>, %arg15: memref<128xi32, #tpu.memory_space<vmem>>, %arg16: memref<128xi32, #tpu.memory_space<vmem>>, %arg17: memref<128xi32, #tpu.memory_space<vmem>>, %arg18: memref<128xi32, #tpu.memory_space<vmem>>, %arg19: memref<128x64xf32, #tpu.memory_space<vmem>>, %arg20: memref<128x64xf32, #tpu.memory_space<vmem>>, %arg21: memref<128x64xf32, #tpu.memory_space<vmem>>, %arg22: memref<128x64xf32, #tpu.memory_space<vmem>>, %arg23: memref<128x16xf32, #tpu.memory_space<vmem>>, %arg24: memref<!tpu.dma_semaphore, #tpu.memory_space<semaphore_mem>>, %arg25: memref<!tpu.dma_semaphore, #tpu.memory_space<semaphore_mem>>, %arg26: memref<!tpu.dma_semaphore, #tpu.memory_space<semaphore_mem>>, %arg27: memref<!tpu.dma_semaphore, #tpu.memory_space<semaphore_mem>>) attributes {dimension_semantics = [#tpu.dimension_semantics<core_parallel>, #tpu.dimension_semantics<subcore_parallel>], iteration_bounds = array<i64: 2, 16>, scalar_prefetch = 0 : i64, scratch_operands = 17 : i64, tpu.core_type = #tpu.core_type<sc_vector_subcore>, window_params = [{transform_indices = #map}, {transform_indices = #map}, {transform_indices = #map}, {transform_indices = #map}, {transform_indices = #map}, {transform_indices = #map}, {transform_indices = #map}, {transform_indices = #map}, {transform_indices = #map}]} {
    %mul3A = arith.constant 640 : i32
    %mul3A_0 = arith.muli %arg1, %mul3A : i32
    %mul3A_1 = arith.constant 625 : i32
    %mul3A_2 = arith.muli %arg1, %mul3A_1 : i32
    %mul3A_3 = arith.constant 10000 : i32
    %mul3A_4 = arith.muli %arg0, %mul3A_3 : i32
    %add3A = arith.addi %mul3A_4, %mul3A_2 : i32
    %mul3A_5 = arith.constant 160 : i32
    %mul3A_6 = arith.muli %arg1, %mul3A_5 : i32
    "tpu.region"() ({
      %run_scoped3A = tpu.sem_alloc : memref<!tpu.dma_semaphore, #tpu.memory_space<semaphore_mem>>
      tpu.enqueue_dma source(%arg7 : memref<128x16xf32, #tpu.memory_space<hbm>>) target(%arg23 : memref<128x16xf32, #tpu.memory_space<vmem>>) target_semaphore(%run_scoped3A : memref<!tpu.dma_semaphore, #tpu.memory_space<semaphore_mem>>)
      tpu.wait_dma2 semaphore(%run_scoped3A : memref<!tpu.dma_semaphore, #tpu.memory_space<semaphore_mem>>) src(%arg7 : memref<128x16xf32, #tpu.memory_space<hbm>>) dst(%arg23 : memref<128x16xf32, #tpu.memory_space<vmem>>)
      tpu.yield
    }) : () -> ()
    "tpu.region"() ({
      %run_scoped3A = tpu.sem_alloc : memref<!tpu.dma_semaphore, #tpu.memory_space<semaphore_mem>>
      %dma_start3A_568 = arith.constant 0 : i32
      %dma_start3A_569 = tpu.memref_slice %arg3[%mul3A_6, %dma_start3A_568] : memref<2560x128xi32, #tpu.memory_space<hbm>> -> memref<160x128xi32, #tpu.memory_space<hbm>>
      %dma_start3A_570 = arith.constant 0 : i32
      %dma_start3A_571 = tpu.memref_slice %arg3[%mul3A_6, %dma_start3A_570] : memref<2560x128xi32, #tpu.memory_space<hbm>> -> memref<160x128xi32, #tpu.memory_space<hbm>>
      tpu.enqueue_dma source(%dma_start3A_571 : memref<160x128xi32, #tpu.memory_space<hbm>>) target(%arg13 : memref<160x128xi32, #tpu.memory_space<vmem>>) target_semaphore(%run_scoped3A : memref<!tpu.dma_semaphore, #tpu.memory_space<semaphore_mem>>)
      %dma_wait3A = arith.constant 0 : i32
      %dma_wait3A_572 = tpu.memref_slice %arg3[%mul3A_6, %dma_wait3A] : memref<2560x128xi32, #tpu.memory_space<hbm>> -> memref<160x128xi32, #tpu.memory_space<hbm>>
      %dma_wait3A_573 = arith.constant 0 : i32
      %dma_wait3A_574 = tpu.memref_slice %arg3[%mul3A_6, %dma_wait3A_573] : memref<2560x128xi32, #tpu.memory_space<hbm>> -> memref<160x128xi32, #tpu.memory_space<hbm>>
      tpu.wait_dma2 semaphore(%run_scoped3A : memref<!tpu.dma_semaphore, #tpu.memory_space<semaphore_mem>>) src(%dma_wait3A_574 : memref<160x128xi32, #tpu.memory_space<hbm>>) dst(%arg13 : memref<160x128xi32, #tpu.memory_space<vmem>>)
      tpu.yield
    }) : () -> ()
    "tpu.region"() ({
      %run_scoped3A = tpu.sem_alloc : memref<!tpu.dma_semaphore, #tpu.memory_space<semaphore_mem>>
      %dma_start3A_568 = arith.constant 0 : i32
      %dma_start3A_569 = tpu.memref_slice %arg4[%mul3A_6, %dma_start3A_568] : memref<2560x128xi32, #tpu.memory_space<hbm>> -> memref<160x128xi32, #tpu.memory_space<hbm>>
      %dma_start3A_570 = arith.constant 0 : i32
      %dma_start3A_571 = tpu.memref_slice %arg4[%mul3A_6, %dma_start3A_570] : memref<2560x128xi32, #tpu.memory_space<hbm>> -> memref<160x128xi32, #tpu.memory_space<hbm>>
      tpu.enqueue_dma source(%dma_start3A_571 : memref<160x128xi32, #tpu.memory_space<hbm>>) target(%arg14 : memref<160x128xi32, #tpu.memory_space<vmem>>) target_semaphore(%run_scoped3A : memref<!tpu.dma_semaphore, #tpu.memory_space<semaphore_mem>>)
      %dma_wait3A = arith.constant 0 : i32
      %dma_wait3A_572 = tpu.memref_slice %arg4[%mul3A_6, %dma_wait3A] : memref<2560x128xi32, #tpu.memory_space<hbm>> -> memref<160x128xi32, #tpu.memory_space<hbm>>
      %dma_wait3A_573 = arith.constant 0 : i32
      %dma_wait3A_574 = tpu.memref_slice %arg4[%mul3A_6, %dma_wait3A_573] : memref<2560x128xi32, #tpu.memory_space<hbm>> -> memref<160x128xi32, #tpu.memory_space<hbm>>
      tpu.wait_dma2 semaphore(%run_scoped3A : memref<!tpu.dma_semaphore, #tpu.memory_space<semaphore_mem>>) src(%dma_wait3A_574 : memref<160x128xi32, #tpu.memory_space<hbm>>) dst(%arg14 : memref<160x128xi32, #tpu.memory_space<vmem>>)
      tpu.yield
    }) : () -> ()
    "tpu.region"() ({
      %run_scoped3A = tpu.sem_alloc : memref<!tpu.dma_semaphore, #tpu.memory_space<semaphore_mem>>
      %dma_start3A_568 = arith.constant 0 : i32
      %dma_start3A_569 = tpu.memref_slice %arg11[%mul3A_0, %dma_start3A_568] : memref<10240x64xf32, #tpu.memory_space<vmem_shared>> -> memref<640x64xf32, #tpu.memory_space<vmem_shared>>
      %dma_start3A_570 = arith.constant 0 : i32
      %dma_start3A_571 = tpu.memref_slice %arg5[%mul3A_0, %dma_start3A_570] : memref<10240x64xf32, #tpu.memory_space<hbm>> -> memref<640x64xf32, #tpu.memory_space<hbm>>
      tpu.enqueue_dma source(%dma_start3A_571 : memref<640x64xf32, #tpu.memory_space<hbm>>) target(%dma_start3A_569 : memref<640x64xf32, #tpu.memory_space<vmem_shared>>) target_semaphore(%run_scoped3A : memref<!tpu.dma_semaphore, #tpu.memory_space<semaphore_mem>>)
      %dma_wait3A = arith.constant 0 : i32
      %dma_wait3A_572 = tpu.memref_slice %arg11[%mul3A_0, %dma_wait3A] : memref<10240x64xf32, #tpu.memory_space<vmem_shared>> -> memref<640x64xf32, #tpu.memory_space<vmem_shared>>
      %dma_wait3A_573 = arith.constant 0 : i32
      %dma_wait3A_574 = tpu.memref_slice %arg5[%mul3A_0, %dma_wait3A_573] : memref<10240x64xf32, #tpu.memory_space<hbm>> -> memref<640x64xf32, #tpu.memory_space<hbm>>
      tpu.wait_dma2 semaphore(%run_scoped3A : memref<!tpu.dma_semaphore, #tpu.memory_space<semaphore_mem>>) src(%dma_wait3A_574 : memref<640x64xf32, #tpu.memory_space<hbm>>) dst(%dma_wait3A_572 : memref<640x64xf32, #tpu.memory_space<vmem_shared>>)
      tpu.yield
    }) : () -> ()
    "tpu.region"() ({
      %run_scoped3A = tpu.sem_alloc : memref<!tpu.dma_semaphore, #tpu.memory_space<semaphore_mem>>
      %dma_start3A_568 = arith.constant 0 : i32
      %dma_start3A_569 = tpu.memref_slice %arg12[%mul3A_0, %dma_start3A_568] : memref<10240x16xf32, #tpu.memory_space<vmem_shared>> -> memref<640x16xf32, #tpu.memory_space<vmem_shared>>
      %dma_start3A_570 = arith.constant 0 : i32
      %dma_start3A_571 = tpu.memref_slice %arg6[%mul3A_0, %dma_start3A_570] : memref<10240x16xf32, #tpu.memory_space<hbm>> -> memref<640x16xf32, #tpu.memory_space<hbm>>
      tpu.enqueue_dma source(%dma_start3A_571 : memref<640x16xf32, #tpu.memory_space<hbm>>) target(%dma_start3A_569 : memref<640x16xf32, #tpu.memory_space<vmem_shared>>) target_semaphore(%run_scoped3A : memref<!tpu.dma_semaphore, #tpu.memory_space<semaphore_mem>>)
      %dma_wait3A = arith.constant 0 : i32
      %dma_wait3A_572 = tpu.memref_slice %arg12[%mul3A_0, %dma_wait3A] : memref<10240x16xf32, #tpu.memory_space<vmem_shared>> -> memref<640x16xf32, #tpu.memory_space<vmem_shared>>
      %dma_wait3A_573 = arith.constant 0 : i32
      %dma_wait3A_574 = tpu.memref_slice %arg6[%mul3A_0, %dma_wait3A_573] : memref<10240x16xf32, #tpu.memory_space<hbm>> -> memref<640x16xf32, #tpu.memory_space<hbm>>
      tpu.wait_dma2 semaphore(%run_scoped3A : memref<!tpu.dma_semaphore, #tpu.memory_space<semaphore_mem>>) src(%dma_wait3A_574 : memref<640x16xf32, #tpu.memory_space<hbm>>) dst(%dma_wait3A_572 : memref<640x16xf32, #tpu.memory_space<vmem_shared>>)
      tpu.yield
    }) : () -> ()
    %barrier3A = arith.constant 0 : index
    tpu.barrier barrier_id(%barrier3A)
    %add3A_7 = arith.constant 0 : i32
    %add3A_8 = arith.addi %add3A_7, %arg0 : i32
    %get3A = arith.constant 0 : i32
    %get3A_9 = arith.index_cast %get3A : i32 to index
    %get3A_10 = arith.constant 0 : index
    %get3A_11 = tpu.vector_load %arg13[%get3A_9, %get3A_10] {strides = array<i32>} : memref<160x128xi32, #tpu.memory_space<vmem>>, vector<1x16xi32>,
    %get3A_12 = vector.shape_cast %get3A_11 : vector<1x16xi32> to vector<16xi32>
    %add3A_13 = vector.broadcast %add3A_8 : i32 to vector<16xi32>
    %add3A_14 = arith.addi %get3A_12, %add3A_13 : vector<16xi32>
    %swap3A = arith.constant 0 : index
    %swap3A_15 = tpu.vector_load %arg15[%swap3A] {strides = array<i32>} : memref<128xi32, #tpu.memory_space<vmem>>, vector<16xi32>,
    %swap3A_16 = vector.shape_cast %swap3A_15 : vector<16xi32> to vector<16xi32>
    %swap3A_17 = vector.shape_cast %add3A_14 : vector<16xi32> to vector<16xi32>
    tpu.vector_store %arg15[%swap3A], %swap3A_17 {strides = array<i32>} : memref<128xi32, #tpu.memory_space<vmem>>, vector<16xi32>,
    %get3A_18 = arith.constant 0 : i32
    %get3A_19 = arith.index_cast %get3A_18 : i32 to index
    %get3A_20 = arith.constant 16 : index
    %get3A_21 = tpu.vector_load %arg13[%get3A_19, %get3A_20] {strides = array<i32>} : memref<160x128xi32, #tpu.memory_space<vmem>>, vector<1x16xi32>,
    %get3A_22 = vector.shape_cast %get3A_21 : vector<1x16xi32> to vector<16xi32>
    %add3A_23 = vector.broadcast %add3A_8 : i32 to vector<16xi32>
    %add3A_24 = arith.addi %get3A_22, %add3A_23 : vector<16xi32>
    %swap3A_25 = arith.constant 16 : index
    %swap3A_26 = tpu.vector_load %arg15[%swap3A_25] {strides = array<i32>} : memref<128xi32, #tpu.memory_space<vmem>>, vector<16xi32>,
    %swap3A_27 = vector.shape_cast %swap3A_26 : vector<16xi32> to vector<16xi32>
    %swap3A_28 = vector.shape_cast %add3A_24 : vector<16xi32> to vector<16xi32>
    tpu.vector_store %arg15[%swap3A_25], %swap3A_28 {strides = array<i32>} : memref<128xi32, #tpu.memory_space<vmem>>, vector<16xi32>,
    %get3A_29 = arith.constant 0 : i32
    %get3A_30 = arith.index_cast %get3A_29 : i32 to index
    %get3A_31 = arith.constant 32 : index
    %get3A_32 = tpu.vector_load %arg13[%get3A_30, %get3A_31] {strides = array<i32>} : memref<160x128xi32, #tpu.memory_space<vmem>>, vector<1x16xi32>,
    %get3A_33 = vector.shape_cast %get3A_32 : vector<1x16xi32> to vector<16xi32>
    %add3A_34 = vector.broadcast %add3A_8 : i32 to vector<16xi32>
    %add3A_35 = arith.addi %get3A_33, %add3A_34 : vector<16xi32>
    %swap3A_36 = arith.constant 32 : index
    %swap3A_37 = tpu.vector_load %arg15[%swap3A_36] {strides = array<i32>} : memref<128xi32, #tpu.memory_space<vmem>>, vector<16xi32>,
    %swap3A_38 = vector.shape_cast %swap3A_37 : vector<16xi32> to vector<16xi32>
    %swap3A_39 = vector.shape_cast %add3A_35 : vector<16xi32> to vector<16xi32>
    tpu.vector_store %arg15[%swap3A_36], %swap3A_39 {strides = array<i32>} : memref<128xi32, #tpu.memory_space<vmem>>, vector<16xi32>,
    %get3A_40 = arith.constant 0 : i32
    %get3A_41 = arith.index_cast %get3A_40 : i32 to index
    %get3A_42 = arith.constant 48 : index
    %get3A_43 = tpu.vector_load %arg13[%get3A_41, %get3A_42] {strides = array<i32>} : memref<160x128xi32, #tpu.memory_space<vmem>>, vector<1x16xi32>,
    %get3A_44 = vector.shape_cast %get3A_43 : vector<1x16xi32> to vector<16xi32>
    %add3A_45 = vector.broadcast %add3A_8 : i32 to vector<16xi32>
    %add3A_46 = arith.addi %get3A_44, %add3A_45 : vector<16xi32>
    %swap3A_47 = arith.constant 48 : index
    %swap3A_48 = tpu.vector_load %arg15[%swap3A_47] {strides = array<i32>} : memref<128xi32, #tpu.memory_space<vmem>>, vector<16xi32>,
    %swap3A_49 = vector.shape_cast %swap3A_48 : vector<16xi32> to vector<16xi32>
    %swap3A_50 = vector.shape_cast %add3A_46 : vector<16xi32> to vector<16xi32>
    tpu.vector_store %arg15[%swap3A_47], %swap3A_50 {strides = array<i32>} : memref<128xi32, #tpu.memory_space<vmem>>, vector<16xi32>,
    %get3A_51 = arith.constant 0 : i32
    %get3A_52 = arith.index_cast %get3A_51 : i32 to index
    %get3A_53 = arith.constant 64 : index
    %get3A_54 = tpu.vector_load %arg13[%get3A_52, %get3A_53] {strides = array<i32>} : memref<160x128xi32, #tpu.memory_space<vmem>>, vector<1x16xi32>,
    %get3A_55 = vector.shape_cast %get3A_54 : vector<1x16xi32> to vector<16xi32>
    %add3A_56 = vector.broadcast %add3A_8 : i32 to vector<16xi32>
    %add3A_57 = arith.addi %get3A_55, %add3A_56 : vector<16xi32>
    %swap3A_58 = arith.constant 64 : index
    %swap3A_59 = tpu.vector_load %arg15[%swap3A_58] {strides = array<i32>} : memref<128xi32, #tpu.memory_space<vmem>>, vector<16xi32>,
    %swap3A_60 = vector.shape_cast %swap3A_59 : vector<16xi32> to vector<16xi32>
    %swap3A_61 = vector.shape_cast %add3A_57 : vector<16xi32> to vector<16xi32>
    tpu.vector_store %arg15[%swap3A_58], %swap3A_61 {strides = array<i32>} : memref<128xi32, #tpu.memory_space<vmem>>, vector<16xi32>,
    %get3A_62 = arith.constant 0 : i32
    %get3A_63 = arith.index_cast %get3A_62 : i32 to index
    %get3A_64 = arith.constant 80 : index
    %get3A_65 = tpu.vector_load %arg13[%get3A_63, %get3A_64] {strides = array<i32>} : memref<160x128xi32, #tpu.memory_space<vmem>>, vector<1x16xi32>,
    %get3A_66 = vector.shape_cast %get3A_65 : vector<1x16xi32> to vector<16xi32>
    %add3A_67 = vector.broadcast %add3A_8 : i32 to vector<16xi32>
    %add3A_68 = arith.addi %get3A_66, %add3A_67 : vector<16xi32>
    %swap3A_69 = arith.constant 80 : index
    %swap3A_70 = tpu.vector_load %arg15[%swap3A_69] {strides = array<i32>} : memref<128xi32, #tpu.memory_space<vmem>>, vector<16xi32>,
    %swap3A_71 = vector.shape_cast %swap3A_70 : vector<16xi32> to vector<16xi32>
    %swap3A_72 = vector.shape_cast %add3A_68 : vector<16xi32> to vector<16xi32>
    tpu.vector_store %arg15[%swap3A_69], %swap3A_72 {strides = array<i32>} : memref<128xi32, #tpu.memory_space<vmem>>, vector<16xi32>,
    %get3A_73 = arith.constant 0 : i32
    %get3A_74 = arith.index_cast %get3A_73 : i32 to index
    %get3A_75 = arith.constant 96 : index
    %get3A_76 = tpu.vector_load %arg13[%get3A_74, %get3A_75] {strides = array<i32>} : memref<160x128xi32, #tpu.memory_space<vmem>>, vector<1x16xi32>,
    %get3A_77 = vector.shape_cast %get3A_76 : vector<1x16xi32> to vector<16xi32>
    %add3A_78 = vector.broadcast %add3A_8 : i32 to vector<16xi32>
    %add3A_79 = arith.addi %get3A_77, %add3A_78 : vector<16xi32>
    %swap3A_80 = arith.constant 96 : index
    %swap3A_81 = tpu.vector_load %arg15[%swap3A_80] {strides = array<i32>} : memref<128xi32, #tpu.memory_space<vmem>>, vector<16xi32>,
    %swap3A_82 = vector.shape_cast %swap3A_81 : vector<16xi32> to vector<16xi32>
    %swap3A_83 = vector.shape_cast %add3A_79 : vector<16xi32> to vector<16xi32>
    tpu.vector_store %arg15[%swap3A_80], %swap3A_83 {strides = array<i32>} : memref<128xi32, #tpu.memory_space<vmem>>, vector<16xi32>,
    %get3A_84 = arith.constant 0 : i32
    %get3A_85 = arith.index_cast %get3A_84 : i32 to index
    %get3A_86 = arith.constant 112 : index
    %get3A_87 = tpu.vector_load %arg13[%get3A_85, %get3A_86] {strides = array<i32>} : memref<160x128xi32, #tpu.memory_space<vmem>>, vector<1x16xi32>,
    %get3A_88 = vector.shape_cast %get3A_87 : vector<1x16xi32> to vector<16xi32>
    %add3A_89 = vector.broadcast %add3A_8 : i32 to vector<16xi32>
    %add3A_90 = arith.addi %get3A_88, %add3A_89 : vector<16xi32>
    %swap3A_91 = arith.constant 112 : index
    %swap3A_92 = tpu.vector_load %arg15[%swap3A_91] {strides = array<i32>} : memref<128xi32, #tpu.memory_space<vmem>>, vector<16xi32>,
    %swap3A_93 = vector.shape_cast %swap3A_92 : vector<16xi32> to vector<16xi32>
    %swap3A_94 = vector.shape_cast %add3A_90 : vector<16xi32> to vector<16xi32>
    tpu.vector_store %arg15[%swap3A_91], %swap3A_94 {strides = array<i32>} : memref<128xi32, #tpu.memory_space<vmem>>, vector<16xi32>,
    %dma_start3A = arith.constant 0 : i32
    %dma_start3A_95 = arith.constant 0 : i32
    %dma_start3A_96 = tpu.memref_slice %arg2[%dma_start3A, %dma_start3A_95] : memref<160000x64xf32, #tpu.memory_space<hbm>> -> memref<160000x64xf32, #tpu.memory_space<hbm>>
    tpu.enqueue_indirect_dma source(%dma_start3A_96 : memref<160000x64xf32, #tpu.memory_space<hbm>>) target(%arg19 : memref<128x64xf32, #tpu.memory_space<vmem>>) offsets(%arg15 : memref<128xi32, #tpu.memory_space<vmem>>) semaphore(%arg24 : memref<!tpu.dma_semaphore, #tpu.memory_space<semaphore_mem>>)
    %get3A_97 = arith.constant 1 : i32
    %get3A_98 = arith.index_cast %get3A_97 : i32 to index
    %get3A_99 = arith.constant 0 : index
    %get3A_100 = tpu.vector_load %arg13[%get3A_98, %get3A_99] {strides = array<i32>} : memref<160x128xi32, #tpu.memory_space<vmem>>, vector<1x16xi32>,
    %get3A_101 = vector.shape_cast %get3A_100 : vector<1x16xi32> to vector<16xi32>
    %add3A_102 = vector.broadcast %add3A_8 : i32 to vector<16xi32>
    %add3A_103 = arith.addi %get3A_101, %add3A_102 : vector<16xi32>
    %swap3A_104 = arith.constant 0 : index
    %swap3A_105 = tpu.vector_load %arg16[%swap3A_104] {strides = array<i32>} : memref<128xi32, #tpu.memory_space<vmem>>, vector<16xi32>,
    %swap3A_106 = vector.shape_cast %swap3A_105 : vector<16xi32> to vector<16xi32>
    %swap3A_107 = vector.shape_cast %add3A_103 : vector<16xi32> to vector<16xi32>
    tpu.vector_store %arg16[%swap3A_104], %swap3A_107 {strides = array<i32>} : memref<128xi32, #tpu.memory_space<vmem>>, vector<16xi32>,
    %get3A_108 = arith.constant 1 : i32
    %get3A_109 = arith.index_cast %get3A_108 : i32 to index
    %get3A_110 = arith.constant 16 : index
    %get3A_111 = tpu.vector_load %arg13[%get3A_109, %get3A_110] {strides = array<i32>} : memref<160x128xi32, #tpu.memory_space<vmem>>, vector<1x16xi32>,
    %get3A_112 = vector.shape_cast %get3A_111 : vector<1x16xi32> to vector<16xi32>
    %add3A_113 = vector.broadcast %add3A_8 : i32 to vector<16xi32>
    %add3A_114 = arith.addi %get3A_112, %add3A_113 : vector<16xi32>
    %swap3A_115 = arith.constant 16 : index
    %swap3A_116 = tpu.vector_load %arg16[%swap3A_115] {strides = array<i32>} : memref<128xi32, #tpu.memory_space<vmem>>, vector<16xi32>,
    %swap3A_117 = vector.shape_cast %swap3A_116 : vector<16xi32> to vector<16xi32>
    %swap3A_118 = vector.shape_cast %add3A_114 : vector<16xi32> to vector<16xi32>
    tpu.vector_store %arg16[%swap3A_115], %swap3A_118 {strides = array<i32>} : memref<128xi32, #tpu.memory_space<vmem>>, vector<16xi32>,
    %get3A_119 = arith.constant 1 : i32
    %get3A_120 = arith.index_cast %get3A_119 : i32 to index
    %get3A_121 = arith.constant 32 : index
    %get3A_122 = tpu.vector_load %arg13[%get3A_120, %get3A_121] {strides = array<i32>} : memref<160x128xi32, #tpu.memory_space<vmem>>, vector<1x16xi32>,
    %get3A_123 = vector.shape_cast %get3A_122 : vector<1x16xi32> to vector<16xi32>
    %add3A_124 = vector.broadcast %add3A_8 : i32 to vector<16xi32>
    %add3A_125 = arith.addi %get3A_123, %add3A_124 : vector<16xi32>
    %swap3A_126 = arith.constant 32 : index
    %swap3A_127 = tpu.vector_load %arg16[%swap3A_126] {strides = array<i32>} : memref<128xi32, #tpu.memory_space<vmem>>, vector<16xi32>,
    %swap3A_128 = vector.shape_cast %swap3A_127 : vector<16xi32> to vector<16xi32>
    %swap3A_129 = vector.shape_cast %add3A_125 : vector<16xi32> to vector<16xi32>
    tpu.vector_store %arg16[%swap3A_126], %swap3A_129 {strides = array<i32>} : memref<128xi32, #tpu.memory_space<vmem>>, vector<16xi32>,
    %get3A_130 = arith.constant 1 : i32
    %get3A_131 = arith.index_cast %get3A_130 : i32 to index
    %get3A_132 = arith.constant 48 : index
    %get3A_133 = tpu.vector_load %arg13[%get3A_131, %get3A_132] {strides = array<i32>} : memref<160x128xi32, #tpu.memory_space<vmem>>, vector<1x16xi32>,
    %get3A_134 = vector.shape_cast %get3A_133 : vector<1x16xi32> to vector<16xi32>
    %add3A_135 = vector.broadcast %add3A_8 : i32 to vector<16xi32>
    %add3A_136 = arith.addi %get3A_134, %add3A_135 : vector<16xi32>
    %swap3A_137 = arith.constant 48 : index
    %swap3A_138 = tpu.vector_load %arg16[%swap3A_137] {strides = array<i32>} : memref<128xi32, #tpu.memory_space<vmem>>, vector<16xi32>,
    %swap3A_139 = vector.shape_cast %swap3A_138 : vector<16xi32> to vector<16xi32>
    %swap3A_140 = vector.shape_cast %add3A_136 : vector<16xi32> to vector<16xi32>
    tpu.vector_store %arg16[%swap3A_137], %swap3A_140 {strides = array<i32>} : memref<128xi32, #tpu.memory_space<vmem>>, vector<16xi32>,
    %get3A_141 = arith.constant 1 : i32
    %get3A_142 = arith.index_cast %get3A_141 : i32 to index
    %get3A_143 = arith.constant 64 : index
    %get3A_144 = tpu.vector_load %arg13[%get3A_142, %get3A_143] {strides = array<i32>} : memref<160x128xi32, #tpu.memory_space<vmem>>, vector<1x16xi32>,
    %get3A_145 = vector.shape_cast %get3A_144 : vector<1x16xi32> to vector<16xi32>
    %add3A_146 = vector.broadcast %add3A_8 : i32 to vector<16xi32>
    %add3A_147 = arith.addi %get3A_145, %add3A_146 : vector<16xi32>
    %swap3A_148 = arith.constant 64 : index
    %swap3A_149 = tpu.vector_load %arg16[%swap3A_148] {strides = array<i32>} : memref<128xi32, #tpu.memory_space<vmem>>, vector<16xi32>,
    %swap3A_150 = vector.shape_cast %swap3A_149 : vector<16xi32> to vector<16xi32>
    %swap3A_151 = vector.shape_cast %add3A_147 : vector<16xi32> to vector<16xi32>
    tpu.vector_store %arg16[%swap3A_148], %swap3A_151 {strides = array<i32>} : memref<128xi32, #tpu.memory_space<vmem>>, vector<16xi32>,
    %get3A_152 = arith.constant 1 : i32
    %get3A_153 = arith.index_cast %get3A_152 : i32 to index
    %get3A_154 = arith.constant 80 : index
    %get3A_155 = tpu.vector_load %arg13[%get3A_153, %get3A_154] {strides = array<i32>} : memref<160x128xi32, #tpu.memory_space<vmem>>, vector<1x16xi32>,
    %get3A_156 = vector.shape_cast %get3A_155 : vector<1x16xi32> to vector<16xi32>
    %add3A_157 = vector.broadcast %add3A_8 : i32 to vector<16xi32>
    %add3A_158 = arith.addi %get3A_156, %add3A_157 : vector<16xi32>
    %swap3A_159 = arith.constant 80 : index
    %swap3A_160 = tpu.vector_load %arg16[%swap3A_159] {strides = array<i32>} : memref<128xi32, #tpu.memory_space<vmem>>, vector<16xi32>,
    %swap3A_161 = vector.shape_cast %swap3A_160 : vector<16xi32> to vector<16xi32>
    %swap3A_162 = vector.shape_cast %add3A_158 : vector<16xi32> to vector<16xi32>
    tpu.vector_store %arg16[%swap3A_159], %swap3A_162 {strides = array<i32>} : memref<128xi32, #tpu.memory_space<vmem>>, vector<16xi32>,
    %get3A_163 = arith.constant 1 : i32
    %get3A_164 = arith.index_cast %get3A_163 : i32 to index
    %get3A_165 = arith.constant 96 : index
    %get3A_166 = tpu.vector_load %arg13[%get3A_164, %get3A_165] {strides = array<i32>} : memref<160x128xi32, #tpu.memory_space<vmem>>, vector<1x16xi32>,
    %get3A_167 = vector.shape_cast %get3A_166 : vector<1x16xi32> to vector<16xi32>
    %add3A_168 = vector.broadcast %add3A_8 : i32 to vector<16xi32>
    %add3A_169 = arith.addi %get3A_167, %add3A_168 : vector<16xi32>
    %swap3A_170 = arith.constant 96 : index
    %swap3A_171 = tpu.vector_load %arg16[%swap3A_170] {strides = array<i32>} : memref<128xi32, #tpu.memory_space<vmem>>, vector<16xi32>,
    %swap3A_172 = vector.shape_cast %swap3A_171 : vector<16xi32> to vector<16xi32>
    %swap3A_173 = vector.shape_cast %add3A_169 : vector<16xi32> to vector<16xi32>
    tpu.vector_store %arg16[%swap3A_170], %swap3A_173 {strides = array<i32>} : memref<128xi32, #tpu.memory_space<vmem>>, vector<16xi32>,
    %get3A_174 = arith.constant 1 : i32
    %get3A_175 = arith.index_cast %get3A_174 : i32 to index
    %get3A_176 = arith.constant 112 : index
    %get3A_177 = tpu.vector_load %arg13[%get3A_175, %get3A_176] {strides = array<i32>} : memref<160x128xi32, #tpu.memory_space<vmem>>, vector<1x16xi32>,
    %get3A_178 = vector.shape_cast %get3A_177 : vector<1x16xi32> to vector<16xi32>
    %add3A_179 = vector.broadcast %add3A_8 : i32 to vector<16xi32>
    %add3A_180 = arith.addi %get3A_178, %add3A_179 : vector<16xi32>
    %swap3A_181 = arith.constant 112 : index
    %swap3A_182 = tpu.vector_load %arg16[%swap3A_181] {strides = array<i32>} : memref<128xi32, #tpu.memory_space<vmem>>, vector<16xi32>,
    %swap3A_183 = vector.shape_cast %swap3A_182 : vector<16xi32> to vector<16xi32>
    %swap3A_184 = vector.shape_cast %add3A_180 : vector<16xi32> to vector<16xi32>
    tpu.vector_store %arg16[%swap3A_181], %swap3A_184 {strides = array<i32>} : memref<128xi32, #tpu.memory_space<vmem>>, vector<16xi32>,
    %dma_start3A_185 = arith.constant 0 : i32
    %dma_start3A_186 = arith.constant 0 : i32
    %dma_start3A_187 = tpu.memref_slice %arg2[%dma_start3A_185, %dma_start3A_186] : memref<160000x64xf32, #tpu.memory_space<hbm>> -> memref<160000x64xf32, #tpu.memory_space<hbm>>
    tpu.enqueue_indirect_dma source(%dma_start3A_187 : memref<160000x64xf32, #tpu.memory_space<hbm>>) target(%arg20 : memref<128x64xf32, #tpu.memory_space<vmem>>) offsets(%arg16 : memref<128xi32, #tpu.memory_space<vmem>>) semaphore(%arg25 : memref<!tpu.dma_semaphore, #tpu.memory_space<semaphore_mem>>)
    %get3A_188 = arith.constant 2 : i32
    %get3A_189 = arith.index_cast %get3A_188 : i32 to index
    %get3A_190 = arith.constant 0 : index
    %get3A_191 = tpu.vector_load %arg13[%get3A_189, %get3A_190] {strides = array<i32>} : memref<160x128xi32, #tpu.memory_space<vmem>>, vector<1x16xi32>,
    %get3A_192 = vector.shape_cast %get3A_191 : vector<1x16xi32> to vector<16xi32>
    %add3A_193 = vector.broadcast %add3A_8 : i32 to vector<16xi32>
    %add3A_194 = arith.addi %get3A_192, %add3A_193 : vector<16xi32>
    %swap3A_195 = arith.constant 0 : index
    %swap3A_196 = tpu.vector_load %arg17[%swap3A_195] {strides = array<i32>} : memref<128xi32, #tpu.memory_space<vmem>>, vector<16xi32>,
    %swap3A_197 = vector.shape_cast %swap3A_196 : vector<16xi32> to vector<16xi32>
    %swap3A_198 = vector.shape_cast %add3A_194 : vector<16xi32> to vector<16xi32>
    tpu.vector_store %arg17[%swap3A_195], %swap3A_198 {strides = array<i32>} : memref<128xi32, #tpu.memory_space<vmem>>, vector<16xi32>,
    %get3A_199 = arith.constant 2 : i32
    %get3A_200 = arith.index_cast %get3A_199 : i32 to index
    %get3A_201 = arith.constant 16 : index
    %get3A_202 = tpu.vector_load %arg13[%get3A_200, %get3A_201] {strides = array<i32>} : memref<160x128xi32, #tpu.memory_space<vmem>>, vector<1x16xi32>,
    %get3A_203 = vector.shape_cast %get3A_202 : vector<1x16xi32> to vector<16xi32>
    %add3A_204 = vector.broadcast %add3A_8 : i32 to vector<16xi32>
    %add3A_205 = arith.addi %get3A_203, %add3A_204 : vector<16xi32>
    %swap3A_206 = arith.constant 16 : index
    %swap3A_207 = tpu.vector_load %arg17[%swap3A_206] {strides = array<i32>} : memref<128xi32, #tpu.memory_space<vmem>>, vector<16xi32>,
    %swap3A_208 = vector.shape_cast %swap3A_207 : vector<16xi32> to vector<16xi32>
    %swap3A_209 = vector.shape_cast %add3A_205 : vector<16xi32> to vector<16xi32>
    tpu.vector_store %arg17[%swap3A_206], %swap3A_209 {strides = array<i32>} : memref<128xi32, #tpu.memory_space<vmem>>, vector<16xi32>,
    %get3A_210 = arith.constant 2 : i32
    %get3A_211 = arith.index_cast %get3A_210 : i32 to index
    %get3A_212 = arith.constant 32 : index
    %get3A_213 = tpu.vector_load %arg13[%get3A_211, %get3A_212] {strides = array<i32>} : memref<160x128xi32, #tpu.memory_space<vmem>>, vector<1x16xi32>,
    %get3A_214 = vector.shape_cast %get3A_213 : vector<1x16xi32> to vector<16xi32>
    %add3A_215 = vector.broadcast %add3A_8 : i32 to vector<16xi32>
    %add3A_216 = arith.addi %get3A_214, %add3A_215 : vector<16xi32>
    %swap3A_217 = arith.constant 32 : index
    %swap3A_218 = tpu.vector_load %arg17[%swap3A_217] {strides = array<i32>} : memref<128xi32, #tpu.memory_space<vmem>>, vector<16xi32>,
    %swap3A_219 = vector.shape_cast %swap3A_218 : vector<16xi32> to vector<16xi32>
    %swap3A_220 = vector.shape_cast %add3A_216 : vector<16xi32> to vector<16xi32>
    tpu.vector_store %arg17[%swap3A_217], %swap3A_220 {strides = array<i32>} : memref<128xi32, #tpu.memory_space<vmem>>, vector<16xi32>,
    %get3A_221 = arith.constant 2 : i32
    %get3A_222 = arith.index_cast %get3A_221 : i32 to index
    %get3A_223 = arith.constant 48 : index
    %get3A_224 = tpu.vector_load %arg13[%get3A_222, %get3A_223] {strides = array<i32>} : memref<160x128xi32, #tpu.memory_space<vmem>>, vector<1x16xi32>,
    %get3A_225 = vector.shape_cast %get3A_224 : vector<1x16xi32> to vector<16xi32>
    %add3A_226 = vector.broadcast %add3A_8 : i32 to vector<16xi32>
    %add3A_227 = arith.addi %get3A_225, %add3A_226 : vector<16xi32>
    %swap3A_228 = arith.constant 48 : index
    %swap3A_229 = tpu.vector_load %arg17[%swap3A_228] {strides = array<i32>} : memref<128xi32, #tpu.memory_space<vmem>>, vector<16xi32>,
    %swap3A_230 = vector.shape_cast %swap3A_229 : vector<16xi32> to vector<16xi32>
    %swap3A_231 = vector.shape_cast %add3A_227 : vector<16xi32> to vector<16xi32>
    tpu.vector_store %arg17[%swap3A_228], %swap3A_231 {strides = array<i32>} : memref<128xi32, #tpu.memory_space<vmem>>, vector<16xi32>,
    %get3A_232 = arith.constant 2 : i32
    %get3A_233 = arith.index_cast %get3A_232 : i32 to index
    %get3A_234 = arith.constant 64 : index
    %get3A_235 = tpu.vector_load %arg13[%get3A_233, %get3A_234] {strides = array<i32>} : memref<160x128xi32, #tpu.memory_space<vmem>>, vector<1x16xi32>,
    %get3A_236 = vector.shape_cast %get3A_235 : vector<1x16xi32> to vector<16xi32>
    %add3A_237 = vector.broadcast %add3A_8 : i32 to vector<16xi32>
    %add3A_238 = arith.addi %get3A_236, %add3A_237 : vector<16xi32>
    %swap3A_239 = arith.constant 64 : index
    %swap3A_240 = tpu.vector_load %arg17[%swap3A_239] {strides = array<i32>} : memref<128xi32, #tpu.memory_space<vmem>>, vector<16xi32>,
    %swap3A_241 = vector.shape_cast %swap3A_240 : vector<16xi32> to vector<16xi32>
    %swap3A_242 = vector.shape_cast %add3A_238 : vector<16xi32> to vector<16xi32>
    tpu.vector_store %arg17[%swap3A_239], %swap3A_242 {strides = array<i32>} : memref<128xi32, #tpu.memory_space<vmem>>, vector<16xi32>,
    %get3A_243 = arith.constant 2 : i32
    %get3A_244 = arith.index_cast %get3A_243 : i32 to index
    %get3A_245 = arith.constant 80 : index
    %get3A_246 = tpu.vector_load %arg13[%get3A_244, %get3A_245] {strides = array<i32>} : memref<160x128xi32, #tpu.memory_space<vmem>>, vector<1x16xi32>,
    %get3A_247 = vector.shape_cast %get3A_246 : vector<1x16xi32> to vector<16xi32>
    %add3A_248 = vector.broadcast %add3A_8 : i32 to vector<16xi32>
    %add3A_249 = arith.addi %get3A_247, %add3A_248 : vector<16xi32>
    %swap3A_250 = arith.constant 80 : index
    %swap3A_251 = tpu.vector_load %arg17[%swap3A_250] {strides = array<i32>} : memref<128xi32, #tpu.memory_space<vmem>>, vector<16xi32>,
    %swap3A_252 = vector.shape_cast %swap3A_251 : vector<16xi32> to vector<16xi32>
    %swap3A_253 = vector.shape_cast %add3A_249 : vector<16xi32> to vector<16xi32>
    tpu.vector_store %arg17[%swap3A_250], %swap3A_253 {strides = array<i32>} : memref<128xi32, #tpu.memory_space<vmem>>, vector<16xi32>,
    %get3A_254 = arith.constant 2 : i32
    %get3A_255 = arith.index_cast %get3A_254 : i32 to index
    %get3A_256 = arith.constant 96 : index
    %get3A_257 = tpu.vector_load %arg13[%get3A_255, %get3A_256] {strides = array<i32>} : memref<160x128xi32, #tpu.memory_space<vmem>>, vector<1x16xi32>,
    %get3A_258 = vector.shape_cast %get3A_257 : vector<1x16xi32> to vector<16xi32>
    %add3A_259 = vector.broadcast %add3A_8 : i32 to vector<16xi32>
    %add3A_260 = arith.addi %get3A_258, %add3A_259 : vector<16xi32>
    %swap3A_261 = arith.constant 96 : index
    %swap3A_262 = tpu.vector_load %arg17[%swap3A_261] {strides = array<i32>} : memref<128xi32, #tpu.memory_space<vmem>>, vector<16xi32>,
    %swap3A_263 = vector.shape_cast %swap3A_262 : vector<16xi32> to vector<16xi32>
    %swap3A_264 = vector.shape_cast %add3A_260 : vector<16xi32> to vector<16xi32>
    tpu.vector_store %arg17[%swap3A_261], %swap3A_264 {strides = array<i32>} : memref<128xi32, #tpu.memory_space<vmem>>, vector<16xi32>,
    %get3A_265 = arith.constant 2 : i32
    %get3A_266 = arith.index_cast %get3A_265 : i32 to index
    %get3A_267 = arith.constant 112 : index
    %get3A_268 = tpu.vector_load %arg13[%get3A_266, %get3A_267] {strides = array<i32>} : memref<160x128xi32, #tpu.memory_space<vmem>>, vector<1x16xi32>,
    %get3A_269 = vector.shape_cast %get3A_268 : vector<1x16xi32> to vector<16xi32>
    %add3A_270 = vector.broadcast %add3A_8 : i32 to vector<16xi32>
    %add3A_271 = arith.addi %get3A_269, %add3A_270 : vector<16xi32>
    %swap3A_272 = arith.constant 112 : index
    %swap3A_273 = tpu.vector_load %arg17[%swap3A_272] {strides = array<i32>} : memref<128xi32, #tpu.memory_space<vmem>>, vector<16xi32>,
    %swap3A_274 = vector.shape_cast %swap3A_273 : vector<16xi32> to vector<16xi32>
    %swap3A_275 = vector.shape_cast %add3A_271 : vector<16xi32> to vector<16xi32>
    tpu.vector_store %arg17[%swap3A_272], %swap3A_275 {strides = array<i32>} : memref<128xi32, #tpu.memory_space<vmem>>, vector<16xi32>,
    %dma_start3A_276 = arith.constant 0 : i32
    %dma_start3A_277 = arith.constant 0 : i32
    %dma_start3A_278 = tpu.memref_slice %arg2[%dma_start3A_276, %dma_start3A_277] : memref<160000x64xf32, #tpu.memory_space<hbm>> -> memref<160000x64xf32, #tpu.memory_space<hbm>>
    tpu.enqueue_indirect_dma source(%dma_start3A_278 : memref<160000x64xf32, #tpu.memory_space<hbm>>) target(%arg21 : memref<128x64xf32, #tpu.memory_space<vmem>>) offsets(%arg17 : memref<128xi32, #tpu.memory_space<vmem>>) semaphore(%arg26 : memref<!tpu.dma_semaphore, #tpu.memory_space<semaphore_mem>>)
    %scan3A = arith.constant 0 : i32
    %scan3A_279 = arith.constant 0 : i32
    %scan3A_280 = arith.constant 40 : i32
    %scan3A_281 = arith.addi %scan3A_279, %scan3A_280 : i32
    %scan3A_282 = arith.constant 1 : i32
    scf.for %scan3A_568 = %scan3A_279 to %scan3A_281 step %scan3A_282  : i32 {
      %mul3A_569 = arith.constant 4 : i32
      %mul3A_570 = arith.muli %scan3A_568, %mul3A_569 : i32
      %add3A_571 = arith.constant 0 : i32
      %add3A_572 = arith.addi %mul3A_570, %add3A_571 : i32
      %add3A_573 = arith.constant 4 : i32
      %add3A_574 = arith.addi %add3A_572, %add3A_573 : i32
      %sub3A = arith.constant 1 : i32
      %sub3A_575 = arith.subi %add3A_574, %sub3A : i32
      %lt3A = arith.constant 160 : i32
      %lt3A_576 = arith.cmpi slt, %sub3A_575, %lt3A : i32
      %convert_element_type3A = arith.extui %lt3A_576 : i1 to i32
      %cond3A = arith.constant 0 : i32
      %cond3A_577 = arith.cmpi ne, %convert_element_type3A, %cond3A : i32
      scf.if %cond3A_577 {
        %add3A_661 = arith.constant 4 : i32
        %add3A_662 = arith.addi %add3A_572, %add3A_661 : i32
        %sub3A_663 = arith.constant 1 : i32
        %sub3A_664 = arith.subi %add3A_662, %sub3A_663 : i32
        %get3A_665 = arith.index_cast %sub3A_664 : i32 to index
        %get3A_666 = arith.constant 0 : index
        %get3A_667 = tpu.vector_load %arg13[%get3A_665, %get3A_666] {strides = array<i32>} : memref<160x128xi32, #tpu.memory_space<vmem>>, vector<1x16xi32>,
        %get3A_668 = vector.shape_cast %get3A_667 : vector<1x16xi32> to vector<16xi32>
        %add3A_669 = vector.broadcast %add3A_8 : i32 to vector<16xi32>
        %add3A_670 = arith.addi %get3A_668, %add3A_669 : vector<16xi32>
        %swap3A_671 = arith.constant 0 : index
        %swap3A_672 = tpu.vector_load %arg18[%swap3A_671] {strides = array<i32>} : memref<128xi32, #tpu.memory_space<vmem>>, vector<16xi32>,
        %swap3A_673 = vector.shape_cast %swap3A_672 : vector<16xi32> to vector<16xi32>
        %swap3A_674 = vector.shape_cast %add3A_670 : vector<16xi32> to vector<16xi32>
        tpu.vector_store %arg18[%swap3A_671], %swap3A_674 {strides = array<i32>} : memref<128xi32, #tpu.memory_space<vmem>>, vector<16xi32>,
        %get3A_675 = arith.index_cast %sub3A_664 : i32 to index
        %get3A_676 = arith.constant 16 : index
        %get3A_677 = tpu.vector_load %arg13[%get3A_675, %get3A_676] {strides = array<i32>} : memref<160x128xi32, #tpu.memory_space<vmem>>, vector<1x16xi32>,
        %get3A_678 = vector.shape_cast %get3A_677 : vector<1x16xi32> to vector<16xi32>
        %add3A_679 = vector.broadcast %add3A_8 : i32 to vector<16xi32>
        %add3A_680 = arith.addi %get3A_678, %add3A_679 : vector<16xi32>
        %swap3A_681 = arith.constant 16 : index
        %swap3A_682 = tpu.vector_load %arg18[%swap3A_681] {strides = array<i32>} : memref<128xi32, #tpu.memory_space<vmem>>, vector<16xi32>,
        %swap3A_683 = vector.shape_cast %swap3A_682 : vector<16xi32> to vector<16xi32>
        %swap3A_684 = vector.shape_cast %add3A_680 : vector<16xi32> to vector<16xi32>
        tpu.vector_store %arg18[%swap3A_681], %swap3A_684 {strides = array<i32>} : memref<128xi32, #tpu.memory_space<vmem>>, vector<16xi32>,
        %get3A_685 = arith.index_cast %sub3A_664 : i32 to index
        %get3A_686 = arith.constant 32 : index
        %get3A_687 = tpu.vector_load %arg13[%get3A_685, %get3A_686] {strides = array<i32>} : memref<160x128xi32, #tpu.memory_space<vmem>>, vector<1x16xi32>,
        %get3A_688 = vector.shape_cast %get3A_687 : vector<1x16xi32> to vector<16xi32>
        %add3A_689 = vector.broadcast %add3A_8 : i32 to vector<16xi32>
        %add3A_690 = arith.addi %get3A_688, %add3A_689 : vector<16xi32>
        %swap3A_691 = arith.constant 32 : index
        %swap3A_692 = tpu.vector_load %arg18[%swap3A_691] {strides = array<i32>} : memref<128xi32, #tpu.memory_space<vmem>>, vector<16xi32>,
        %swap3A_693 = vector.shape_cast %swap3A_692 : vector<16xi32> to vector<16xi32>
        %swap3A_694 = vector.shape_cast %add3A_690 : vector<16xi32> to vector<16xi32>
        tpu.vector_store %arg18[%swap3A_691], %swap3A_694 {strides = array<i32>} : memref<128xi32, #tpu.memory_space<vmem>>, vector<16xi32>,
        %get3A_695 = arith.index_cast %sub3A_664 : i32 to index
        %get3A_696 = arith.constant 48 : index
        %get3A_697 = tpu.vector_load %arg13[%get3A_695, %get3A_696] {strides = array<i32>} : memref<160x128xi32, #tpu.memory_space<vmem>>, vector<1x16xi32>,
        %get3A_698 = vector.shape_cast %get3A_697 : vector<1x16xi32> to vector<16xi32>
        %add3A_699 = vector.broadcast %add3A_8 : i32 to vector<16xi32>
        %add3A_700 = arith.addi %get3A_698, %add3A_699 : vector<16xi32>
        %swap3A_701 = arith.constant 48 : index
        %swap3A_702 = tpu.vector_load %arg18[%swap3A_701] {strides = array<i32>} : memref<128xi32, #tpu.memory_space<vmem>>, vector<16xi32>,
        %swap3A_703 = vector.shape_cast %swap3A_702 : vector<16xi32> to vector<16xi32>
        %swap3A_704 = vector.shape_cast %add3A_700 : vector<16xi32> to vector<16xi32>
        tpu.vector_store %arg18[%swap3A_701], %swap3A_704 {strides = array<i32>} : memref<128xi32, #tpu.memory_space<vmem>>, vector<16xi32>,
        %get3A_705 = arith.index_cast %sub3A_664 : i32 to index
        %get3A_706 = arith.constant 64 : index
        %get3A_707 = tpu.vector_load %arg13[%get3A_705, %get3A_706] {strides = array<i32>} : memref<160x128xi32, #tpu.memory_space<vmem>>, vector<1x16xi32>,
        %get3A_708 = vector.shape_cast %get3A_707 : vector<1x16xi32> to vector<16xi32>
        %add3A_709 = vector.broadcast %add3A_8 : i32 to vector<16xi32>
        %add3A_710 = arith.addi %get3A_708, %add3A_709 : vector<16xi32>
        %swap3A_711 = arith.constant 64 : index
        %swap3A_712 = tpu.vector_load %arg18[%swap3A_711] {strides = array<i32>} : memref<128xi32, #tpu.memory_space<vmem>>, vector<16xi32>,
        %swap3A_713 = vector.shape_cast %swap3A_712 : vector<16xi32> to vector<16xi32>
        %swap3A_714 = vector.shape_cast %add3A_710 : vector<16xi32> to vector<16xi32>
        tpu.vector_store %arg18[%swap3A_711], %swap3A_714 {strides = array<i32>} : memref<128xi32, #tpu.memory_space<vmem>>, vector<16xi32>,
        %get3A_715 = arith.index_cast %sub3A_664 : i32 to index
        %get3A_716 = arith.constant 80 : index
        %get3A_717 = tpu.vector_load %arg13[%get3A_715, %get3A_716] {strides = array<i32>} : memref<160x128xi32, #tpu.memory_space<vmem>>, vector<1x16xi32>,
        %get3A_718 = vector.shape_cast %get3A_717 : vector<1x16xi32> to vector<16xi32>
        %add3A_719 = vector.broadcast %add3A_8 : i32 to vector<16xi32>
        %add3A_720 = arith.addi %get3A_718, %add3A_719 : vector<16xi32>
        %swap3A_721 = arith.constant 80 : index
        %swap3A_722 = tpu.vector_load %arg18[%swap3A_721] {strides = array<i32>} : memref<128xi32, #tpu.memory_space<vmem>>, vector<16xi32>,
        %swap3A_723 = vector.shape_cast %swap3A_722 : vector<16xi32> to vector<16xi32>
        %swap3A_724 = vector.shape_cast %add3A_720 : vector<16xi32> to vector<16xi32>
        tpu.vector_store %arg18[%swap3A_721], %swap3A_724 {strides = array<i32>} : memref<128xi32, #tpu.memory_space<vmem>>, vector<16xi32>,
        %get3A_725 = arith.index_cast %sub3A_664 : i32 to index
        %get3A_726 = arith.constant 96 : index
        %get3A_727 = tpu.vector_load %arg13[%get3A_725, %get3A_726] {strides = array<i32>} : memref<160x128xi32, #tpu.memory_space<vmem>>, vector<1x16xi32>,
        %get3A_728 = vector.shape_cast %get3A_727 : vector<1x16xi32> to vector<16xi32>
        %add3A_729 = vector.broadcast %add3A_8 : i32 to vector<16xi32>
        %add3A_730 = arith.addi %get3A_728, %add3A_729 : vector<16xi32>
        %swap3A_731 = arith.constant 96 : index
        %swap3A_732 = tpu.vector_load %arg18[%swap3A_731] {strides = array<i32>} : memref<128xi32, #tpu.memory_space<vmem>>, vector<16xi32>,
        %swap3A_733 = vector.shape_cast %swap3A_732 : vector<16xi32> to vector<16xi32>
        %swap3A_734 = vector.shape_cast %add3A_730 : vector<16xi32> to vector<16xi32>
        tpu.vector_store %arg18[%swap3A_731], %swap3A_734 {strides = array<i32>} : memref<128xi32, #tpu.memory_space<vmem>>, vector<16xi32>,
        %get3A_735 = arith.index_cast %sub3A_664 : i32 to index
        %get3A_736 = arith.constant 112 : index
        %get3A_737 = tpu.vector_load %arg13[%get3A_735, %get3A_736] {strides = array<i32>} : memref<160x128xi32, #tpu.memory_space<vmem>>, vector<1x16xi32>,
        %get3A_738 = vector.shape_cast %get3A_737 : vector<1x16xi32> to vector<16xi32>
        %add3A_739 = vector.broadcast %add3A_8 : i32 to vector<16xi32>
        %add3A_740 = arith.addi %get3A_738, %add3A_739 : vector<16xi32>
        %swap3A_741 = arith.constant 112 : index
        %swap3A_742 = tpu.vector_load %arg18[%swap3A_741] {strides = array<i32>} : memref<128xi32, #tpu.memory_space<vmem>>, vector<16xi32>,
        %swap3A_743 = vector.shape_cast %swap3A_742 : vector<16xi32> to vector<16xi32>
        %swap3A_744 = vector.shape_cast %add3A_740 : vector<16xi32> to vector<16xi32>
        tpu.vector_store %arg18[%swap3A_741], %swap3A_744 {strides = array<i32>} : memref<128xi32, #tpu.memory_space<vmem>>, vector<16xi32>,
        %dma_start3A_745 = arith.constant 0 : i32
        %dma_start3A_746 = arith.constant 0 : i32
        %dma_start3A_747 = tpu.memref_slice %arg2[%dma_start3A_745, %dma_start3A_746] : memref<160000x64xf32, #tpu.memory_space<hbm>> -> memref<160000x64xf32, #tpu.memory_space<hbm>>
        tpu.enqueue_indirect_dma source(%dma_start3A_747 : memref<160000x64xf32, #tpu.memory_space<hbm>>) target(%arg22 : memref<128x64xf32, #tpu.memory_space<vmem>>) offsets(%arg18 : memref<128xi32, #tpu.memory_space<vmem>>) semaphore(%arg27 : memref<!tpu.dma_semaphore, #tpu.memory_space<semaphore_mem>>)
      } else {
      }
      %dma_wait3A = arith.constant 0 : i32
      %dma_wait3A_578 = arith.constant 0 : i32
      %dma_wait3A_579 = tpu.memref_slice %arg2[%dma_wait3A, %dma_wait3A_578] : memref<160000x64xf32, #tpu.memory_space<hbm>> -> memref<160000x64xf32, #tpu.memory_space<hbm>>
      tpu.wait_indirect_dma semaphore(%arg24 : memref<!tpu.dma_semaphore, #tpu.memory_space<semaphore_mem>>) src(%dma_wait3A_579 : memref<160000x64xf32, #tpu.memory_space<hbm>>) dst(%arg19 : memref<128x64xf32, #tpu.memory_space<vmem>>)
      "tpu.region"() ({
        %run_scoped3A = tpu.sem_alloc : memref<!tpu.dma_semaphore, #tpu.memory_space<semaphore_mem>>
        %dma_start3A_661 = arith.constant 0 : i32
        %dma_start3A_662 = tpu.memref_slice %arg14[%add3A_572, %dma_start3A_661] : memref<160x128xi32, #tpu.memory_space<vmem>> -> memref<1x128xi32, #tpu.memory_space<vmem>>
        %dma_start3A_663 = tpu.memref_squeeze %dma_start3A_662 : memref<1x128xi32, #tpu.memory_space<vmem>> -> memref<128xi32, #tpu.memory_space<vmem>>
        %dma_start3A_664 = arith.constant 0 : i32
        %dma_start3A_665 = arith.constant 0 : i32
        %dma_start3A_666 = tpu.memref_slice %arg11[%dma_start3A_664, %dma_start3A_665] : memref<10240x64xf32, #tpu.memory_space<vmem_shared>> -> memref<10240x64xf32, #tpu.memory_space<vmem_shared>>
        tpu.enqueue_indirect_dma source(%arg19 : memref<128x64xf32, #tpu.memory_space<vmem>>) target(%dma_start3A_666 : memref<10240x64xf32, #tpu.memory_space<vmem_shared>>) offsets(%dma_start3A_663 : memref<128xi32, #tpu.memory_space<vmem>>) semaphore(%run_scoped3A : memref<!tpu.dma_semaphore, #tpu.memory_space<semaphore_mem>>) {add = true}
        %dma_wait3A_667 = arith.constant 0 : i32
        %dma_wait3A_668 = tpu.memref_slice %arg14[%add3A_572, %dma_wait3A_667] : memref<160x128xi32, #tpu.memory_space<vmem>> -> memref<1x128xi32, #tpu.memory_space<vmem>>
        %dma_wait3A_669 = tpu.memref_squeeze %dma_wait3A_668 : memref<1x128xi32, #tpu.memory_space<vmem>> -> memref<128xi32, #tpu.memory_space<vmem>>
        %dma_wait3A_670 = arith.constant 0 : i32
        %dma_wait3A_671 = arith.constant 0 : i32
        %dma_wait3A_672 = tpu.memref_slice %arg11[%dma_wait3A_670, %dma_wait3A_671] : memref<10240x64xf32, #tpu.memory_space<vmem_shared>> -> memref<10240x64xf32, #tpu.memory_space<vmem_shared>>
        tpu.wait_indirect_dma semaphore(%run_scoped3A : memref<!tpu.dma_semaphore, #tpu.memory_space<semaphore_mem>>) src(%arg19 : memref<128x64xf32, #tpu.memory_space<vmem>>) dst(%dma_wait3A_672 : memref<10240x64xf32, #tpu.memory_space<vmem_shared>>)
        tpu.yield
      }) : () -> ()
      %lt3A_580 = arith.constant 80 : i32
      %lt3A_581 = arith.cmpi slt, %add3A_572, %lt3A_580 : i32
      %eq3A = arith.constant 0 : i32
      %eq3A_582 = arith.cmpi eq, %arg0, %eq3A : i32
      %eq3A_583 = arith.xori %lt3A_581, %eq3A_582 : i1
      %eq3A_584 = arith.constant true
      %eq3A_585 = arith.xori %eq3A_583, %eq3A_584 : i1
      %convert_element_type3A_586 = arith.extui %eq3A_585 : i1 to i32
      %cond3A_587 = arith.constant 0 : i32
      %cond3A_588 = arith.cmpi ne, %convert_element_type3A_586, %cond3A_587 : i32
      scf.if %cond3A_588 {
        "tpu.region"() ({
          %run_scoped3A = tpu.sem_alloc : memref<!tpu.dma_semaphore, #tpu.memory_space<semaphore_mem>>
          %dma_start3A_661 = arith.constant 0 : i32
          %dma_start3A_662 = tpu.memref_slice %arg14[%add3A_572, %dma_start3A_661] : memref<160x128xi32, #tpu.memory_space<vmem>> -> memref<1x128xi32, #tpu.memory_space<vmem>>
          %dma_start3A_663 = tpu.memref_squeeze %dma_start3A_662 : memref<1x128xi32, #tpu.memory_space<vmem>> -> memref<128xi32, #tpu.memory_space<vmem>>
          %dma_start3A_664 = arith.constant 0 : i32
          %dma_start3A_665 = arith.constant 0 : i32
          %dma_start3A_666 = tpu.memref_slice %arg12[%dma_start3A_664, %dma_start3A_665] : memref<10240x16xf32, #tpu.memory_space<vmem_shared>> -> memref<10240x16xf32, #tpu.memory_space<vmem_shared>>
          tpu.enqueue_indirect_dma source(%arg23 : memref<128x16xf32, #tpu.memory_space<vmem>>) target(%dma_start3A_666 : memref<10240x16xf32, #tpu.memory_space<vmem_shared>>) offsets(%dma_start3A_663 : memref<128xi32, #tpu.memory_space<vmem>>) semaphore(%run_scoped3A : memref<!tpu.dma_semaphore, #tpu.memory_space<semaphore_mem>>) {add = true}
          %dma_wait3A_667 = arith.constant 0 : i32
          %dma_wait3A_668 = tpu.memref_slice %arg14[%add3A_572, %dma_wait3A_667] : memref<160x128xi32, #tpu.memory_space<vmem>> -> memref<1x128xi32, #tpu.memory_space<vmem>>
          %dma_wait3A_669 = tpu.memref_squeeze %dma_wait3A_668 : memref<1x128xi32, #tpu.memory_space<vmem>> -> memref<128xi32, #tpu.memory_space<vmem>>
          %dma_wait3A_670 = arith.constant 0 : i32
          %dma_wait3A_671 = arith.constant 0 : i32
          %dma_wait3A_672 = tpu.memref_slice %arg12[%dma_wait3A_670, %dma_wait3A_671] : memref<10240x16xf32, #tpu.memory_space<vmem_shared>> -> memref<10240x16xf32, #tpu.memory_space<vmem_shared>>
          tpu.wait_indirect_dma semaphore(%run_scoped3A : memref<!tpu.dma_semaphore, #tpu.memory_space<semaphore_mem>>) src(%arg23 : memref<128x16xf32, #tpu.memory_space<vmem>>) dst(%dma_wait3A_672 : memref<10240x16xf32, #tpu.memory_space<vmem_shared>>)
          tpu.yield
        }) : () -> ()
      } else {
      }
      %add3A_589 = arith.constant 1 : i32
      %add3A_590 = arith.addi %mul3A_570, %add3A_589 : i32
      %add3A_591 = arith.constant 4 : i32
      %add3A_592 = arith.addi %add3A_590, %add3A_591 : i32
      %sub3A_593 = arith.constant 1 : i32
      %sub3A_594 = arith.subi %add3A_592, %sub3A_593 : i32
      %lt3A_595 = arith.constant 160 : i32
      %lt3A_596 = arith.cmpi slt, %sub3A_594, %lt3A_595 : i32
      %convert_element_type3A_597 = arith.extui %lt3A_596 : i1 to i32
      %cond3A_598 = arith.constant 0 : i32
      %cond3A_599 = arith.cmpi ne, %convert_element_type3A_597, %cond3A_598 : i32
      scf.if %cond3A_599 {
        %add3A_661 = arith.constant 4 : i32
        %add3A_662 = arith.addi %add3A_590, %add3A_661 : i32
        %sub3A_663 = arith.constant 1 : i32
        %sub3A_664 = arith.subi %add3A_662, %sub3A_663 : i32
        %get3A_665 = arith.index_cast %sub3A_664 : i32 to index
        %get3A_666 = arith.constant 0 : index
        %get3A_667 = tpu.vector_load %arg13[%get3A_665, %get3A_666] {strides = array<i32>} : memref<160x128xi32, #tpu.memory_space<vmem>>, vector<1x16xi32>,
        %get3A_668 = vector.shape_cast %get3A_667 : vector<1x16xi32> to vector<16xi32>
        %add3A_669 = vector.broadcast %add3A_8 : i32 to vector<16xi32>
        %add3A_670 = arith.addi %get3A_668, %add3A_669 : vector<16xi32>
        %swap3A_671 = arith.constant 0 : index
        %swap3A_672 = tpu.vector_load %arg15[%swap3A_671] {strides = array<i32>} : memref<128xi32, #tpu.memory_space<vmem>>, vector<16xi32>,
        %swap3A_673 = vector.shape_cast %swap3A_672 : vector<16xi32> to vector<16xi32>
        %swap3A_674 = vector.shape_cast %add3A_670 : vector<16xi32> to vector<16xi32>
        tpu.vector_store %arg15[%swap3A_671], %swap3A_674 {strides = array<i32>} : memref<128xi32, #tpu.memory_space<vmem>>, vector<16xi32>,
        %get3A_675 = arith.index_cast %sub3A_664 : i32 to index
        %get3A_676 = arith.constant 16 : index
        %get3A_677 = tpu.vector_load %arg13[%get3A_675, %get3A_676] {strides = array<i32>} : memref<160x128xi32, #tpu.memory_space<vmem>>, vector<1x16xi32>,
        %get3A_678 = vector.shape_cast %get3A_677 : vector<1x16xi32> to vector<16xi32>
        %add3A_679 = vector.broadcast %add3A_8 : i32 to vector<16xi32>
        %add3A_680 = arith.addi %get3A_678, %add3A_679 : vector<16xi32>
        %swap3A_681 = arith.constant 16 : index
        %swap3A_682 = tpu.vector_load %arg15[%swap3A_681] {strides = array<i32>} : memref<128xi32, #tpu.memory_space<vmem>>, vector<16xi32>,
        %swap3A_683 = vector.shape_cast %swap3A_682 : vector<16xi32> to vector<16xi32>
        %swap3A_684 = vector.shape_cast %add3A_680 : vector<16xi32> to vector<16xi32>
        tpu.vector_store %arg15[%swap3A_681], %swap3A_684 {strides = array<i32>} : memref<128xi32, #tpu.memory_space<vmem>>, vector<16xi32>,
        %get3A_685 = arith.index_cast %sub3A_664 : i32 to index
        %get3A_686 = arith.constant 32 : index
        %get3A_687 = tpu.vector_load %arg13[%get3A_685, %get3A_686] {strides = array<i32>} : memref<160x128xi32, #tpu.memory_space<vmem>>, vector<1x16xi32>,
        %get3A_688 = vector.shape_cast %get3A_687 : vector<1x16xi32> to vector<16xi32>
        %add3A_689 = vector.broadcast %add3A_8 : i32 to vector<16xi32>
        %add3A_690 = arith.addi %get3A_688, %add3A_689 : vector<16xi32>
        %swap3A_691 = arith.constant 32 : index
        %swap3A_692 = tpu.vector_load %arg15[%swap3A_691] {strides = array<i32>} : memref<128xi32, #tpu.memory_space<vmem>>, vector<16xi32>,
        %swap3A_693 = vector.shape_cast %swap3A_692 : vector<16xi32> to vector<16xi32>
        %swap3A_694 = vector.shape_cast %add3A_690 : vector<16xi32> to vector<16xi32>
        tpu.vector_store %arg15[%swap3A_691], %swap3A_694 {strides = array<i32>} : memref<128xi32, #tpu.memory_space<vmem>>, vector<16xi32>,
        %get3A_695 = arith.index_cast %sub3A_664 : i32 to index
        %get3A_696 = arith.constant 48 : index
        %get3A_697 = tpu.vector_load %arg13[%get3A_695, %get3A_696] {strides = array<i32>} : memref<160x128xi32, #tpu.memory_space<vmem>>, vector<1x16xi32>,
        %get3A_698 = vector.shape_cast %get3A_697 : vector<1x16xi32> to vector<16xi32>
        %add3A_699 = vector.broadcast %add3A_8 : i32 to vector<16xi32>
        %add3A_700 = arith.addi %get3A_698, %add3A_699 : vector<16xi32>
        %swap3A_701 = arith.constant 48 : index
        %swap3A_702 = tpu.vector_load %arg15[%swap3A_701] {strides = array<i32>} : memref<128xi32, #tpu.memory_space<vmem>>, vector<16xi32>,
        %swap3A_703 = vector.shape_cast %swap3A_702 : vector<16xi32> to vector<16xi32>
        %swap3A_704 = vector.shape_cast %add3A_700 : vector<16xi32> to vector<16xi32>
        tpu.vector_store %arg15[%swap3A_701], %swap3A_704 {strides = array<i32>} : memref<128xi32, #tpu.memory_space<vmem>>, vector<16xi32>,
        %get3A_705 = arith.index_cast %sub3A_664 : i32 to index
        %get3A_706 = arith.constant 64 : index
        %get3A_707 = tpu.vector_load %arg13[%get3A_705, %get3A_706] {strides = array<i32>} : memref<160x128xi32, #tpu.memory_space<vmem>>, vector<1x16xi32>,
        %get3A_708 = vector.shape_cast %get3A_707 : vector<1x16xi32> to vector<16xi32>
        %add3A_709 = vector.broadcast %add3A_8 : i32 to vector<16xi32>
        %add3A_710 = arith.addi %get3A_708, %add3A_709 : vector<16xi32>
        %swap3A_711 = arith.constant 64 : index
        %swap3A_712 = tpu.vector_load %arg15[%swap3A_711] {strides = array<i32>} : memref<128xi32, #tpu.memory_space<vmem>>, vector<16xi32>,
        %swap3A_713 = vector.shape_cast %swap3A_712 : vector<16xi32> to vector<16xi32>
        %swap3A_714 = vector.shape_cast %add3A_710 : vector<16xi32> to vector<16xi32>
        tpu.vector_store %arg15[%swap3A_711], %swap3A_714 {strides = array<i32>} : memref<128xi32, #tpu.memory_space<vmem>>, vector<16xi32>,
        %get3A_715 = arith.index_cast %sub3A_664 : i32 to index
        %get3A_716 = arith.constant 80 : index
        %get3A_717 = tpu.vector_load %arg13[%get3A_715, %get3A_716] {strides = array<i32>} : memref<160x128xi32, #tpu.memory_space<vmem>>, vector<1x16xi32>,
        %get3A_718 = vector.shape_cast %get3A_717 : vector<1x16xi32> to vector<16xi32>
        %add3A_719 = vector.broadcast %add3A_8 : i32 to vector<16xi32>
        %add3A_720 = arith.addi %get3A_718, %add3A_719 : vector<16xi32>
        %swap3A_721 = arith.constant 80 : index
        %swap3A_722 = tpu.vector_load %arg15[%swap3A_721] {strides = array<i32>} : memref<128xi32, #tpu.memory_space<vmem>>, vector<16xi32>,
        %swap3A_723 = vector.shape_cast %swap3A_722 : vector<16xi32> to vector<16xi32>
        %swap3A_724 = vector.shape_cast %add3A_720 : vector<16xi32> to vector<16xi32>
        tpu.vector_store %arg15[%swap3A_721], %swap3A_724 {strides = array<i32>} : memref<128xi32, #tpu.memory_space<vmem>>, vector<16xi32>,
        %get3A_725 = arith.index_cast %sub3A_664 : i32 to index
        %get3A_726 = arith.constant 96 : index
        %get3A_727 = tpu.vector_load %arg13[%get3A_725, %get3A_726] {strides = array<i32>} : memref<160x128xi32, #tpu.memory_space<vmem>>, vector<1x16xi32>,
        %get3A_728 = vector.shape_cast %get3A_727 : vector<1x16xi32> to vector<16xi32>
        %add3A_729 = vector.broadcast %add3A_8 : i32 to vector<16xi32>
        %add3A_730 = arith.addi %get3A_728, %add3A_729 : vector<16xi32>
        %swap3A_731 = arith.constant 96 : index
        %swap3A_732 = tpu.vector_load %arg15[%swap3A_731] {strides = array<i32>} : memref<128xi32, #tpu.memory_space<vmem>>, vector<16xi32>,
        %swap3A_733 = vector.shape_cast %swap3A_732 : vector<16xi32> to vector<16xi32>
        %swap3A_734 = vector.shape_cast %add3A_730 : vector<16xi32> to vector<16xi32>
        tpu.vector_store %arg15[%swap3A_731], %swap3A_734 {strides = array<i32>} : memref<128xi32, #tpu.memory_space<vmem>>, vector<16xi32>,
        %get3A_735 = arith.index_cast %sub3A_664 : i32 to index
        %get3A_736 = arith.constant 112 : index
        %get3A_737 = tpu.vector_load %arg13[%get3A_735, %get3A_736] {strides = array<i32>} : memref<160x128xi32, #tpu.memory_space<vmem>>, vector<1x16xi32>,
        %get3A_738 = vector.shape_cast %get3A_737 : vector<1x16xi32> to vector<16xi32>
        %add3A_739 = vector.broadcast %add3A_8 : i32 to vector<16xi32>
        %add3A_740 = arith.addi %get3A_738, %add3A_739 : vector<16xi32>
        %swap3A_741 = arith.constant 112 : index
        %swap3A_742 = tpu.vector_load %arg15[%swap3A_741] {strides = array<i32>} : memref<128xi32, #tpu.memory_space<vmem>>, vector<16xi32>,
        %swap3A_743 = vector.shape_cast %swap3A_742 : vector<16xi32> to vector<16xi32>
        %swap3A_744 = vector.shape_cast %add3A_740 : vector<16xi32> to vector<16xi32>
        tpu.vector_store %arg15[%swap3A_741], %swap3A_744 {strides = array<i32>} : memref<128xi32, #tpu.memory_space<vmem>>, vector<16xi32>,
        %dma_start3A_745 = arith.constant 0 : i32
        %dma_start3A_746 = arith.constant 0 : i32
        %dma_start3A_747 = tpu.memref_slice %arg2[%dma_start3A_745, %dma_start3A_746] : memref<160000x64xf32, #tpu.memory_space<hbm>> -> memref<160000x64xf32, #tpu.memory_space<hbm>>
        tpu.enqueue_indirect_dma source(%dma_start3A_747 : memref<160000x64xf32, #tpu.memory_space<hbm>>) target(%arg19 : memref<128x64xf32, #tpu.memory_space<vmem>>) offsets(%arg15 : memref<128xi32, #tpu.memory_space<vmem>>) semaphore(%arg24 : memref<!tpu.dma_semaphore, #tpu.memory_space<semaphore_mem>>)
      } else {
      }
      %dma_wait3A_600 = arith.constant 0 : i32
      %dma_wait3A_601 = arith.constant 0 : i32
      %dma_wait3A_602 = tpu.memref_slice %arg2[%dma_wait3A_600, %dma_wait3A_601] : memref<160000x64xf32, #tpu.memory_space<hbm>> -> memref<160000x64xf32, #tpu.memory_space<hbm>>
      tpu.wait_indirect_dma semaphore(%arg25 : memref<!tpu.dma_semaphore, #tpu.memory_space<semaphore_mem>>) src(%dma_wait3A_602 : memref<160000x64xf32, #tpu.memory_space<hbm>>) dst(%arg20 : memref<128x64xf32, #tpu.memory_space<vmem>>)
      "tpu.region"() ({
        %run_scoped3A = tpu.sem_alloc : memref<!tpu.dma_semaphore, #tpu.memory_space<semaphore_mem>>
        %dma_start3A_661 = arith.constant 0 : i32
        %dma_start3A_662 = tpu.memref_slice %arg14[%add3A_590, %dma_start3A_661] : memref<160x128xi32, #tpu.memory_space<vmem>> -> memref<1x128xi32, #tpu.memory_space<vmem>>
        %dma_start3A_663 = tpu.memref_squeeze %dma_start3A_662 : memref<1x128xi32, #tpu.memory_space<vmem>> -> memref<128xi32, #tpu.memory_space<vmem>>
        %dma_start3A_664 = arith.constant 0 : i32
        %dma_start3A_665 = arith.constant 0 : i32
        %dma_start3A_666 = tpu.memref_slice %arg11[%dma_start3A_664, %dma_start3A_665] : memref<10240x64xf32, #tpu.memory_space<vmem_shared>> -> memref<10240x64xf32, #tpu.memory_space<vmem_shared>>
        tpu.enqueue_indirect_dma source(%arg20 : memref<128x64xf32, #tpu.memory_space<vmem>>) target(%dma_start3A_666 : memref<10240x64xf32, #tpu.memory_space<vmem_shared>>) offsets(%dma_start3A_663 : memref<128xi32, #tpu.memory_space<vmem>>) semaphore(%run_scoped3A : memref<!tpu.dma_semaphore, #tpu.memory_space<semaphore_mem>>) {add = true}
        %dma_wait3A_667 = arith.constant 0 : i32
        %dma_wait3A_668 = tpu.memref_slice %arg14[%add3A_590, %dma_wait3A_667] : memref<160x128xi32, #tpu.memory_space<vmem>> -> memref<1x128xi32, #tpu.memory_space<vmem>>
        %dma_wait3A_669 = tpu.memref_squeeze %dma_wait3A_668 : memref<1x128xi32, #tpu.memory_space<vmem>> -> memref<128xi32, #tpu.memory_space<vmem>>
        %dma_wait3A_670 = arith.constant 0 : i32
        %dma_wait3A_671 = arith.constant 0 : i32
        %dma_wait3A_672 = tpu.memref_slice %arg11[%dma_wait3A_670, %dma_wait3A_671] : memref<10240x64xf32, #tpu.memory_space<vmem_shared>> -> memref<10240x64xf32, #tpu.memory_space<vmem_shared>>
        tpu.wait_indirect_dma semaphore(%run_scoped3A : memref<!tpu.dma_semaphore, #tpu.memory_space<semaphore_mem>>) src(%arg20 : memref<128x64xf32, #tpu.memory_space<vmem>>) dst(%dma_wait3A_672 : memref<10240x64xf32, #tpu.memory_space<vmem_shared>>)
        tpu.yield
      }) : () -> ()
      %lt3A_603 = arith.constant 80 : i32
      %lt3A_604 = arith.cmpi slt, %add3A_590, %lt3A_603 : i32
      %eq3A_605 = arith.constant 0 : i32
      %eq3A_606 = arith.cmpi eq, %arg0, %eq3A_605 : i32
      %eq3A_607 = arith.xori %lt3A_604, %eq3A_606 : i1
      %eq3A_608 = arith.constant true
      %eq3A_609 = arith.xori %eq3A_607, %eq3A_608 : i1
      %convert_element_type3A_610 = arith.extui %eq3A_609 : i1 to i32
      %cond3A_611 = arith.constant 0 : i32
      %cond3A_612 = arith.cmpi ne, %convert_element_type3A_610, %cond3A_611 : i32
      scf.if %cond3A_612 {
        "tpu.region"() ({
          %run_scoped3A = tpu.sem_alloc : memref<!tpu.dma_semaphore, #tpu.memory_space<semaphore_mem>>
          %dma_start3A_661 = arith.constant 0 : i32
          %dma_start3A_662 = tpu.memref_slice %arg14[%add3A_590, %dma_start3A_661] : memref<160x128xi32, #tpu.memory_space<vmem>> -> memref<1x128xi32, #tpu.memory_space<vmem>>
          %dma_start3A_663 = tpu.memref_squeeze %dma_start3A_662 : memref<1x128xi32, #tpu.memory_space<vmem>> -> memref<128xi32, #tpu.memory_space<vmem>>
          %dma_start3A_664 = arith.constant 0 : i32
          %dma_start3A_665 = arith.constant 0 : i32
          %dma_start3A_666 = tpu.memref_slice %arg12[%dma_start3A_664, %dma_start3A_665] : memref<10240x16xf32, #tpu.memory_space<vmem_shared>> -> memref<10240x16xf32, #tpu.memory_space<vmem_shared>>
          tpu.enqueue_indirect_dma source(%arg23 : memref<128x16xf32, #tpu.memory_space<vmem>>) target(%dma_start3A_666 : memref<10240x16xf32, #tpu.memory_space<vmem_shared>>) offsets(%dma_start3A_663 : memref<128xi32, #tpu.memory_space<vmem>>) semaphore(%run_scoped3A : memref<!tpu.dma_semaphore, #tpu.memory_space<semaphore_mem>>) {add = true}
          %dma_wait3A_667 = arith.constant 0 : i32
          %dma_wait3A_668 = tpu.memref_slice %arg14[%add3A_590, %dma_wait3A_667] : memref<160x128xi32, #tpu.memory_space<vmem>> -> memref<1x128xi32, #tpu.memory_space<vmem>>
          %dma_wait3A_669 = tpu.memref_squeeze %dma_wait3A_668 : memref<1x128xi32, #tpu.memory_space<vmem>> -> memref<128xi32, #tpu.memory_space<vmem>>
          %dma_wait3A_670 = arith.constant 0 : i32
          %dma_wait3A_671 = arith.constant 0 : i32
          %dma_wait3A_672 = tpu.memref_slice %arg12[%dma_wait3A_670, %dma_wait3A_671] : memref<10240x16xf32, #tpu.memory_space<vmem_shared>> -> memref<10240x16xf32, #tpu.memory_space<vmem_shared>>
          tpu.wait_indirect_dma semaphore(%run_scoped3A : memref<!tpu.dma_semaphore, #tpu.memory_space<semaphore_mem>>) src(%arg23 : memref<128x16xf32, #tpu.memory_space<vmem>>) dst(%dma_wait3A_672 : memref<10240x16xf32, #tpu.memory_space<vmem_shared>>)
          tpu.yield
        }) : () -> ()
      } else {
      }
      %add3A_613 = arith.constant 2 : i32
      %add3A_614 = arith.addi %mul3A_570, %add3A_613 : i32
      %add3A_615 = arith.constant 4 : i32
      %add3A_616 = arith.addi %add3A_614, %add3A_615 : i32
      %sub3A_617 = arith.constant 1 : i32
      %sub3A_618 = arith.subi %add3A_616, %sub3A_617 : i32
      %lt3A_619 = arith.constant 160 : i32
      %lt3A_620 = arith.cmpi slt, %sub3A_618, %lt3A_619 : i32
      %convert_element_type3A_621 = arith.extui %lt3A_620 : i1 to i32
      %cond3A_622 = arith.constant 0 : i32
      %cond3A_623 = arith.cmpi ne, %convert_element_type3A_621, %cond3A_622 : i32
      scf.if %cond3A_623 {
        %add3A_661 = arith.constant 4 : i32
        %add3A_662 = arith.addi %add3A_614, %add3A_661 : i32
        %sub3A_663 = arith.constant 1 : i32
        %sub3A_664 = arith.subi %add3A_662, %sub3A_663 : i32
        %get3A_665 = arith.index_cast %sub3A_664 : i32 to index
        %get3A_666 = arith.constant 0 : index
        %get3A_667 = tpu.vector_load %arg13[%get3A_665, %get3A_666] {strides = array<i32>} : memref<160x128xi32, #tpu.memory_space<vmem>>, vector<1x16xi32>,
        %get3A_668 = vector.shape_cast %get3A_667 : vector<1x16xi32> to vector<16xi32>
        %add3A_669 = vector.broadcast %add3A_8 : i32 to vector<16xi32>
        %add3A_670 = arith.addi %get3A_668, %add3A_669 : vector<16xi32>
        %swap3A_671 = arith.constant 0 : index
        %swap3A_672 = tpu.vector_load %arg16[%swap3A_671] {strides = array<i32>} : memref<128xi32, #tpu.memory_space<vmem>>, vector<16xi32>,
        %swap3A_673 = vector.shape_cast %swap3A_672 : vector<16xi32> to vector<16xi32>
        %swap3A_674 = vector.shape_cast %add3A_670 : vector<16xi32> to vector<16xi32>
        tpu.vector_store %arg16[%swap3A_671], %swap3A_674 {strides = array<i32>} : memref<128xi32, #tpu.memory_space<vmem>>, vector<16xi32>,
        %get3A_675 = arith.index_cast %sub3A_664 : i32 to index
        %get3A_676 = arith.constant 16 : index
        %get3A_677 = tpu.vector_load %arg13[%get3A_675, %get3A_676] {strides = array<i32>} : memref<160x128xi32, #tpu.memory_space<vmem>>, vector<1x16xi32>,
        %get3A_678 = vector.shape_cast %get3A_677 : vector<1x16xi32> to vector<16xi32>
        %add3A_679 = vector.broadcast %add3A_8 : i32 to vector<16xi32>
        %add3A_680 = arith.addi %get3A_678, %add3A_679 : vector<16xi32>
        %swap3A_681 = arith.constant 16 : index
        %swap3A_682 = tpu.vector_load %arg16[%swap3A_681] {strides = array<i32>} : memref<128xi32, #tpu.memory_space<vmem>>, vector<16xi32>,
        %swap3A_683 = vector.shape_cast %swap3A_682 : vector<16xi32> to vector<16xi32>
        %swap3A_684 = vector.shape_cast %add3A_680 : vector<16xi32> to vector<16xi32>
        tpu.vector_store %arg16[%swap3A_681], %swap3A_684 {strides = array<i32>} : memref<128xi32, #tpu.memory_space<vmem>>, vector<16xi32>,
        %get3A_685 = arith.index_cast %sub3A_664 : i32 to index
        %get3A_686 = arith.constant 32 : index
        %get3A_687 = tpu.vector_load %arg13[%get3A_685, %get3A_686] {strides = array<i32>} : memref<160x128xi32, #tpu.memory_space<vmem>>, vector<1x16xi32>,
        %get3A_688 = vector.shape_cast %get3A_687 : vector<1x16xi32> to vector<16xi32>
        %add3A_689 = vector.broadcast %add3A_8 : i32 to vector<16xi32>
        %add3A_690 = arith.addi %get3A_688, %add3A_689 : vector<16xi32>
        %swap3A_691 = arith.constant 32 : index
        %swap3A_692 = tpu.vector_load %arg16[%swap3A_691] {strides = array<i32>} : memref<128xi32, #tpu.memory_space<vmem>>, vector<16xi32>,
        %swap3A_693 = vector.shape_cast %swap3A_692 : vector<16xi32> to vector<16xi32>
        %swap3A_694 = vector.shape_cast %add3A_690 : vector<16xi32> to vector<16xi32>
        tpu.vector_store %arg16[%swap3A_691], %swap3A_694 {strides = array<i32>} : memref<128xi32, #tpu.memory_space<vmem>>, vector<16xi32>,
        %get3A_695 = arith.index_cast %sub3A_664 : i32 to index
        %get3A_696 = arith.constant 48 : index
        %get3A_697 = tpu.vector_load %arg13[%get3A_695, %get3A_696] {strides = array<i32>} : memref<160x128xi32, #tpu.memory_space<vmem>>, vector<1x16xi32>,
        %get3A_698 = vector.shape_cast %get3A_697 : vector<1x16xi32> to vector<16xi32>
        %add3A_699 = vector.broadcast %add3A_8 : i32 to vector<16xi32>
        %add3A_700 = arith.addi %get3A_698, %add3A_699 : vector<16xi32>
        %swap3A_701 = arith.constant 48 : index
        %swap3A_702 = tpu.vector_load %arg16[%swap3A_701] {strides = array<i32>} : memref<128xi32, #tpu.memory_space<vmem>>, vector<16xi32>,
        %swap3A_703 = vector.shape_cast %swap3A_702 : vector<16xi32> to vector<16xi32>
        %swap3A_704 = vector.shape_cast %add3A_700 : vector<16xi32> to vector<16xi32>
        tpu.vector_store %arg16[%swap3A_701], %swap3A_704 {strides = array<i32>} : memref<128xi32, #tpu.memory_space<vmem>>, vector<16xi32>,
        %get3A_705 = arith.index_cast %sub3A_664 : i32 to index
        %get3A_706 = arith.constant 64 : index
        %get3A_707 = tpu.vector_load %arg13[%get3A_705, %get3A_706] {strides = array<i32>} : memref<160x128xi32, #tpu.memory_space<vmem>>, vector<1x16xi32>,
        %get3A_708 = vector.shape_cast %get3A_707 : vector<1x16xi32> to vector<16xi32>
        %add3A_709 = vector.broadcast %add3A_8 : i32 to vector<16xi32>
        %add3A_710 = arith.addi %get3A_708, %add3A_709 : vector<16xi32>
        %swap3A_711 = arith.constant 64 : index
        %swap3A_712 = tpu.vector_load %arg16[%swap3A_711] {strides = array<i32>} : memref<128xi32, #tpu.memory_space<vmem>>, vector<16xi32>,
        %swap3A_713 = vector.shape_cast %swap3A_712 : vector<16xi32> to vector<16xi32>
        %swap3A_714 = vector.shape_cast %add3A_710 : vector<16xi32> to vector<16xi32>
        tpu.vector_store %arg16[%swap3A_711], %swap3A_714 {strides = array<i32>} : memref<128xi32, #tpu.memory_space<vmem>>, vector<16xi32>,
        %get3A_715 = arith.index_cast %sub3A_664 : i32 to index
        %get3A_716 = arith.constant 80 : index
        %get3A_717 = tpu.vector_load %arg13[%get3A_715, %get3A_716] {strides = array<i32>} : memref<160x128xi32, #tpu.memory_space<vmem>>, vector<1x16xi32>,
        %get3A_718 = vector.shape_cast %get3A_717 : vector<1x16xi32> to vector<16xi32>
        %add3A_719 = vector.broadcast %add3A_8 : i32 to vector<16xi32>
        %add3A_720 = arith.addi %get3A_718, %add3A_719 : vector<16xi32>
        %swap3A_721 = arith.constant 80 : index
        %swap3A_722 = tpu.vector_load %arg16[%swap3A_721] {strides = array<i32>} : memref<128xi32, #tpu.memory_space<vmem>>, vector<16xi32>,
        %swap3A_723 = vector.shape_cast %swap3A_722 : vector<16xi32> to vector<16xi32>
        %swap3A_724 = vector.shape_cast %add3A_720 : vector<16xi32> to vector<16xi32>
        tpu.vector_store %arg16[%swap3A_721], %swap3A_724 {strides = array<i32>} : memref<128xi32, #tpu.memory_space<vmem>>, vector<16xi32>,
        %get3A_725 = arith.index_cast %sub3A_664 : i32 to index
        %get3A_726 = arith.constant 96 : index
        %get3A_727 = tpu.vector_load %arg13[%get3A_725, %get3A_726] {strides = array<i32>} : memref<160x128xi32, #tpu.memory_space<vmem>>, vector<1x16xi32>,
        %get3A_728 = vector.shape_cast %get3A_727 : vector<1x16xi32> to vector<16xi32>
        %add3A_729 = vector.broadcast %add3A_8 : i32 to vector<16xi32>
        %add3A_730 = arith.addi %get3A_728, %add3A_729 : vector<16xi32>
        %swap3A_731 = arith.constant 96 : index
        %swap3A_732 = tpu.vector_load %arg16[%swap3A_731] {strides = array<i32>} : memref<128xi32, #tpu.memory_space<vmem>>, vector<16xi32>,
        %swap3A_733 = vector.shape_cast %swap3A_732 : vector<16xi32> to vector<16xi32>
        %swap3A_734 = vector.shape_cast %add3A_730 : vector<16xi32> to vector<16xi32>
        tpu.vector_store %arg16[%swap3A_731], %swap3A_734 {strides = array<i32>} : memref<128xi32, #tpu.memory_space<vmem>>, vector<16xi32>,
        %get3A_735 = arith.index_cast %sub3A_664 : i32 to index
        %get3A_736 = arith.constant 112 : index
        %get3A_737 = tpu.vector_load %arg13[%get3A_735, %get3A_736] {strides = array<i32>} : memref<160x128xi32, #tpu.memory_space<vmem>>, vector<1x16xi32>,
        %get3A_738 = vector.shape_cast %get3A_737 : vector<1x16xi32> to vector<16xi32>
        %add3A_739 = vector.broadcast %add3A_8 : i32 to vector<16xi32>
        %add3A_740 = arith.addi %get3A_738, %add3A_739 : vector<16xi32>
        %swap3A_741 = arith.constant 112 : index
        %swap3A_742 = tpu.vector_load %arg16[%swap3A_741] {strides = array<i32>} : memref<128xi32, #tpu.memory_space<vmem>>, vector<16xi32>,
        %swap3A_743 = vector.shape_cast %swap3A_742 : vector<16xi32> to vector<16xi32>
        %swap3A_744 = vector.shape_cast %add3A_740 : vector<16xi32> to vector<16xi32>
        tpu.vector_store %arg16[%swap3A_741], %swap3A_744 {strides = array<i32>} : memref<128xi32, #tpu.memory_space<vmem>>, vector<16xi32>,
        %dma_start3A_745 = arith.constant 0 : i32
        %dma_start3A_746 = arith.constant 0 : i32
        %dma_start3A_747 = tpu.memref_slice %arg2[%dma_start3A_745, %dma_start3A_746] : memref<160000x64xf32, #tpu.memory_space<hbm>> -> memref<160000x64xf32, #tpu.memory_space<hbm>>
        tpu.enqueue_indirect_dma source(%dma_start3A_747 : memref<160000x64xf32, #tpu.memory_space<hbm>>) target(%arg20 : memref<128x64xf32, #tpu.memory_space<vmem>>) offsets(%arg16 : memref<128xi32, #tpu.memory_space<vmem>>) semaphore(%arg25 : memref<!tpu.dma_semaphore, #tpu.memory_space<semaphore_mem>>)
      } else {
      }
      %dma_wait3A_624 = arith.constant 0 : i32
      %dma_wait3A_625 = arith.constant 0 : i32
      %dma_wait3A_626 = tpu.memref_slice %arg2[%dma_wait3A_624, %dma_wait3A_625] : memref<160000x64xf32, #tpu.memory_space<hbm>> -> memref<160000x64xf32, #tpu.memory_space<hbm>>
      tpu.wait_indirect_dma semaphore(%arg26 : memref<!tpu.dma_semaphore, #tpu.memory_space<semaphore_mem>>) src(%dma_wait3A_626 : memref<160000x64xf32, #tpu.memory_space<hbm>>) dst(%arg21 : memref<128x64xf32, #tpu.memory_space<vmem>>)
      "tpu.region"() ({
        %run_scoped3A = tpu.sem_alloc : memref<!tpu.dma_semaphore, #tpu.memory_space<semaphore_mem>>
        %dma_start3A_661 = arith.constant 0 : i32
        %dma_start3A_662 = tpu.memref_slice %arg14[%add3A_614, %dma_start3A_661] : memref<160x128xi32, #tpu.memory_space<vmem>> -> memref<1x128xi32, #tpu.memory_space<vmem>>
        %dma_start3A_663 = tpu.memref_squeeze %dma_start3A_662 : memref<1x128xi32, #tpu.memory_space<vmem>> -> memref<128xi32, #tpu.memory_space<vmem>>
        %dma_start3A_664 = arith.constant 0 : i32
        %dma_start3A_665 = arith.constant 0 : i32
        %dma_start3A_666 = tpu.memref_slice %arg11[%dma_start3A_664, %dma_start3A_665] : memref<10240x64xf32, #tpu.memory_space<vmem_shared>> -> memref<10240x64xf32, #tpu.memory_space<vmem_shared>>
        tpu.enqueue_indirect_dma source(%arg21 : memref<128x64xf32, #tpu.memory_space<vmem>>) target(%dma_start3A_666 : memref<10240x64xf32, #tpu.memory_space<vmem_shared>>) offsets(%dma_start3A_663 : memref<128xi32, #tpu.memory_space<vmem>>) semaphore(%run_scoped3A : memref<!tpu.dma_semaphore, #tpu.memory_space<semaphore_mem>>) {add = true}
        %dma_wait3A_667 = arith.constant 0 : i32
        %dma_wait3A_668 = tpu.memref_slice %arg14[%add3A_614, %dma_wait3A_667] : memref<160x128xi32, #tpu.memory_space<vmem>> -> memref<1x128xi32, #tpu.memory_space<vmem>>
        %dma_wait3A_669 = tpu.memref_squeeze %dma_wait3A_668 : memref<1x128xi32, #tpu.memory_space<vmem>> -> memref<128xi32, #tpu.memory_space<vmem>>
        %dma_wait3A_670 = arith.constant 0 : i32
        %dma_wait3A_671 = arith.constant 0 : i32
        %dma_wait3A_672 = tpu.memref_slice %arg11[%dma_wait3A_670, %dma_wait3A_671] : memref<10240x64xf32, #tpu.memory_space<vmem_shared>> -> memref<10240x64xf32, #tpu.memory_space<vmem_shared>>
        tpu.wait_indirect_dma semaphore(%run_scoped3A : memref<!tpu.dma_semaphore, #tpu.memory_space<semaphore_mem>>) src(%arg21 : memref<128x64xf32, #tpu.memory_space<vmem>>) dst(%dma_wait3A_672 : memref<10240x64xf32, #tpu.memory_space<vmem_shared>>)
        tpu.yield
      }) : () -> ()
      %lt3A_627 = arith.constant 80 : i32
      %lt3A_628 = arith.cmpi slt, %add3A_614, %lt3A_627 : i32
      %eq3A_629 = arith.constant 0 : i32
      %eq3A_630 = arith.cmpi eq, %arg0, %eq3A_629 : i32
      %eq3A_631 = arith.xori %lt3A_628, %eq3A_630 : i1
      %eq3A_632 = arith.constant true
      %eq3A_633 = arith.xori %eq3A_631, %eq3A_632 : i1
      %convert_element_type3A_634 = arith.extui %eq3A_633 : i1 to i32
      %cond3A_635 = arith.constant 0 : i32
      %cond3A_636 = arith.cmpi ne, %convert_element_type3A_634, %cond3A_635 : i32
      scf.if %cond3A_636 {
        "tpu.region"() ({
          %run_scoped3A = tpu.sem_alloc : memref<!tpu.dma_semaphore, #tpu.memory_space<semaphore_mem>>
          %dma_start3A_661 = arith.constant 0 : i32
          %dma_start3A_662 = tpu.memref_slice %arg14[%add3A_614, %dma_start3A_661] : memref<160x128xi32, #tpu.memory_space<vmem>> -> memref<1x128xi32, #tpu.memory_space<vmem>>
          %dma_start3A_663 = tpu.memref_squeeze %dma_start3A_662 : memref<1x128xi32, #tpu.memory_space<vmem>> -> memref<128xi32, #tpu.memory_space<vmem>>
          %dma_start3A_664 = arith.constant 0 : i32
          %dma_start3A_665 = arith.constant 0 : i32
          %dma_start3A_666 = tpu.memref_slice %arg12[%dma_start3A_664, %dma_start3A_665] : memref<10240x16xf32, #tpu.memory_space<vmem_shared>> -> memref<10240x16xf32, #tpu.memory_space<vmem_shared>>
          tpu.enqueue_indirect_dma source(%arg23 : memref<128x16xf32, #tpu.memory_space<vmem>>) target(%dma_start3A_666 : memref<10240x16xf32, #tpu.memory_space<vmem_shared>>) offsets(%dma_start3A_663 : memref<128xi32, #tpu.memory_space<vmem>>) semaphore(%run_scoped3A : memref<!tpu.dma_semaphore, #tpu.memory_space<semaphore_mem>>) {add = true}
          %dma_wait3A_667 = arith.constant 0 : i32
          %dma_wait3A_668 = tpu.memref_slice %arg14[%add3A_614, %dma_wait3A_667] : memref<160x128xi32, #tpu.memory_space<vmem>> -> memref<1x128xi32, #tpu.memory_space<vmem>>
          %dma_wait3A_669 = tpu.memref_squeeze %dma_wait3A_668 : memref<1x128xi32, #tpu.memory_space<vmem>> -> memref<128xi32, #tpu.memory_space<vmem>>
          %dma_wait3A_670 = arith.constant 0 : i32
          %dma_wait3A_671 = arith.constant 0 : i32
          %dma_wait3A_672 = tpu.memref_slice %arg12[%dma_wait3A_670, %dma_wait3A_671] : memref<10240x16xf32, #tpu.memory_space<vmem_shared>> -> memref<10240x16xf32, #tpu.memory_space<vmem_shared>>
          tpu.wait_indirect_dma semaphore(%run_scoped3A : memref<!tpu.dma_semaphore, #tpu.memory_space<semaphore_mem>>) src(%arg23 : memref<128x16xf32, #tpu.memory_space<vmem>>) dst(%dma_wait3A_672 : memref<10240x16xf32, #tpu.memory_space<vmem_shared>>)
          tpu.yield
        }) : () -> ()
      } else {
      }
      %add3A_637 = arith.constant 3 : i32
      %add3A_638 = arith.addi %mul3A_570, %add3A_637 : i32
      %add3A_639 = arith.constant 4 : i32
      %add3A_640 = arith.addi %add3A_638, %add3A_639 : i32
      %sub3A_641 = arith.constant 1 : i32
      %sub3A_642 = arith.subi %add3A_640, %sub3A_641 : i32
      %lt3A_643 = arith.constant 160 : i32
      %lt3A_644 = arith.cmpi slt, %sub3A_642, %lt3A_643 : i32
      %convert_element_type3A_645 = arith.extui %lt3A_644 : i1 to i32
      %cond3A_646 = arith.constant 0 : i32
      %cond3A_647 = arith.cmpi ne, %convert_element_type3A_645, %cond3A_646 : i32
      scf.if %cond3A_647 {
        %add3A_661 = arith.constant 4 : i32
        %add3A_662 = arith.addi %add3A_638, %add3A_661 : i32
        %sub3A_663 = arith.constant 1 : i32
        %sub3A_664 = arith.subi %add3A_662, %sub3A_663 : i32
        %get3A_665 = arith.index_cast %sub3A_664 : i32 to index
        %get3A_666 = arith.constant 0 : index
        %get3A_667 = tpu.vector_load %arg13[%get3A_665, %get3A_666] {strides = array<i32>} : memref<160x128xi32, #tpu.memory_space<vmem>>, vector<1x16xi32>,
        %get3A_668 = vector.shape_cast %get3A_667 : vector<1x16xi32> to vector<16xi32>
        %add3A_669 = vector.broadcast %add3A_8 : i32 to vector<16xi32>
        %add3A_670 = arith.addi %get3A_668, %add3A_669 : vector<16xi32>
        %swap3A_671 = arith.constant 0 : index
        %swap3A_672 = tpu.vector_load %arg17[%swap3A_671] {strides = array<i32>} : memref<128xi32, #tpu.memory_space<vmem>>, vector<16xi32>,
        %swap3A_673 = vector.shape_cast %swap3A_672 : vector<16xi32> to vector<16xi32>
        %swap3A_674 = vector.shape_cast %add3A_670 : vector<16xi32> to vector<16xi32>
        tpu.vector_store %arg17[%swap3A_671], %swap3A_674 {strides = array<i32>} : memref<128xi32, #tpu.memory_space<vmem>>, vector<16xi32>,
        %get3A_675 = arith.index_cast %sub3A_664 : i32 to index
        %get3A_676 = arith.constant 16 : index
        %get3A_677 = tpu.vector_load %arg13[%get3A_675, %get3A_676] {strides = array<i32>} : memref<160x128xi32, #tpu.memory_space<vmem>>, vector<1x16xi32>,
        %get3A_678 = vector.shape_cast %get3A_677 : vector<1x16xi32> to vector<16xi32>
        %add3A_679 = vector.broadcast %add3A_8 : i32 to vector<16xi32>
        %add3A_680 = arith.addi %get3A_678, %add3A_679 : vector<16xi32>
        %swap3A_681 = arith.constant 16 : index
        %swap3A_682 = tpu.vector_load %arg17[%swap3A_681] {strides = array<i32>} : memref<128xi32, #tpu.memory_space<vmem>>, vector<16xi32>,
        %swap3A_683 = vector.shape_cast %swap3A_682 : vector<16xi32> to vector<16xi32>
        %swap3A_684 = vector.shape_cast %add3A_680 : vector<16xi32> to vector<16xi32>
        tpu.vector_store %arg17[%swap3A_681], %swap3A_684 {strides = array<i32>} : memref<128xi32, #tpu.memory_space<vmem>>, vector<16xi32>,
        %get3A_685 = arith.index_cast %sub3A_664 : i32 to index
        %get3A_686 = arith.constant 32 : index
        %get3A_687 = tpu.vector_load %arg13[%get3A_685, %get3A_686] {strides = array<i32>} : memref<160x128xi32, #tpu.memory_space<vmem>>, vector<1x16xi32>,
        %get3A_688 = vector.shape_cast %get3A_687 : vector<1x16xi32> to vector<16xi32>
        %add3A_689 = vector.broadcast %add3A_8 : i32 to vector<16xi32>
        %add3A_690 = arith.addi %get3A_688, %add3A_689 : vector<16xi32>
        %swap3A_691 = arith.constant 32 : index
        %swap3A_692 = tpu.vector_load %arg17[%swap3A_691] {strides = array<i32>} : memref<128xi32, #tpu.memory_space<vmem>>, vector<16xi32>,
        %swap3A_693 = vector.shape_cast %swap3A_692 : vector<16xi32> to vector<16xi32>
        %swap3A_694 = vector.shape_cast %add3A_690 : vector<16xi32> to vector<16xi32>
        tpu.vector_store %arg17[%swap3A_691], %swap3A_694 {strides = array<i32>} : memref<128xi32, #tpu.memory_space<vmem>>, vector<16xi32>,
        %get3A_695 = arith.index_cast %sub3A_664 : i32 to index
        %get3A_696 = arith.constant 48 : index
        %get3A_697 = tpu.vector_load %arg13[%get3A_695, %get3A_696] {strides = array<i32>} : memref<160x128xi32, #tpu.memory_space<vmem>>, vector<1x16xi32>,
        %get3A_698 = vector.shape_cast %get3A_697 : vector<1x16xi32> to vector<16xi32>
        %add3A_699 = vector.broadcast %add3A_8 : i32 to vector<16xi32>
        %add3A_700 = arith.addi %get3A_698, %add3A_699 : vector<16xi32>
        %swap3A_701 = arith.constant 48 : index
        %swap3A_702 = tpu.vector_load %arg17[%swap3A_701] {strides = array<i32>} : memref<128xi32, #tpu.memory_space<vmem>>, vector<16xi32>,
        %swap3A_703 = vector.shape_cast %swap3A_702 : vector<16xi32> to vector<16xi32>
        %swap3A_704 = vector.shape_cast %add3A_700 : vector<16xi32> to vector<16xi32>
        tpu.vector_store %arg17[%swap3A_701], %swap3A_704 {strides = array<i32>} : memref<128xi32, #tpu.memory_space<vmem>>, vector<16xi32>,
        %get3A_705 = arith.index_cast %sub3A_664 : i32 to index
        %get3A_706 = arith.constant 64 : index
        %get3A_707 = tpu.vector_load %arg13[%get3A_705, %get3A_706] {strides = array<i32>} : memref<160x128xi32, #tpu.memory_space<vmem>>, vector<1x16xi32>,
        %get3A_708 = vector.shape_cast %get3A_707 : vector<1x16xi32> to vector<16xi32>
        %add3A_709 = vector.broadcast %add3A_8 : i32 to vector<16xi32>
        %add3A_710 = arith.addi %get3A_708, %add3A_709 : vector<16xi32>
        %swap3A_711 = arith.constant 64 : index
        %swap3A_712 = tpu.vector_load %arg17[%swap3A_711] {strides = array<i32>} : memref<128xi32, #tpu.memory_space<vmem>>, vector<16xi32>,
        %swap3A_713 = vector.shape_cast %swap3A_712 : vector<16xi32> to vector<16xi32>
        %swap3A_714 = vector.shape_cast %add3A_710 : vector<16xi32> to vector<16xi32>
        tpu.vector_store %arg17[%swap3A_711], %swap3A_714 {strides = array<i32>} : memref<128xi32, #tpu.memory_space<vmem>>, vector<16xi32>,
        %get3A_715 = arith.index_cast %sub3A_664 : i32 to index
        %get3A_716 = arith.constant 80 : index
        %get3A_717 = tpu.vector_load %arg13[%get3A_715, %get3A_716] {strides = array<i32>} : memref<160x128xi32, #tpu.memory_space<vmem>>, vector<1x16xi32>,
        %get3A_718 = vector.shape_cast %get3A_717 : vector<1x16xi32> to vector<16xi32>
        %add3A_719 = vector.broadcast %add3A_8 : i32 to vector<16xi32>
        %add3A_720 = arith.addi %get3A_718, %add3A_719 : vector<16xi32>
        %swap3A_721 = arith.constant 80 : index
        %swap3A_722 = tpu.vector_load %arg17[%swap3A_721] {strides = array<i32>} : memref<128xi32, #tpu.memory_space<vmem>>, vector<16xi32>,
        %swap3A_723 = vector.shape_cast %swap3A_722 : vector<16xi32> to vector<16xi32>
        %swap3A_724 = vector.shape_cast %add3A_720 : vector<16xi32> to vector<16xi32>
        tpu.vector_store %arg17[%swap3A_721], %swap3A_724 {strides = array<i32>} : memref<128xi32, #tpu.memory_space<vmem>>, vector<16xi32>,
        %get3A_725 = arith.index_cast %sub3A_664 : i32 to index
        %get3A_726 = arith.constant 96 : index
        %get3A_727 = tpu.vector_load %arg13[%get3A_725, %get3A_726] {strides = array<i32>} : memref<160x128xi32, #tpu.memory_space<vmem>>, vector<1x16xi32>,
        %get3A_728 = vector.shape_cast %get3A_727 : vector<1x16xi32> to vector<16xi32>
        %add3A_729 = vector.broadcast %add3A_8 : i32 to vector<16xi32>
        %add3A_730 = arith.addi %get3A_728, %add3A_729 : vector<16xi32>
        %swap3A_731 = arith.constant 96 : index
        %swap3A_732 = tpu.vector_load %arg17[%swap3A_731] {strides = array<i32>} : memref<128xi32, #tpu.memory_space<vmem>>, vector<16xi32>,
        %swap3A_733 = vector.shape_cast %swap3A_732 : vector<16xi32> to vector<16xi32>
        %swap3A_734 = vector.shape_cast %add3A_730 : vector<16xi32> to vector<16xi32>
        tpu.vector_store %arg17[%swap3A_731], %swap3A_734 {strides = array<i32>} : memref<128xi32, #tpu.memory_space<vmem>>, vector<16xi32>,
        %get3A_735 = arith.index_cast %sub3A_664 : i32 to index
        %get3A_736 = arith.constant 112 : index
        %get3A_737 = tpu.vector_load %arg13[%get3A_735, %get3A_736] {strides = array<i32>} : memref<160x128xi32, #tpu.memory_space<vmem>>, vector<1x16xi32>,
        %get3A_738 = vector.shape_cast %get3A_737 : vector<1x16xi32> to vector<16xi32>
        %add3A_739 = vector.broadcast %add3A_8 : i32 to vector<16xi32>
        %add3A_740 = arith.addi %get3A_738, %add3A_739 : vector<16xi32>
        %swap3A_741 = arith.constant 112 : index
        %swap3A_742 = tpu.vector_load %arg17[%swap3A_741] {strides = array<i32>} : memref<128xi32, #tpu.memory_space<vmem>>, vector<16xi32>,
        %swap3A_743 = vector.shape_cast %swap3A_742 : vector<16xi32> to vector<16xi32>
        %swap3A_744 = vector.shape_cast %add3A_740 : vector<16xi32> to vector<16xi32>
        tpu.vector_store %arg17[%swap3A_741], %swap3A_744 {strides = array<i32>} : memref<128xi32, #tpu.memory_space<vmem>>, vector<16xi32>,
        %dma_start3A_745 = arith.constant 0 : i32
        %dma_start3A_746 = arith.constant 0 : i32
        %dma_start3A_747 = tpu.memref_slice %arg2[%dma_start3A_745, %dma_start3A_746] : memref<160000x64xf32, #tpu.memory_space<hbm>> -> memref<160000x64xf32, #tpu.memory_space<hbm>>
        tpu.enqueue_indirect_dma source(%dma_start3A_747 : memref<160000x64xf32, #tpu.memory_space<hbm>>) target(%arg21 : memref<128x64xf32, #tpu.memory_space<vmem>>) offsets(%arg17 : memref<128xi32, #tpu.memory_space<vmem>>) semaphore(%arg26 : memref<!tpu.dma_semaphore, #tpu.memory_space<semaphore_mem>>)
      } else {
      }
      %dma_wait3A_648 = arith.constant 0 : i32
      %dma_wait3A_649 = arith.constant 0 : i32
      %dma_wait3A_650 = tpu.memref_slice %arg2[%dma_wait3A_648, %dma_wait3A_649] : memref<160000x64xf32, #tpu.memory_space<hbm>> -> memref<160000x64xf32, #tpu.memory_space<hbm>>
      tpu.wait_indirect_dma semaphore(%arg27 : memref<!tpu.dma_semaphore, #tpu.memory_space<semaphore_mem>>) src(%dma_wait3A_650 : memref<160000x64xf32, #tpu.memory_space<hbm>>) dst(%arg22 : memref<128x64xf32, #tpu.memory_space<vmem>>)
      "tpu.region"() ({
        %run_scoped3A = tpu.sem_alloc : memref<!tpu.dma_semaphore, #tpu.memory_space<semaphore_mem>>
        %dma_start3A_661 = arith.constant 0 : i32
        %dma_start3A_662 = tpu.memref_slice %arg14[%add3A_638, %dma_start3A_661] : memref<160x128xi32, #tpu.memory_space<vmem>> -> memref<1x128xi32, #tpu.memory_space<vmem>>
        %dma_start3A_663 = tpu.memref_squeeze %dma_start3A_662 : memref<1x128xi32, #tpu.memory_space<vmem>> -> memref<128xi32, #tpu.memory_space<vmem>>
        %dma_start3A_664 = arith.constant 0 : i32
        %dma_start3A_665 = arith.constant 0 : i32
        %dma_start3A_666 = tpu.memref_slice %arg11[%dma_start3A_664, %dma_start3A_665] : memref<10240x64xf32, #tpu.memory_space<vmem_shared>> -> memref<10240x64xf32, #tpu.memory_space<vmem_shared>>
        tpu.enqueue_indirect_dma source(%arg22 : memref<128x64xf32, #tpu.memory_space<vmem>>) target(%dma_start3A_666 : memref<10240x64xf32, #tpu.memory_space<vmem_shared>>) offsets(%dma_start3A_663 : memref<128xi32, #tpu.memory_space<vmem>>) semaphore(%run_scoped3A : memref<!tpu.dma_semaphore, #tpu.memory_space<semaphore_mem>>) {add = true}
        %dma_wait3A_667 = arith.constant 0 : i32
        %dma_wait3A_668 = tpu.memref_slice %arg14[%add3A_638, %dma_wait3A_667] : memref<160x128xi32, #tpu.memory_space<vmem>> -> memref<1x128xi32, #tpu.memory_space<vmem>>
        %dma_wait3A_669 = tpu.memref_squeeze %dma_wait3A_668 : memref<1x128xi32, #tpu.memory_space<vmem>> -> memref<128xi32, #tpu.memory_space<vmem>>
        %dma_wait3A_670 = arith.constant 0 : i32
        %dma_wait3A_671 = arith.constant 0 : i32
        %dma_wait3A_672 = tpu.memref_slice %arg11[%dma_wait3A_670, %dma_wait3A_671] : memref<10240x64xf32, #tpu.memory_space<vmem_shared>> -> memref<10240x64xf32, #tpu.memory_space<vmem_shared>>
        tpu.wait_indirect_dma semaphore(%run_scoped3A : memref<!tpu.dma_semaphore, #tpu.memory_space<semaphore_mem>>) src(%arg22 : memref<128x64xf32, #tpu.memory_space<vmem>>) dst(%dma_wait3A_672 : memref<10240x64xf32, #tpu.memory_space<vmem_shared>>)
        tpu.yield
      }) : () -> ()
      %lt3A_651 = arith.constant 80 : i32
      %lt3A_652 = arith.cmpi slt, %add3A_638, %lt3A_651 : i32
      %eq3A_653 = arith.constant 0 : i32
      %eq3A_654 = arith.cmpi eq, %arg0, %eq3A_653 : i32
      %eq3A_655 = arith.xori %lt3A_652, %eq3A_654 : i1
      %eq3A_656 = arith.constant true
      %eq3A_657 = arith.xori %eq3A_655, %eq3A_656 : i1
      %convert_element_type3A_658 = arith.extui %eq3A_657 : i1 to i32
      %cond3A_659 = arith.constant 0 : i32
      %cond3A_660 = arith.cmpi ne, %convert_element_type3A_658, %cond3A_659 : i32
      scf.if %cond3A_660 {
        "tpu.region"() ({
          %run_scoped3A = tpu.sem_alloc : memref<!tpu.dma_semaphore, #tpu.memory_space<semaphore_mem>>
          %dma_start3A_661 = arith.constant 0 : i32
          %dma_start3A_662 = tpu.memref_slice %arg14[%add3A_638, %dma_start3A_661] : memref<160x128xi32, #tpu.memory_space<vmem>> -> memref<1x128xi32, #tpu.memory_space<vmem>>
          %dma_start3A_663 = tpu.memref_squeeze %dma_start3A_662 : memref<1x128xi32, #tpu.memory_space<vmem>> -> memref<128xi32, #tpu.memory_space<vmem>>
          %dma_start3A_664 = arith.constant 0 : i32
          %dma_start3A_665 = arith.constant 0 : i32
          %dma_start3A_666 = tpu.memref_slice %arg12[%dma_start3A_664, %dma_start3A_665] : memref<10240x16xf32, #tpu.memory_space<vmem_shared>> -> memref<10240x16xf32, #tpu.memory_space<vmem_shared>>
          tpu.enqueue_indirect_dma source(%arg23 : memref<128x16xf32, #tpu.memory_space<vmem>>) target(%dma_start3A_666 : memref<10240x16xf32, #tpu.memory_space<vmem_shared>>) offsets(%dma_start3A_663 : memref<128xi32, #tpu.memory_space<vmem>>) semaphore(%run_scoped3A : memref<!tpu.dma_semaphore, #tpu.memory_space<semaphore_mem>>) {add = true}
          %dma_wait3A_667 = arith.constant 0 : i32
          %dma_wait3A_668 = tpu.memref_slice %arg14[%add3A_638, %dma_wait3A_667] : memref<160x128xi32, #tpu.memory_space<vmem>> -> memref<1x128xi32, #tpu.memory_space<vmem>>
          %dma_wait3A_669 = tpu.memref_squeeze %dma_wait3A_668 : memref<1x128xi32, #tpu.memory_space<vmem>> -> memref<128xi32, #tpu.memory_space<vmem>>
          %dma_wait3A_670 = arith.constant 0 : i32
          %dma_wait3A_671 = arith.constant 0 : i32
          %dma_wait3A_672 = tpu.memref_slice %arg12[%dma_wait3A_670, %dma_wait3A_671] : memref<10240x16xf32, #tpu.memory_space<vmem_shared>> -> memref<10240x16xf32, #tpu.memory_space<vmem_shared>>
          tpu.wait_indirect_dma semaphore(%run_scoped3A : memref<!tpu.dma_semaphore, #tpu.memory_space<semaphore_mem>>) src(%arg23 : memref<128x16xf32, #tpu.memory_space<vmem>>) dst(%dma_wait3A_672 : memref<10240x16xf32, #tpu.memory_space<vmem_shared>>)
          tpu.yield
        }) : () -> ()
      } else {
      }
    }
    %scan3A_283 = arith.constant 40 : i32
    %barrier3A_284 = arith.constant 0 : index
    tpu.barrier barrier_id(%barrier3A_284)
    "tpu.region"() ({
      %run_scoped3A = tpu.sem_alloc : memref<!tpu.dma_semaphore, #tpu.memory_space<semaphore_mem>>
      %dma_start3A_568 = arith.constant 0 : i32
      %dma_start3A_569 = tpu.memref_slice %arg8[%add3A, %dma_start3A_568] : memref<20000x64xf32, #tpu.memory_space<hbm>> -> memref<625x64xf32, #tpu.memory_space<hbm>>
      %dma_start3A_570 = arith.constant 0 : i32
      %dma_start3A_571 = tpu.memref_slice %arg11[%mul3A_2, %dma_start3A_570] : memref<10240x64xf32, #tpu.memory_space<vmem_shared>> -> memref<625x64xf32, #tpu.memory_space<vmem_shared>>
      tpu.enqueue_dma source(%dma_start3A_571 : memref<625x64xf32, #tpu.memory_space<vmem_shared>>) target(%dma_start3A_569 : memref<625x64xf32, #tpu.memory_space<hbm>>) target_semaphore(%run_scoped3A : memref<!tpu.dma_semaphore, #tpu.memory_space<semaphore_mem>>)
      %dma_wait3A = arith.constant 0 : i32
      %dma_wait3A_572 = tpu.memref_slice %arg8[%add3A, %dma_wait3A] : memref<20000x64xf32, #tpu.memory_space<hbm>> -> memref<625x64xf32, #tpu.memory_space<hbm>>
      %dma_wait3A_573 = arith.constant 0 : i32
      %dma_wait3A_574 = tpu.memref_slice %arg11[%mul3A_2, %dma_wait3A_573] : memref<10240x64xf32, #tpu.memory_space<vmem_shared>> -> memref<625x64xf32, #tpu.memory_space<vmem_shared>>
      tpu.wait_dma2 semaphore(%run_scoped3A : memref<!tpu.dma_semaphore, #tpu.memory_space<semaphore_mem>>) src(%dma_wait3A_574 : memref<625x64xf32, #tpu.memory_space<vmem_shared>>) dst(%dma_wait3A_572 : memref<625x64xf32, #tpu.memory_space<hbm>>)
      tpu.yield
    }) : () -> ()
    "tpu.region"() ({
      %run_scoped3A = tpu.sem_alloc : memref<!tpu.dma_semaphore, #tpu.memory_space<semaphore_mem>>
      %dma_start3A_568 = arith.constant 0 : i32
      %dma_start3A_569 = tpu.memref_slice %arg10[%add3A, %dma_start3A_568] : memref<20000x16xf32, #tpu.memory_space<hbm>> -> memref<625x16xf32, #tpu.memory_space<hbm>>
      %dma_start3A_570 = arith.constant 0 : i32
      %dma_start3A_571 = tpu.memref_slice %arg12[%mul3A_2, %dma_start3A_570] : memref<10240x16xf32, #tpu.memory_space<vmem_shared>> -> memref<625x16xf32, #tpu.memory_space<vmem_shared>>
      tpu.enqueue_dma source(%dma_start3A_571 : memref<625x16xf32, #tpu.memory_space<vmem_shared>>) target(%dma_start3A_569 : memref<625x16xf32, #tpu.memory_space<hbm>>) target_semaphore(%run_scoped3A : memref<!tpu.dma_semaphore, #tpu.memory_space<semaphore_mem>>)
      %dma_wait3A = arith.constant 0 : i32
      %dma_wait3A_572 = tpu.memref_slice %arg10[%add3A, %dma_wait3A] : memref<20000x16xf32, #tpu.memory_space<hbm>> -> memref<625x16xf32, #tpu.memory_space<hbm>>
      %dma_wait3A_573 = arith.constant 0 : i32
      %dma_wait3A_574 = tpu.memref_slice %arg12[%mul3A_2, %dma_wait3A_573] : memref<10240x16xf32, #tpu.memory_space<vmem_shared>> -> memref<625x16xf32, #tpu.memory_space<vmem_shared>>
      tpu.wait_dma2 semaphore(%run_scoped3A : memref<!tpu.dma_semaphore, #tpu.memory_space<semaphore_mem>>) src(%dma_wait3A_574 : memref<625x16xf32, #tpu.memory_space<vmem_shared>>) dst(%dma_wait3A_572 : memref<625x16xf32, #tpu.memory_space<hbm>>)
      tpu.yield
    }) : () -> ()
    "tpu.region"() ({
      %run_scoped3A = tpu.sem_alloc : memref<!tpu.dma_semaphore, #tpu.memory_space<semaphore_mem>>
      %dma_start3A_568 = arith.constant 0 : i32
      %dma_start3A_569 = tpu.memref_slice %arg11[%mul3A_0, %dma_start3A_568] : memref<10240x64xf32, #tpu.memory_space<vmem_shared>> -> memref<640x64xf32, #tpu.memory_space<vmem_shared>>
      %dma_start3A_570 = arith.constant 0 : i32
      %dma_start3A_571 = tpu.memref_slice %arg5[%mul3A_0, %dma_start3A_570] : memref<10240x64xf32, #tpu.memory_space<hbm>> -> memref<640x64xf32, #tpu.memory_space<hbm>>
      tpu.enqueue_dma source(%dma_start3A_571 : memref<640x64xf32, #tpu.memory_space<hbm>>) target(%dma_start3A_569 : memref<640x64xf32, #tpu.memory_space<vmem_shared>>) target_semaphore(%run_scoped3A : memref<!tpu.dma_semaphore, #tpu.memory_space<semaphore_mem>>)
      %dma_wait3A = arith.constant 0 : i32
      %dma_wait3A_572 = tpu.memref_slice %arg11[%mul3A_0, %dma_wait3A] : memref<10240x64xf32, #tpu.memory_space<vmem_shared>> -> memref<640x64xf32, #tpu.memory_space<vmem_shared>>
      %dma_wait3A_573 = arith.constant 0 : i32
      %dma_wait3A_574 = tpu.memref_slice %arg5[%mul3A_0, %dma_wait3A_573] : memref<10240x64xf32, #tpu.memory_space<hbm>> -> memref<640x64xf32, #tpu.memory_space<hbm>>
      tpu.wait_dma2 semaphore(%run_scoped3A : memref<!tpu.dma_semaphore, #tpu.memory_space<semaphore_mem>>) src(%dma_wait3A_574 : memref<640x64xf32, #tpu.memory_space<hbm>>) dst(%dma_wait3A_572 : memref<640x64xf32, #tpu.memory_space<vmem_shared>>)
      tpu.yield
    }) : () -> ()
    %barrier3A_285 = arith.constant 0 : index
    tpu.barrier barrier_id(%barrier3A_285)
    %add3A_286 = arith.constant 80000 : i32
    %add3A_287 = arith.addi %add3A_286, %arg0 : i32
    %get3A_288 = arith.constant 0 : i32
    %get3A_289 = arith.index_cast %get3A_288 : i32 to index
    %get3A_290 = arith.constant 0 : index
    %get3A_291 = tpu.vector_load %arg13[%get3A_289, %get3A_290] {strides = array<i32>} : memref<160x128xi32, #tpu.memory_space<vmem>>, vector<1x16xi32>,
    %get3A_292 = vector.shape_cast %get3A_291 : vector<1x16xi32> to vector<16xi32>
    %add3A_293 = vector.broadcast %add3A_287 : i32 to vector<16xi32>
    %add3A_294 = arith.addi %get3A_292, %add3A_293 : vector<16xi32>
    %swap3A_295 = arith.constant 0 : index
    %swap3A_296 = tpu.vector_load %arg15[%swap3A_295] {strides = array<i32>} : memref<128xi32, #tpu.memory_space<vmem>>, vector<16xi32>,
    %swap3A_297 = vector.shape_cast %swap3A_296 : vector<16xi32> to vector<16xi32>
    %swap3A_298 = vector.shape_cast %add3A_294 : vector<16xi32> to vector<16xi32>
    tpu.vector_store %arg15[%swap3A_295], %swap3A_298 {strides = array<i32>} : memref<128xi32, #tpu.memory_space<vmem>>, vector<16xi32>,
    %get3A_299 = arith.constant 0 : i32
    %get3A_300 = arith.index_cast %get3A_299 : i32 to index
    %get3A_301 = arith.constant 16 : index
    %get3A_302 = tpu.vector_load %arg13[%get3A_300, %get3A_301] {strides = array<i32>} : memref<160x128xi32, #tpu.memory_space<vmem>>, vector<1x16xi32>,
    %get3A_303 = vector.shape_cast %get3A_302 : vector<1x16xi32> to vector<16xi32>
    %add3A_304 = vector.broadcast %add3A_287 : i32 to vector<16xi32>
    %add3A_305 = arith.addi %get3A_303, %add3A_304 : vector<16xi32>
    %swap3A_306 = arith.constant 16 : index
    %swap3A_307 = tpu.vector_load %arg15[%swap3A_306] {strides = array<i32>} : memref<128xi32, #tpu.memory_space<vmem>>, vector<16xi32>,
    %swap3A_308 = vector.shape_cast %swap3A_307 : vector<16xi32> to vector<16xi32>
    %swap3A_309 = vector.shape_cast %add3A_305 : vector<16xi32> to vector<16xi32>
    tpu.vector_store %arg15[%swap3A_306], %swap3A_309 {strides = array<i32>} : memref<128xi32, #tpu.memory_space<vmem>>, vector<16xi32>,
    %get3A_310 = arith.constant 0 : i32
    %get3A_311 = arith.index_cast %get3A_310 : i32 to index
    %get3A_312 = arith.constant 32 : index
    %get3A_313 = tpu.vector_load %arg13[%get3A_311, %get3A_312] {strides = array<i32>} : memref<160x128xi32, #tpu.memory_space<vmem>>, vector<1x16xi32>,
    %get3A_314 = vector.shape_cast %get3A_313 : vector<1x16xi32> to vector<16xi32>
    %add3A_315 = vector.broadcast %add3A_287 : i32 to vector<16xi32>
    %add3A_316 = arith.addi %get3A_314, %add3A_315 : vector<16xi32>
    %swap3A_317 = arith.constant 32 : index
    %swap3A_318 = tpu.vector_load %arg15[%swap3A_317] {strides = array<i32>} : memref<128xi32, #tpu.memory_space<vmem>>, vector<16xi32>,
    %swap3A_319 = vector.shape_cast %swap3A_318 : vector<16xi32> to vector<16xi32>
    %swap3A_320 = vector.shape_cast %add3A_316 : vector<16xi32> to vector<16xi32>
    tpu.vector_store %arg15[%swap3A_317], %swap3A_320 {strides = array<i32>} : memref<128xi32, #tpu.memory_space<vmem>>, vector<16xi32>,
    %get3A_321 = arith.constant 0 : i32
    %get3A_322 = arith.index_cast %get3A_321 : i32 to index
    %get3A_323 = arith.constant 48 : index
    %get3A_324 = tpu.vector_load %arg13[%get3A_322, %get3A_323] {strides = array<i32>} : memref<160x128xi32, #tpu.memory_space<vmem>>, vector<1x16xi32>,
    %get3A_325 = vector.shape_cast %get3A_324 : vector<1x16xi32> to vector<16xi32>
    %add3A_326 = vector.broadcast %add3A_287 : i32 to vector<16xi32>
    %add3A_327 = arith.addi %get3A_325, %add3A_326 : vector<16xi32>
    %swap3A_328 = arith.constant 48 : index
    %swap3A_329 = tpu.vector_load %arg15[%swap3A_328] {strides = array<i32>} : memref<128xi32, #tpu.memory_space<vmem>>, vector<16xi32>,
    %swap3A_330 = vector.shape_cast %swap3A_329 : vector<16xi32> to vector<16xi32>
    %swap3A_331 = vector.shape_cast %add3A_327 : vector<16xi32> to vector<16xi32>
    tpu.vector_store %arg15[%swap3A_328], %swap3A_331 {strides = array<i32>} : memref<128xi32, #tpu.memory_space<vmem>>, vector<16xi32>,
    %get3A_332 = arith.constant 0 : i32
    %get3A_333 = arith.index_cast %get3A_332 : i32 to index
    %get3A_334 = arith.constant 64 : index
    %get3A_335 = tpu.vector_load %arg13[%get3A_333, %get3A_334] {strides = array<i32>} : memref<160x128xi32, #tpu.memory_space<vmem>>, vector<1x16xi32>,
    %get3A_336 = vector.shape_cast %get3A_335 : vector<1x16xi32> to vector<16xi32>
    %add3A_337 = vector.broadcast %add3A_287 : i32 to vector<16xi32>
    %add3A_338 = arith.addi %get3A_336, %add3A_337 : vector<16xi32>
    %swap3A_339 = arith.constant 64 : index
    %swap3A_340 = tpu.vector_load %arg15[%swap3A_339] {strides = array<i32>} : memref<128xi32, #tpu.memory_space<vmem>>, vector<16xi32>,
    %swap3A_341 = vector.shape_cast %swap3A_340 : vector<16xi32> to vector<16xi32>
    %swap3A_342 = vector.shape_cast %add3A_338 : vector<16xi32> to vector<16xi32>
    tpu.vector_store %arg15[%swap3A_339], %swap3A_342 {strides = array<i32>} : memref<128xi32, #tpu.memory_space<vmem>>, vector<16xi32>,
    %get3A_343 = arith.constant 0 : i32
    %get3A_344 = arith.index_cast %get3A_343 : i32 to index
    %get3A_345 = arith.constant 80 : index
    %get3A_346 = tpu.vector_load %arg13[%get3A_344, %get3A_345] {strides = array<i32>} : memref<160x128xi32, #tpu.memory_space<vmem>>, vector<1x16xi32>,
    %get3A_347 = vector.shape_cast %get3A_346 : vector<1x16xi32> to vector<16xi32>
    %add3A_348 = vector.broadcast %add3A_287 : i32 to vector<16xi32>
    %add3A_349 = arith.addi %get3A_347, %add3A_348 : vector<16xi32>
    %swap3A_350 = arith.constant 80 : index
    %swap3A_351 = tpu.vector_load %arg15[%swap3A_350] {strides = array<i32>} : memref<128xi32, #tpu.memory_space<vmem>>, vector<16xi32>,
    %swap3A_352 = vector.shape_cast %swap3A_351 : vector<16xi32> to vector<16xi32>
    %swap3A_353 = vector.shape_cast %add3A_349 : vector<16xi32> to vector<16xi32>
    tpu.vector_store %arg15[%swap3A_350], %swap3A_353 {strides = array<i32>} : memref<128xi32, #tpu.memory_space<vmem>>, vector<16xi32>,
    %get3A_354 = arith.constant 0 : i32
    %get3A_355 = arith.index_cast %get3A_354 : i32 to index
    %get3A_356 = arith.constant 96 : index
    %get3A_357 = tpu.vector_load %arg13[%get3A_355, %get3A_356] {strides = array<i32>} : memref<160x128xi32, #tpu.memory_space<vmem>>, vector<1x16xi32>,
    %get3A_358 = vector.shape_cast %get3A_357 : vector<1x16xi32> to vector<16xi32>
    %add3A_359 = vector.broadcast %add3A_287 : i32 to vector<16xi32>
    %add3A_360 = arith.addi %get3A_358, %add3A_359 : vector<16xi32>
    %swap3A_361 = arith.constant 96 : index
    %swap3A_362 = tpu.vector_load %arg15[%swap3A_361] {strides = array<i32>} : memref<128xi32, #tpu.memory_space<vmem>>, vector<16xi32>,
    %swap3A_363 = vector.shape_cast %swap3A_362 : vector<16xi32> to vector<16xi32>
    %swap3A_364 = vector.shape_cast %add3A_360 : vector<16xi32> to vector<16xi32>
    tpu.vector_store %arg15[%swap3A_361], %swap3A_364 {strides = array<i32>} : memref<128xi32, #tpu.memory_space<vmem>>, vector<16xi32>,
    %get3A_365 = arith.constant 0 : i32
    %get3A_366 = arith.index_cast %get3A_365 : i32 to index
    %get3A_367 = arith.constant 112 : index
    %get3A_368 = tpu.vector_load %arg13[%get3A_366, %get3A_367] {strides = array<i32>} : memref<160x128xi32, #tpu.memory_space<vmem>>, vector<1x16xi32>,
    %get3A_369 = vector.shape_cast %get3A_368 : vector<1x16xi32> to vector<16xi32>
    %add3A_370 = vector.broadcast %add3A_287 : i32 to vector<16xi32>
    %add3A_371 = arith.addi %get3A_369, %add3A_370 : vector<16xi32>
    %swap3A_372 = arith.constant 112 : index
    %swap3A_373 = tpu.vector_load %arg15[%swap3A_372] {strides = array<i32>} : memref<128xi32, #tpu.memory_space<vmem>>, vector<16xi32>,
    %swap3A_374 = vector.shape_cast %swap3A_373 : vector<16xi32> to vector<16xi32>
    %swap3A_375 = vector.shape_cast %add3A_371 : vector<16xi32> to vector<16xi32>
    tpu.vector_store %arg15[%swap3A_372], %swap3A_375 {strides = array<i32>} : memref<128xi32, #tpu.memory_space<vmem>>, vector<16xi32>,
    %dma_start3A_376 = arith.constant 0 : i32
    %dma_start3A_377 = arith.constant 0 : i32
    %dma_start3A_378 = tpu.memref_slice %arg2[%dma_start3A_376, %dma_start3A_377] : memref<160000x64xf32, #tpu.memory_space<hbm>> -> memref<160000x64xf32, #tpu.memory_space<hbm>>
    tpu.enqueue_indirect_dma source(%dma_start3A_378 : memref<160000x64xf32, #tpu.memory_space<hbm>>) target(%arg19 : memref<128x64xf32, #tpu.memory_space<vmem>>) offsets(%arg15 : memref<128xi32, #tpu.memory_space<vmem>>) semaphore(%arg24 : memref<!tpu.dma_semaphore, #tpu.memory_space<semaphore_mem>>)
    %get3A_379 = arith.constant 1 : i32
    %get3A_380 = arith.index_cast %get3A_379 : i32 to index
    %get3A_381 = arith.constant 0 : index
    %get3A_382 = tpu.vector_load %arg13[%get3A_380, %get3A_381] {strides = array<i32>} : memref<160x128xi32, #tpu.memory_space<vmem>>, vector<1x16xi32>,
    %get3A_383 = vector.shape_cast %get3A_382 : vector<1x16xi32> to vector<16xi32>
    %add3A_384 = vector.broadcast %add3A_287 : i32 to vector<16xi32>
    %add3A_385 = arith.addi %get3A_383, %add3A_384 : vector<16xi32>
    %swap3A_386 = arith.constant 0 : index
    %swap3A_387 = tpu.vector_load %arg16[%swap3A_386] {strides = array<i32>} : memref<128xi32, #tpu.memory_space<vmem>>, vector<16xi32>,
    %swap3A_388 = vector.shape_cast %swap3A_387 : vector<16xi32> to vector<16xi32>
    %swap3A_389 = vector.shape_cast %add3A_385 : vector<16xi32> to vector<16xi32>
    tpu.vector_store %arg16[%swap3A_386], %swap3A_389 {strides = array<i32>} : memref<128xi32, #tpu.memory_space<vmem>>, vector<16xi32>,
    %get3A_390 = arith.constant 1 : i32
    %get3A_391 = arith.index_cast %get3A_390 : i32 to index
    %get3A_392 = arith.constant 16 : index
    %get3A_393 = tpu.vector_load %arg13[%get3A_391, %get3A_392] {strides = array<i32>} : memref<160x128xi32, #tpu.memory_space<vmem>>, vector<1x16xi32>,
    %get3A_394 = vector.shape_cast %get3A_393 : vector<1x16xi32> to vector<16xi32>
    %add3A_395 = vector.broadcast %add3A_287 : i32 to vector<16xi32>
    %add3A_396 = arith.addi %get3A_394, %add3A_395 : vector<16xi32>
    %swap3A_397 = arith.constant 16 : index
    %swap3A_398 = tpu.vector_load %arg16[%swap3A_397] {strides = array<i32>} : memref<128xi32, #tpu.memory_space<vmem>>, vector<16xi32>,
    %swap3A_399 = vector.shape_cast %swap3A_398 : vector<16xi32> to vector<16xi32>
    %swap3A_400 = vector.shape_cast %add3A_396 : vector<16xi32> to vector<16xi32>
    tpu.vector_store %arg16[%swap3A_397], %swap3A_400 {strides = array<i32>} : memref<128xi32, #tpu.memory_space<vmem>>, vector<16xi32>,
    %get3A_401 = arith.constant 1 : i32
    %get3A_402 = arith.index_cast %get3A_401 : i32 to index
    %get3A_403 = arith.constant 32 : index
    %get3A_404 = tpu.vector_load %arg13[%get3A_402, %get3A_403] {strides = array<i32>} : memref<160x128xi32, #tpu.memory_space<vmem>>, vector<1x16xi32>,
    %get3A_405 = vector.shape_cast %get3A_404 : vector<1x16xi32> to vector<16xi32>
    %add3A_406 = vector.broadcast %add3A_287 : i32 to vector<16xi32>
    %add3A_407 = arith.addi %get3A_405, %add3A_406 : vector<16xi32>
    %swap3A_408 = arith.constant 32 : index
    %swap3A_409 = tpu.vector_load %arg16[%swap3A_408] {strides = array<i32>} : memref<128xi32, #tpu.memory_space<vmem>>, vector<16xi32>,
    %swap3A_410 = vector.shape_cast %swap3A_409 : vector<16xi32> to vector<16xi32>
    %swap3A_411 = vector.shape_cast %add3A_407 : vector<16xi32> to vector<16xi32>
    tpu.vector_store %arg16[%swap3A_408], %swap3A_411 {strides = array<i32>} : memref<128xi32, #tpu.memory_space<vmem>>, vector<16xi32>,
    %get3A_412 = arith.constant 1 : i32
    %get3A_413 = arith.index_cast %get3A_412 : i32 to index
    %get3A_414 = arith.constant 48 : index
    %get3A_415 = tpu.vector_load %arg13[%get3A_413, %get3A_414] {strides = array<i32>} : memref<160x128xi32, #tpu.memory_space<vmem>>, vector<1x16xi32>,
    %get3A_416 = vector.shape_cast %get3A_415 : vector<1x16xi32> to vector<16xi32>
    %add3A_417 = vector.broadcast %add3A_287 : i32 to vector<16xi32>
    %add3A_418 = arith.addi %get3A_416, %add3A_417 : vector<16xi32>
    %swap3A_419 = arith.constant 48 : index
    %swap3A_420 = tpu.vector_load %arg16[%swap3A_419] {strides = array<i32>} : memref<128xi32, #tpu.memory_space<vmem>>, vector<16xi32>,
    %swap3A_421 = vector.shape_cast %swap3A_420 : vector<16xi32> to vector<16xi32>
    %swap3A_422 = vector.shape_cast %add3A_418 : vector<16xi32> to vector<16xi32>
    tpu.vector_store %arg16[%swap3A_419], %swap3A_422 {strides = array<i32>} : memref<128xi32, #tpu.memory_space<vmem>>, vector<16xi32>,
    %get3A_423 = arith.constant 1 : i32
    %get3A_424 = arith.index_cast %get3A_423 : i32 to index
    %get3A_425 = arith.constant 64 : index
    %get3A_426 = tpu.vector_load %arg13[%get3A_424, %get3A_425] {strides = array<i32>} : memref<160x128xi32, #tpu.memory_space<vmem>>, vector<1x16xi32>,
    %get3A_427 = vector.shape_cast %get3A_426 : vector<1x16xi32> to vector<16xi32>
    %add3A_428 = vector.broadcast %add3A_287 : i32 to vector<16xi32>
    %add3A_429 = arith.addi %get3A_427, %add3A_428 : vector<16xi32>
    %swap3A_430 = arith.constant 64 : index
    %swap3A_431 = tpu.vector_load %arg16[%swap3A_430] {strides = array<i32>} : memref<128xi32, #tpu.memory_space<vmem>>, vector<16xi32>,
    %swap3A_432 = vector.shape_cast %swap3A_431 : vector<16xi32> to vector<16xi32>
    %swap3A_433 = vector.shape_cast %add3A_429 : vector<16xi32> to vector<16xi32>
    tpu.vector_store %arg16[%swap3A_430], %swap3A_433 {strides = array<i32>} : memref<128xi32, #tpu.memory_space<vmem>>, vector<16xi32>,
    %get3A_434 = arith.constant 1 : i32
    %get3A_435 = arith.index_cast %get3A_434 : i32 to index
    %get3A_436 = arith.constant 80 : index
    %get3A_437 = tpu.vector_load %arg13[%get3A_435, %get3A_436] {strides = array<i32>} : memref<160x128xi32, #tpu.memory_space<vmem>>, vector<1x16xi32>,
    %get3A_438 = vector.shape_cast %get3A_437 : vector<1x16xi32> to vector<16xi32>
    %add3A_439 = vector.broadcast %add3A_287 : i32 to vector<16xi32>
    %add3A_440 = arith.addi %get3A_438, %add3A_439 : vector<16xi32>
    %swap3A_441 = arith.constant 80 : index
    %swap3A_442 = tpu.vector_load %arg16[%swap3A_441] {strides = array<i32>} : memref<128xi32, #tpu.memory_space<vmem>>, vector<16xi32>,
    %swap3A_443 = vector.shape_cast %swap3A_442 : vector<16xi32> to vector<16xi32>
    %swap3A_444 = vector.shape_cast %add3A_440 : vector<16xi32> to vector<16xi32>
    tpu.vector_store %arg16[%swap3A_441], %swap3A_444 {strides = array<i32>} : memref<128xi32, #tpu.memory_space<vmem>>, vector<16xi32>,
    %get3A_445 = arith.constant 1 : i32
    %get3A_446 = arith.index_cast %get3A_445 : i32 to index
    %get3A_447 = arith.constant 96 : index
    %get3A_448 = tpu.vector_load %arg13[%get3A_446, %get3A_447] {strides = array<i32>} : memref<160x128xi32, #tpu.memory_space<vmem>>, vector<1x16xi32>,
    %get3A_449 = vector.shape_cast %get3A_448 : vector<1x16xi32> to vector<16xi32>
    %add3A_450 = vector.broadcast %add3A_287 : i32 to vector<16xi32>
    %add3A_451 = arith.addi %get3A_449, %add3A_450 : vector<16xi32>
    %swap3A_452 = arith.constant 96 : index
    %swap3A_453 = tpu.vector_load %arg16[%swap3A_452] {strides = array<i32>} : memref<128xi32, #tpu.memory_space<vmem>>, vector<16xi32>,
    %swap3A_454 = vector.shape_cast %swap3A_453 : vector<16xi32> to vector<16xi32>
    %swap3A_455 = vector.shape_cast %add3A_451 : vector<16xi32> to vector<16xi32>
    tpu.vector_store %arg16[%swap3A_452], %swap3A_455 {strides = array<i32>} : memref<128xi32, #tpu.memory_space<vmem>>, vector<16xi32>,
    %get3A_456 = arith.constant 1 : i32
    %get3A_457 = arith.index_cast %get3A_456 : i32 to index
    %get3A_458 = arith.constant 112 : index
    %get3A_459 = tpu.vector_load %arg13[%get3A_457, %get3A_458] {strides = array<i32>} : memref<160x128xi32, #tpu.memory_space<vmem>>, vector<1x16xi32>,
    %get3A_460 = vector.shape_cast %get3A_459 : vector<1x16xi32> to vector<16xi32>
    %add3A_461 = vector.broadcast %add3A_287 : i32 to vector<16xi32>
    %add3A_462 = arith.addi %get3A_460, %add3A_461 : vector<16xi32>
    %swap3A_463 = arith.constant 112 : index
    %swap3A_464 = tpu.vector_load %arg16[%swap3A_463] {strides = array<i32>} : memref<128xi32, #tpu.memory_space<vmem>>, vector<16xi32>,
    %swap3A_465 = vector.shape_cast %swap3A_464 : vector<16xi32> to vector<16xi32>
    %swap3A_466 = vector.shape_cast %add3A_462 : vector<16xi32> to vector<16xi32>
    tpu.vector_store %arg16[%swap3A_463], %swap3A_466 {strides = array<i32>} : memref<128xi32, #tpu.memory_space<vmem>>, vector<16xi32>,
    %dma_start3A_467 = arith.constant 0 : i32
    %dma_start3A_468 = arith.constant 0 : i32
    %dma_start3A_469 = tpu.memref_slice %arg2[%dma_start3A_467, %dma_start3A_468] : memref<160000x64xf32, #tpu.memory_space<hbm>> -> memref<160000x64xf32, #tpu.memory_space<hbm>>
    tpu.enqueue_indirect_dma source(%dma_start3A_469 : memref<160000x64xf32, #tpu.memory_space<hbm>>) target(%arg20 : memref<128x64xf32, #tpu.memory_space<vmem>>) offsets(%arg16 : memref<128xi32, #tpu.memory_space<vmem>>) semaphore(%arg25 : memref<!tpu.dma_semaphore, #tpu.memory_space<semaphore_mem>>)
    %get3A_470 = arith.constant 2 : i32
    %get3A_471 = arith.index_cast %get3A_470 : i32 to index
    %get3A_472 = arith.constant 0 : index
    %get3A_473 = tpu.vector_load %arg13[%get3A_471, %get3A_472] {strides = array<i32>} : memref<160x128xi32, #tpu.memory_space<vmem>>, vector<1x16xi32>,
    %get3A_474 = vector.shape_cast %get3A_473 : vector<1x16xi32> to vector<16xi32>
    %add3A_475 = vector.broadcast %add3A_287 : i32 to vector<16xi32>
    %add3A_476 = arith.addi %get3A_474, %add3A_475 : vector<16xi32>
    %swap3A_477 = arith.constant 0 : index
    %swap3A_478 = tpu.vector_load %arg17[%swap3A_477] {strides = array<i32>} : memref<128xi32, #tpu.memory_space<vmem>>, vector<16xi32>,
    %swap3A_479 = vector.shape_cast %swap3A_478 : vector<16xi32> to vector<16xi32>
    %swap3A_480 = vector.shape_cast %add3A_476 : vector<16xi32> to vector<16xi32>
    tpu.vector_store %arg17[%swap3A_477], %swap3A_480 {strides = array<i32>} : memref<128xi32, #tpu.memory_space<vmem>>, vector<16xi32>,
    %get3A_481 = arith.constant 2 : i32
    %get3A_482 = arith.index_cast %get3A_481 : i32 to index
    %get3A_483 = arith.constant 16 : index
    %get3A_484 = tpu.vector_load %arg13[%get3A_482, %get3A_483] {strides = array<i32>} : memref<160x128xi32, #tpu.memory_space<vmem>>, vector<1x16xi32>,
    %get3A_485 = vector.shape_cast %get3A_484 : vector<1x16xi32> to vector<16xi32>
    %add3A_486 = vector.broadcast %add3A_287 : i32 to vector<16xi32>
    %add3A_487 = arith.addi %get3A_485, %add3A_486 : vector<16xi32>
    %swap3A_488 = arith.constant 16 : index
    %swap3A_489 = tpu.vector_load %arg17[%swap3A_488] {strides = array<i32>} : memref<128xi32, #tpu.memory_space<vmem>>, vector<16xi32>,
    %swap3A_490 = vector.shape_cast %swap3A_489 : vector<16xi32> to vector<16xi32>
    %swap3A_491 = vector.shape_cast %add3A_487 : vector<16xi32> to vector<16xi32>
    tpu.vector_store %arg17[%swap3A_488], %swap3A_491 {strides = array<i32>} : memref<128xi32, #tpu.memory_space<vmem>>, vector<16xi32>,
    %get3A_492 = arith.constant 2 : i32
    %get3A_493 = arith.index_cast %get3A_492 : i32 to index
    %get3A_494 = arith.constant 32 : index
    %get3A_495 = tpu.vector_load %arg13[%get3A_493, %get3A_494] {strides = array<i32>} : memref<160x128xi32, #tpu.memory_space<vmem>>, vector<1x16xi32>,
    %get3A_496 = vector.shape_cast %get3A_495 : vector<1x16xi32> to vector<16xi32>
    %add3A_497 = vector.broadcast %add3A_287 : i32 to vector<16xi32>
    %add3A_498 = arith.addi %get3A_496, %add3A_497 : vector<16xi32>
    %swap3A_499 = arith.constant 32 : index
    %swap3A_500 = tpu.vector_load %arg17[%swap3A_499] {strides = array<i32>} : memref<128xi32, #tpu.memory_space<vmem>>, vector<16xi32>,
    %swap3A_501 = vector.shape_cast %swap3A_500 : vector<16xi32> to vector<16xi32>
    %swap3A_502 = vector.shape_cast %add3A_498 : vector<16xi32> to vector<16xi32>
    tpu.vector_store %arg17[%swap3A_499], %swap3A_502 {strides = array<i32>} : memref<128xi32, #tpu.memory_space<vmem>>, vector<16xi32>,
    %get3A_503 = arith.constant 2 : i32
    %get3A_504 = arith.index_cast %get3A_503 : i32 to index
    %get3A_505 = arith.constant 48 : index
    %get3A_506 = tpu.vector_load %arg13[%get3A_504, %get3A_505] {strides = array<i32>} : memref<160x128xi32, #tpu.memory_space<vmem>>, vector<1x16xi32>,
    %get3A_507 = vector.shape_cast %get3A_506 : vector<1x16xi32> to vector<16xi32>
    %add3A_508 = vector.broadcast %add3A_287 : i32 to vector<16xi32>
    %add3A_509 = arith.addi %get3A_507, %add3A_508 : vector<16xi32>
    %swap3A_510 = arith.constant 48 : index
    %swap3A_511 = tpu.vector_load %arg17[%swap3A_510] {strides = array<i32>} : memref<128xi32, #tpu.memory_space<vmem>>, vector<16xi32>,
    %swap3A_512 = vector.shape_cast %swap3A_511 : vector<16xi32> to vector<16xi32>
    %swap3A_513 = vector.shape_cast %add3A_509 : vector<16xi32> to vector<16xi32>
    tpu.vector_store %arg17[%swap3A_510], %swap3A_513 {strides = array<i32>} : memref<128xi32, #tpu.memory_space<vmem>>, vector<16xi32>,
    %get3A_514 = arith.constant 2 : i32
    %get3A_515 = arith.index_cast %get3A_514 : i32 to index
    %get3A_516 = arith.constant 64 : index
    %get3A_517 = tpu.vector_load %arg13[%get3A_515, %get3A_516] {strides = array<i32>} : memref<160x128xi32, #tpu.memory_space<vmem>>, vector<1x16xi32>,
    %get3A_518 = vector.shape_cast %get3A_517 : vector<1x16xi32> to vector<16xi32>
    %add3A_519 = vector.broadcast %add3A_287 : i32 to vector<16xi32>
    %add3A_520 = arith.addi %get3A_518, %add3A_519 : vector<16xi32>
    %swap3A_521 = arith.constant 64 : index
    %swap3A_522 = tpu.vector_load %arg17[%swap3A_521] {strides = array<i32>} : memref<128xi32, #tpu.memory_space<vmem>>, vector<16xi32>,
    %swap3A_523 = vector.shape_cast %swap3A_522 : vector<16xi32> to vector<16xi32>
    %swap3A_524 = vector.shape_cast %add3A_520 : vector<16xi32> to vector<16xi32>
    tpu.vector_store %arg17[%swap3A_521], %swap3A_524 {strides = array<i32>} : memref<128xi32, #tpu.memory_space<vmem>>, vector<16xi32>,
    %get3A_525 = arith.constant 2 : i32
    %get3A_526 = arith.index_cast %get3A_525 : i32 to index
    %get3A_527 = arith.constant 80 : index
    %get3A_528 = tpu.vector_load %arg13[%get3A_526, %get3A_527] {strides = array<i32>} : memref<160x128xi32, #tpu.memory_space<vmem>>, vector<1x16xi32>,
    %get3A_529 = vector.shape_cast %get3A_528 : vector<1x16xi32> to vector<16xi32>
    %add3A_530 = vector.broadcast %add3A_287 : i32 to vector<16xi32>
    %add3A_531 = arith.addi %get3A_529, %add3A_530 : vector<16xi32>
    %swap3A_532 = arith.constant 80 : index
    %swap3A_533 = tpu.vector_load %arg17[%swap3A_532] {strides = array<i32>} : memref<128xi32, #tpu.memory_space<vmem>>, vector<16xi32>,
    %swap3A_534 = vector.shape_cast %swap3A_533 : vector<16xi32> to vector<16xi32>
    %swap3A_535 = vector.shape_cast %add3A_531 : vector<16xi32> to vector<16xi32>
    tpu.vector_store %arg17[%swap3A_532], %swap3A_535 {strides = array<i32>} : memref<128xi32, #tpu.memory_space<vmem>>, vector<16xi32>,
    %get3A_536 = arith.constant 2 : i32
    %get3A_537 = arith.index_cast %get3A_536 : i32 to index
    %get3A_538 = arith.constant 96 : index
    %get3A_539 = tpu.vector_load %arg13[%get3A_537, %get3A_538] {strides = array<i32>} : memref<160x128xi32, #tpu.memory_space<vmem>>, vector<1x16xi32>,
    %get3A_540 = vector.shape_cast %get3A_539 : vector<1x16xi32> to vector<16xi32>
    %add3A_541 = vector.broadcast %add3A_287 : i32 to vector<16xi32>
    %add3A_542 = arith.addi %get3A_540, %add3A_541 : vector<16xi32>
    %swap3A_543 = arith.constant 96 : index
    %swap3A_544 = tpu.vector_load %arg17[%swap3A_543] {strides = array<i32>} : memref<128xi32, #tpu.memory_space<vmem>>, vector<16xi32>,
    %swap3A_545 = vector.shape_cast %swap3A_544 : vector<16xi32> to vector<16xi32>
    %swap3A_546 = vector.shape_cast %add3A_542 : vector<16xi32> to vector<16xi32>
    tpu.vector_store %arg17[%swap3A_543], %swap3A_546 {strides = array<i32>} : memref<128xi32, #tpu.memory_space<vmem>>, vector<16xi32>,
    %get3A_547 = arith.constant 2 : i32
    %get3A_548 = arith.index_cast %get3A_547 : i32 to index
    %get3A_549 = arith.constant 112 : index
    %get3A_550 = tpu.vector_load %arg13[%get3A_548, %get3A_549] {strides = array<i32>} : memref<160x128xi32, #tpu.memory_space<vmem>>, vector<1x16xi32>,
    %get3A_551 = vector.shape_cast %get3A_550 : vector<1x16xi32> to vector<16xi32>
    %add3A_552 = vector.broadcast %add3A_287 : i32 to vector<16xi32>
    %add3A_553 = arith.addi %get3A_551, %add3A_552 : vector<16xi32>
    %swap3A_554 = arith.constant 112 : index
    %swap3A_555 = tpu.vector_load %arg17[%swap3A_554] {strides = array<i32>} : memref<128xi32, #tpu.memory_space<vmem>>, vector<16xi32>,
    %swap3A_556 = vector.shape_cast %swap3A_555 : vector<16xi32> to vector<16xi32>
    %swap3A_557 = vector.shape_cast %add3A_553 : vector<16xi32> to vector<16xi32>
    tpu.vector_store %arg17[%swap3A_554], %swap3A_557 {strides = array<i32>} : memref<128xi32, #tpu.memory_space<vmem>>, vector<16xi32>,
    %dma_start3A_558 = arith.constant 0 : i32
    %dma_start3A_559 = arith.constant 0 : i32
    %dma_start3A_560 = tpu.memref_slice %arg2[%dma_start3A_558, %dma_start3A_559] : memref<160000x64xf32, #tpu.memory_space<hbm>> -> memref<160000x64xf32, #tpu.memory_space<hbm>>
    tpu.enqueue_indirect_dma source(%dma_start3A_560 : memref<160000x64xf32, #tpu.memory_space<hbm>>) target(%arg21 : memref<128x64xf32, #tpu.memory_space<vmem>>) offsets(%arg17 : memref<128xi32, #tpu.memory_space<vmem>>) semaphore(%arg26 : memref<!tpu.dma_semaphore, #tpu.memory_space<semaphore_mem>>)
    %scan3A_561 = arith.constant 0 : i32
    %scan3A_562 = arith.constant 0 : i32
    %scan3A_563 = arith.constant 40 : i32
    %scan3A_564 = arith.addi %scan3A_562, %scan3A_563 : i32
    %scan3A_565 = arith.constant 1 : i32
    scf.for %scan3A_568 = %scan3A_562 to %scan3A_564 step %scan3A_565  : i32 {
      %mul3A_569 = arith.constant 4 : i32
      %mul3A_570 = arith.muli %scan3A_568, %mul3A_569 : i32
      %add3A_571 = arith.constant 0 : i32
      %add3A_572 = arith.addi %mul3A_570, %add3A_571 : i32
      %add3A_573 = arith.constant 4 : i32
      %add3A_574 = arith.addi %add3A_572, %add3A_573 : i32
      %sub3A = arith.constant 1 : i32
      %sub3A_575 = arith.subi %add3A_574, %sub3A : i32
      %lt3A = arith.constant 160 : i32
      %lt3A_576 = arith.cmpi slt, %sub3A_575, %lt3A : i32
      %convert_element_type3A = arith.extui %lt3A_576 : i1 to i32
      %cond3A = arith.constant 0 : i32
      %cond3A_577 = arith.cmpi ne, %convert_element_type3A, %cond3A : i32
      scf.if %cond3A_577 {
        %add3A_622 = arith.constant 4 : i32
        %add3A_623 = arith.addi %add3A_572, %add3A_622 : i32
        %sub3A_624 = arith.constant 1 : i32
        %sub3A_625 = arith.subi %add3A_623, %sub3A_624 : i32
        %get3A_626 = arith.index_cast %sub3A_625 : i32 to index
        %get3A_627 = arith.constant 0 : index
        %get3A_628 = tpu.vector_load %arg13[%get3A_626, %get3A_627] {strides = array<i32>} : memref<160x128xi32, #tpu.memory_space<vmem>>, vector<1x16xi32>,
        %get3A_629 = vector.shape_cast %get3A_628 : vector<1x16xi32> to vector<16xi32>
        %add3A_630 = vector.broadcast %add3A_287 : i32 to vector<16xi32>
        %add3A_631 = arith.addi %get3A_629, %add3A_630 : vector<16xi32>
        %swap3A_632 = arith.constant 0 : index
        %swap3A_633 = tpu.vector_load %arg18[%swap3A_632] {strides = array<i32>} : memref<128xi32, #tpu.memory_space<vmem>>, vector<16xi32>,
        %swap3A_634 = vector.shape_cast %swap3A_633 : vector<16xi32> to vector<16xi32>
        %swap3A_635 = vector.shape_cast %add3A_631 : vector<16xi32> to vector<16xi32>
        tpu.vector_store %arg18[%swap3A_632], %swap3A_635 {strides = array<i32>} : memref<128xi32, #tpu.memory_space<vmem>>, vector<16xi32>,
        %get3A_636 = arith.index_cast %sub3A_625 : i32 to index
        %get3A_637 = arith.constant 16 : index
        %get3A_638 = tpu.vector_load %arg13[%get3A_636, %get3A_637] {strides = array<i32>} : memref<160x128xi32, #tpu.memory_space<vmem>>, vector<1x16xi32>,
        %get3A_639 = vector.shape_cast %get3A_638 : vector<1x16xi32> to vector<16xi32>
        %add3A_640 = vector.broadcast %add3A_287 : i32 to vector<16xi32>
        %add3A_641 = arith.addi %get3A_639, %add3A_640 : vector<16xi32>
        %swap3A_642 = arith.constant 16 : index
        %swap3A_643 = tpu.vector_load %arg18[%swap3A_642] {strides = array<i32>} : memref<128xi32, #tpu.memory_space<vmem>>, vector<16xi32>,
        %swap3A_644 = vector.shape_cast %swap3A_643 : vector<16xi32> to vector<16xi32>
        %swap3A_645 = vector.shape_cast %add3A_641 : vector<16xi32> to vector<16xi32>
        tpu.vector_store %arg18[%swap3A_642], %swap3A_645 {strides = array<i32>} : memref<128xi32, #tpu.memory_space<vmem>>, vector<16xi32>,
        %get3A_646 = arith.index_cast %sub3A_625 : i32 to index
        %get3A_647 = arith.constant 32 : index
        %get3A_648 = tpu.vector_load %arg13[%get3A_646, %get3A_647] {strides = array<i32>} : memref<160x128xi32, #tpu.memory_space<vmem>>, vector<1x16xi32>,
        %get3A_649 = vector.shape_cast %get3A_648 : vector<1x16xi32> to vector<16xi32>
        %add3A_650 = vector.broadcast %add3A_287 : i32 to vector<16xi32>
        %add3A_651 = arith.addi %get3A_649, %add3A_650 : vector<16xi32>
        %swap3A_652 = arith.constant 32 : index
        %swap3A_653 = tpu.vector_load %arg18[%swap3A_652] {strides = array<i32>} : memref<128xi32, #tpu.memory_space<vmem>>, vector<16xi32>,
        %swap3A_654 = vector.shape_cast %swap3A_653 : vector<16xi32> to vector<16xi32>
        %swap3A_655 = vector.shape_cast %add3A_651 : vector<16xi32> to vector<16xi32>
        tpu.vector_store %arg18[%swap3A_652], %swap3A_655 {strides = array<i32>} : memref<128xi32, #tpu.memory_space<vmem>>, vector<16xi32>,
        %get3A_656 = arith.index_cast %sub3A_625 : i32 to index
        %get3A_657 = arith.constant 48 : index
        %get3A_658 = tpu.vector_load %arg13[%get3A_656, %get3A_657] {strides = array<i32>} : memref<160x128xi32, #tpu.memory_space<vmem>>, vector<1x16xi32>,
        %get3A_659 = vector.shape_cast %get3A_658 : vector<1x16xi32> to vector<16xi32>
        %add3A_660 = vector.broadcast %add3A_287 : i32 to vector<16xi32>
        %add3A_661 = arith.addi %get3A_659, %add3A_660 : vector<16xi32>
        %swap3A_662 = arith.constant 48 : index
        %swap3A_663 = tpu.vector_load %arg18[%swap3A_662] {strides = array<i32>} : memref<128xi32, #tpu.memory_space<vmem>>, vector<16xi32>,
        %swap3A_664 = vector.shape_cast %swap3A_663 : vector<16xi32> to vector<16xi32>
        %swap3A_665 = vector.shape_cast %add3A_661 : vector<16xi32> to vector<16xi32>
        tpu.vector_store %arg18[%swap3A_662], %swap3A_665 {strides = array<i32>} : memref<128xi32, #tpu.memory_space<vmem>>, vector<16xi32>,
        %get3A_666 = arith.index_cast %sub3A_625 : i32 to index
        %get3A_667 = arith.constant 64 : index
        %get3A_668 = tpu.vector_load %arg13[%get3A_666, %get3A_667] {strides = array<i32>} : memref<160x128xi32, #tpu.memory_space<vmem>>, vector<1x16xi32>,
        %get3A_669 = vector.shape_cast %get3A_668 : vector<1x16xi32> to vector<16xi32>
        %add3A_670 = vector.broadcast %add3A_287 : i32 to vector<16xi32>
        %add3A_671 = arith.addi %get3A_669, %add3A_670 : vector<16xi32>
        %swap3A_672 = arith.constant 64 : index
        %swap3A_673 = tpu.vector_load %arg18[%swap3A_672] {strides = array<i32>} : memref<128xi32, #tpu.memory_space<vmem>>, vector<16xi32>,
        %swap3A_674 = vector.shape_cast %swap3A_673 : vector<16xi32> to vector<16xi32>
        %swap3A_675 = vector.shape_cast %add3A_671 : vector<16xi32> to vector<16xi32>
        tpu.vector_store %arg18[%swap3A_672], %swap3A_675 {strides = array<i32>} : memref<128xi32, #tpu.memory_space<vmem>>, vector<16xi32>,
        %get3A_676 = arith.index_cast %sub3A_625 : i32 to index
        %get3A_677 = arith.constant 80 : index
        %get3A_678 = tpu.vector_load %arg13[%get3A_676, %get3A_677] {strides = array<i32>} : memref<160x128xi32, #tpu.memory_space<vmem>>, vector<1x16xi32>,
        %get3A_679 = vector.shape_cast %get3A_678 : vector<1x16xi32> to vector<16xi32>
        %add3A_680 = vector.broadcast %add3A_287 : i32 to vector<16xi32>
        %add3A_681 = arith.addi %get3A_679, %add3A_680 : vector<16xi32>
        %swap3A_682 = arith.constant 80 : index
        %swap3A_683 = tpu.vector_load %arg18[%swap3A_682] {strides = array<i32>} : memref<128xi32, #tpu.memory_space<vmem>>, vector<16xi32>,
        %swap3A_684 = vector.shape_cast %swap3A_683 : vector<16xi32> to vector<16xi32>
        %swap3A_685 = vector.shape_cast %add3A_681 : vector<16xi32> to vector<16xi32>
        tpu.vector_store %arg18[%swap3A_682], %swap3A_685 {strides = array<i32>} : memref<128xi32, #tpu.memory_space<vmem>>, vector<16xi32>,
        %get3A_686 = arith.index_cast %sub3A_625 : i32 to index
        %get3A_687 = arith.constant 96 : index
        %get3A_688 = tpu.vector_load %arg13[%get3A_686, %get3A_687] {strides = array<i32>} : memref<160x128xi32, #tpu.memory_space<vmem>>, vector<1x16xi32>,
        %get3A_689 = vector.shape_cast %get3A_688 : vector<1x16xi32> to vector<16xi32>
        %add3A_690 = vector.broadcast %add3A_287 : i32 to vector<16xi32>
        %add3A_691 = arith.addi %get3A_689, %add3A_690 : vector<16xi32>
        %swap3A_692 = arith.constant 96 : index
        %swap3A_693 = tpu.vector_load %arg18[%swap3A_692] {strides = array<i32>} : memref<128xi32, #tpu.memory_space<vmem>>, vector<16xi32>,
        %swap3A_694 = vector.shape_cast %swap3A_693 : vector<16xi32> to vector<16xi32>
        %swap3A_695 = vector.shape_cast %add3A_691 : vector<16xi32> to vector<16xi32>
        tpu.vector_store %arg18[%swap3A_692], %swap3A_695 {strides = array<i32>} : memref<128xi32, #tpu.memory_space<vmem>>, vector<16xi32>,
        %get3A_696 = arith.index_cast %sub3A_625 : i32 to index
        %get3A_697 = arith.constant 112 : index
        %get3A_698 = tpu.vector_load %arg13[%get3A_696, %get3A_697] {strides = array<i32>} : memref<160x128xi32, #tpu.memory_space<vmem>>, vector<1x16xi32>,
        %get3A_699 = vector.shape_cast %get3A_698 : vector<1x16xi32> to vector<16xi32>
        %add3A_700 = vector.broadcast %add3A_287 : i32 to vector<16xi32>
        %add3A_701 = arith.addi %get3A_699, %add3A_700 : vector<16xi32>
        %swap3A_702 = arith.constant 112 : index
        %swap3A_703 = tpu.vector_load %arg18[%swap3A_702] {strides = array<i32>} : memref<128xi32, #tpu.memory_space<vmem>>, vector<16xi32>,
        %swap3A_704 = vector.shape_cast %swap3A_703 : vector<16xi32> to vector<16xi32>
        %swap3A_705 = vector.shape_cast %add3A_701 : vector<16xi32> to vector<16xi32>
        tpu.vector_store %arg18[%swap3A_702], %swap3A_705 {strides = array<i32>} : memref<128xi32, #tpu.memory_space<vmem>>, vector<16xi32>,
        %dma_start3A_706 = arith.constant 0 : i32
        %dma_start3A_707 = arith.constant 0 : i32
        %dma_start3A_708 = tpu.memref_slice %arg2[%dma_start3A_706, %dma_start3A_707] : memref<160000x64xf32, #tpu.memory_space<hbm>> -> memref<160000x64xf32, #tpu.memory_space<hbm>>
        tpu.enqueue_indirect_dma source(%dma_start3A_708 : memref<160000x64xf32, #tpu.memory_space<hbm>>) target(%arg22 : memref<128x64xf32, #tpu.memory_space<vmem>>) offsets(%arg18 : memref<128xi32, #tpu.memory_space<vmem>>) semaphore(%arg27 : memref<!tpu.dma_semaphore, #tpu.memory_space<semaphore_mem>>)
      } else {
      }
      %dma_wait3A = arith.constant 0 : i32
      %dma_wait3A_578 = arith.constant 0 : i32
      %dma_wait3A_579 = tpu.memref_slice %arg2[%dma_wait3A, %dma_wait3A_578] : memref<160000x64xf32, #tpu.memory_space<hbm>> -> memref<160000x64xf32, #tpu.memory_space<hbm>>
      tpu.wait_indirect_dma semaphore(%arg24 : memref<!tpu.dma_semaphore, #tpu.memory_space<semaphore_mem>>) src(%dma_wait3A_579 : memref<160000x64xf32, #tpu.memory_space<hbm>>) dst(%arg19 : memref<128x64xf32, #tpu.memory_space<vmem>>)
      "tpu.region"() ({
        %run_scoped3A = tpu.sem_alloc : memref<!tpu.dma_semaphore, #tpu.memory_space<semaphore_mem>>
        %dma_start3A_622 = arith.constant 0 : i32
        %dma_start3A_623 = tpu.memref_slice %arg14[%add3A_572, %dma_start3A_622] : memref<160x128xi32, #tpu.memory_space<vmem>> -> memref<1x128xi32, #tpu.memory_space<vmem>>
        %dma_start3A_624 = tpu.memref_squeeze %dma_start3A_623 : memref<1x128xi32, #tpu.memory_space<vmem>> -> memref<128xi32, #tpu.memory_space<vmem>>
        %dma_start3A_625 = arith.constant 0 : i32
        %dma_start3A_626 = arith.constant 0 : i32
        %dma_start3A_627 = tpu.memref_slice %arg11[%dma_start3A_625, %dma_start3A_626] : memref<10240x64xf32, #tpu.memory_space<vmem_shared>> -> memref<10240x64xf32, #tpu.memory_space<vmem_shared>>
        tpu.enqueue_indirect_dma source(%arg19 : memref<128x64xf32, #tpu.memory_space<vmem>>) target(%dma_start3A_627 : memref<10240x64xf32, #tpu.memory_space<vmem_shared>>) offsets(%dma_start3A_624 : memref<128xi32, #tpu.memory_space<vmem>>) semaphore(%run_scoped3A : memref<!tpu.dma_semaphore, #tpu.memory_space<semaphore_mem>>) {add = true}
        %dma_wait3A_628 = arith.constant 0 : i32
        %dma_wait3A_629 = tpu.memref_slice %arg14[%add3A_572, %dma_wait3A_628] : memref<160x128xi32, #tpu.memory_space<vmem>> -> memref<1x128xi32, #tpu.memory_space<vmem>>
        %dma_wait3A_630 = tpu.memref_squeeze %dma_wait3A_629 : memref<1x128xi32, #tpu.memory_space<vmem>> -> memref<128xi32, #tpu.memory_space<vmem>>
        %dma_wait3A_631 = arith.constant 0 : i32
        %dma_wait3A_632 = arith.constant 0 : i32
        %dma_wait3A_633 = tpu.memref_slice %arg11[%dma_wait3A_631, %dma_wait3A_632] : memref<10240x64xf32, #tpu.memory_space<vmem_shared>> -> memref<10240x64xf32, #tpu.memory_space<vmem_shared>>
        tpu.wait_indirect_dma semaphore(%run_scoped3A : memref<!tpu.dma_semaphore, #tpu.memory_space<semaphore_mem>>) src(%arg19 : memref<128x64xf32, #tpu.memory_space<vmem>>) dst(%dma_wait3A_633 : memref<10240x64xf32, #tpu.memory_space<vmem_shared>>)
        tpu.yield
      }) : () -> ()
      %add3A_580 = arith.constant 1 : i32
      %add3A_581 = arith.addi %mul3A_570, %add3A_580 : i32
      %add3A_582 = arith.constant 4 : i32
      %add3A_583 = arith.addi %add3A_581, %add3A_582 : i32
      %sub3A_584 = arith.constant 1 : i32
      %sub3A_585 = arith.subi %add3A_583, %sub3A_584 : i32
      %lt3A_586 = arith.constant 160 : i32
      %lt3A_587 = arith.cmpi slt, %sub3A_585, %lt3A_586 : i32
      %convert_element_type3A_588 = arith.extui %lt3A_587 : i1 to i32
      %cond3A_589 = arith.constant 0 : i32
      %cond3A_590 = arith.cmpi ne, %convert_element_type3A_588, %cond3A_589 : i32
      scf.if %cond3A_590 {
        %add3A_622 = arith.constant 4 : i32
        %add3A_623 = arith.addi %add3A_581, %add3A_622 : i32
        %sub3A_624 = arith.constant 1 : i32
        %sub3A_625 = arith.subi %add3A_623, %sub3A_624 : i32
        %get3A_626 = arith.index_cast %sub3A_625 : i32 to index
        %get3A_627 = arith.constant 0 : index
        %get3A_628 = tpu.vector_load %arg13[%get3A_626, %get3A_627] {strides = array<i32>} : memref<160x128xi32, #tpu.memory_space<vmem>>, vector<1x16xi32>,
        %get3A_629 = vector.shape_cast %get3A_628 : vector<1x16xi32> to vector<16xi32>
        %add3A_630 = vector.broadcast %add3A_287 : i32 to vector<16xi32>
        %add3A_631 = arith.addi %get3A_629, %add3A_630 : vector<16xi32>
        %swap3A_632 = arith.constant 0 : index
        %swap3A_633 = tpu.vector_load %arg15[%swap3A_632] {strides = array<i32>} : memref<128xi32, #tpu.memory_space<vmem>>, vector<16xi32>,
        %swap3A_634 = vector.shape_cast %swap3A_633 : vector<16xi32> to vector<16xi32>
        %swap3A_635 = vector.shape_cast %add3A_631 : vector<16xi32> to vector<16xi32>
        tpu.vector_store %arg15[%swap3A_632], %swap3A_635 {strides = array<i32>} : memref<128xi32, #tpu.memory_space<vmem>>, vector<16xi32>,
        %get3A_636 = arith.index_cast %sub3A_625 : i32 to index
        %get3A_637 = arith.constant 16 : index
        %get3A_638 = tpu.vector_load %arg13[%get3A_636, %get3A_637] {strides = array<i32>} : memref<160x128xi32, #tpu.memory_space<vmem>>, vector<1x16xi32>,
        %get3A_639 = vector.shape_cast %get3A_638 : vector<1x16xi32> to vector<16xi32>
        %add3A_640 = vector.broadcast %add3A_287 : i32 to vector<16xi32>
        %add3A_641 = arith.addi %get3A_639, %add3A_640 : vector<16xi32>
        %swap3A_642 = arith.constant 16 : index
        %swap3A_643 = tpu.vector_load %arg15[%swap3A_642] {strides = array<i32>} : memref<128xi32, #tpu.memory_space<vmem>>, vector<16xi32>,
        %swap3A_644 = vector.shape_cast %swap3A_643 : vector<16xi32> to vector<16xi32>
        %swap3A_645 = vector.shape_cast %add3A_641 : vector<16xi32> to vector<16xi32>
        tpu.vector_store %arg15[%swap3A_642], %swap3A_645 {strides = array<i32>} : memref<128xi32, #tpu.memory_space<vmem>>, vector<16xi32>,
        %get3A_646 = arith.index_cast %sub3A_625 : i32 to index
        %get3A_647 = arith.constant 32 : index
        %get3A_648 = tpu.vector_load %arg13[%get3A_646, %get3A_647] {strides = array<i32>} : memref<160x128xi32, #tpu.memory_space<vmem>>, vector<1x16xi32>,
        %get3A_649 = vector.shape_cast %get3A_648 : vector<1x16xi32> to vector<16xi32>
        %add3A_650 = vector.broadcast %add3A_287 : i32 to vector<16xi32>
        %add3A_651 = arith.addi %get3A_649, %add3A_650 : vector<16xi32>
        %swap3A_652 = arith.constant 32 : index
        %swap3A_653 = tpu.vector_load %arg15[%swap3A_652] {strides = array<i32>} : memref<128xi32, #tpu.memory_space<vmem>>, vector<16xi32>,
        %swap3A_654 = vector.shape_cast %swap3A_653 : vector<16xi32> to vector<16xi32>
        %swap3A_655 = vector.shape_cast %add3A_651 : vector<16xi32> to vector<16xi32>
        tpu.vector_store %arg15[%swap3A_652], %swap3A_655 {strides = array<i32>} : memref<128xi32, #tpu.memory_space<vmem>>, vector<16xi32>,
        %get3A_656 = arith.index_cast %sub3A_625 : i32 to index
        %get3A_657 = arith.constant 48 : index
        %get3A_658 = tpu.vector_load %arg13[%get3A_656, %get3A_657] {strides = array<i32>} : memref<160x128xi32, #tpu.memory_space<vmem>>, vector<1x16xi32>,
        %get3A_659 = vector.shape_cast %get3A_658 : vector<1x16xi32> to vector<16xi32>
        %add3A_660 = vector.broadcast %add3A_287 : i32 to vector<16xi32>
        %add3A_661 = arith.addi %get3A_659, %add3A_660 : vector<16xi32>
        %swap3A_662 = arith.constant 48 : index
        %swap3A_663 = tpu.vector_load %arg15[%swap3A_662] {strides = array<i32>} : memref<128xi32, #tpu.memory_space<vmem>>, vector<16xi32>,
        %swap3A_664 = vector.shape_cast %swap3A_663 : vector<16xi32> to vector<16xi32>
        %swap3A_665 = vector.shape_cast %add3A_661 : vector<16xi32> to vector<16xi32>
        tpu.vector_store %arg15[%swap3A_662], %swap3A_665 {strides = array<i32>} : memref<128xi32, #tpu.memory_space<vmem>>, vector<16xi32>,
        %get3A_666 = arith.index_cast %sub3A_625 : i32 to index
        %get3A_667 = arith.constant 64 : index
        %get3A_668 = tpu.vector_load %arg13[%get3A_666, %get3A_667] {strides = array<i32>} : memref<160x128xi32, #tpu.memory_space<vmem>>, vector<1x16xi32>,
        %get3A_669 = vector.shape_cast %get3A_668 : vector<1x16xi32> to vector<16xi32>
        %add3A_670 = vector.broadcast %add3A_287 : i32 to vector<16xi32>
        %add3A_671 = arith.addi %get3A_669, %add3A_670 : vector<16xi32>
        %swap3A_672 = arith.constant 64 : index
        %swap3A_673 = tpu.vector_load %arg15[%swap3A_672] {strides = array<i32>} : memref<128xi32, #tpu.memory_space<vmem>>, vector<16xi32>,
        %swap3A_674 = vector.shape_cast %swap3A_673 : vector<16xi32> to vector<16xi32>
        %swap3A_675 = vector.shape_cast %add3A_671 : vector<16xi32> to vector<16xi32>
        tpu.vector_store %arg15[%swap3A_672], %swap3A_675 {strides = array<i32>} : memref<128xi32, #tpu.memory_space<vmem>>, vector<16xi32>,
        %get3A_676 = arith.index_cast %sub3A_625 : i32 to index
        %get3A_677 = arith.constant 80 : index
        %get3A_678 = tpu.vector_load %arg13[%get3A_676, %get3A_677] {strides = array<i32>} : memref<160x128xi32, #tpu.memory_space<vmem>>, vector<1x16xi32>,
        %get3A_679 = vector.shape_cast %get3A_678 : vector<1x16xi32> to vector<16xi32>
        %add3A_680 = vector.broadcast %add3A_287 : i32 to vector<16xi32>
        %add3A_681 = arith.addi %get3A_679, %add3A_680 : vector<16xi32>
        %swap3A_682 = arith.constant 80 : index
        %swap3A_683 = tpu.vector_load %arg15[%swap3A_682] {strides = array<i32>} : memref<128xi32, #tpu.memory_space<vmem>>, vector<16xi32>,
        %swap3A_684 = vector.shape_cast %swap3A_683 : vector<16xi32> to vector<16xi32>
        %swap3A_685 = vector.shape_cast %add3A_681 : vector<16xi32> to vector<16xi32>
        tpu.vector_store %arg15[%swap3A_682], %swap3A_685 {strides = array<i32>} : memref<128xi32, #tpu.memory_space<vmem>>, vector<16xi32>,
        %get3A_686 = arith.index_cast %sub3A_625 : i32 to index
        %get3A_687 = arith.constant 96 : index
        %get3A_688 = tpu.vector_load %arg13[%get3A_686, %get3A_687] {strides = array<i32>} : memref<160x128xi32, #tpu.memory_space<vmem>>, vector<1x16xi32>,
        %get3A_689 = vector.shape_cast %get3A_688 : vector<1x16xi32> to vector<16xi32>
        %add3A_690 = vector.broadcast %add3A_287 : i32 to vector<16xi32>
        %add3A_691 = arith.addi %get3A_689, %add3A_690 : vector<16xi32>
        %swap3A_692 = arith.constant 96 : index
        %swap3A_693 = tpu.vector_load %arg15[%swap3A_692] {strides = array<i32>} : memref<128xi32, #tpu.memory_space<vmem>>, vector<16xi32>,
        %swap3A_694 = vector.shape_cast %swap3A_693 : vector<16xi32> to vector<16xi32>
        %swap3A_695 = vector.shape_cast %add3A_691 : vector<16xi32> to vector<16xi32>
        tpu.vector_store %arg15[%swap3A_692], %swap3A_695 {strides = array<i32>} : memref<128xi32, #tpu.memory_space<vmem>>, vector<16xi32>,
        %get3A_696 = arith.index_cast %sub3A_625 : i32 to index
        %get3A_697 = arith.constant 112 : index
        %get3A_698 = tpu.vector_load %arg13[%get3A_696, %get3A_697] {strides = array<i32>} : memref<160x128xi32, #tpu.memory_space<vmem>>, vector<1x16xi32>,
        %get3A_699 = vector.shape_cast %get3A_698 : vector<1x16xi32> to vector<16xi32>
        %add3A_700 = vector.broadcast %add3A_287 : i32 to vector<16xi32>
        %add3A_701 = arith.addi %get3A_699, %add3A_700 : vector<16xi32>
        %swap3A_702 = arith.constant 112 : index
        %swap3A_703 = tpu.vector_load %arg15[%swap3A_702] {strides = array<i32>} : memref<128xi32, #tpu.memory_space<vmem>>, vector<16xi32>,
        %swap3A_704 = vector.shape_cast %swap3A_703 : vector<16xi32> to vector<16xi32>
        %swap3A_705 = vector.shape_cast %add3A_701 : vector<16xi32> to vector<16xi32>
        tpu.vector_store %arg15[%swap3A_702], %swap3A_705 {strides = array<i32>} : memref<128xi32, #tpu.memory_space<vmem>>, vector<16xi32>,
        %dma_start3A_706 = arith.constant 0 : i32
        %dma_start3A_707 = arith.constant 0 : i32
        %dma_start3A_708 = tpu.memref_slice %arg2[%dma_start3A_706, %dma_start3A_707] : memref<160000x64xf32, #tpu.memory_space<hbm>> -> memref<160000x64xf32, #tpu.memory_space<hbm>>
        tpu.enqueue_indirect_dma source(%dma_start3A_708 : memref<160000x64xf32, #tpu.memory_space<hbm>>) target(%arg19 : memref<128x64xf32, #tpu.memory_space<vmem>>) offsets(%arg15 : memref<128xi32, #tpu.memory_space<vmem>>) semaphore(%arg24 : memref<!tpu.dma_semaphore, #tpu.memory_space<semaphore_mem>>)
      } else {
      }
      %dma_wait3A_591 = arith.constant 0 : i32
      %dma_wait3A_592 = arith.constant 0 : i32
      %dma_wait3A_593 = tpu.memref_slice %arg2[%dma_wait3A_591, %dma_wait3A_592] : memref<160000x64xf32, #tpu.memory_space<hbm>> -> memref<160000x64xf32, #tpu.memory_space<hbm>>
      tpu.wait_indirect_dma semaphore(%arg25 : memref<!tpu.dma_semaphore, #tpu.memory_space<semaphore_mem>>) src(%dma_wait3A_593 : memref<160000x64xf32, #tpu.memory_space<hbm>>) dst(%arg20 : memref<128x64xf32, #tpu.memory_space<vmem>>)
      "tpu.region"() ({
        %run_scoped3A = tpu.sem_alloc : memref<!tpu.dma_semaphore, #tpu.memory_space<semaphore_mem>>
        %dma_start3A_622 = arith.constant 0 : i32
        %dma_start3A_623 = tpu.memref_slice %arg14[%add3A_581, %dma_start3A_622] : memref<160x128xi32, #tpu.memory_space<vmem>> -> memref<1x128xi32, #tpu.memory_space<vmem>>
        %dma_start3A_624 = tpu.memref_squeeze %dma_start3A_623 : memref<1x128xi32, #tpu.memory_space<vmem>> -> memref<128xi32, #tpu.memory_space<vmem>>
        %dma_start3A_625 = arith.constant 0 : i32
        %dma_start3A_626 = arith.constant 0 : i32
        %dma_start3A_627 = tpu.memref_slice %arg11[%dma_start3A_625, %dma_start3A_626] : memref<10240x64xf32, #tpu.memory_space<vmem_shared>> -> memref<10240x64xf32, #tpu.memory_space<vmem_shared>>
        tpu.enqueue_indirect_dma source(%arg20 : memref<128x64xf32, #tpu.memory_space<vmem>>) target(%dma_start3A_627 : memref<10240x64xf32, #tpu.memory_space<vmem_shared>>) offsets(%dma_start3A_624 : memref<128xi32, #tpu.memory_space<vmem>>) semaphore(%run_scoped3A : memref<!tpu.dma_semaphore, #tpu.memory_space<semaphore_mem>>) {add = true}
        %dma_wait3A_628 = arith.constant 0 : i32
        %dma_wait3A_629 = tpu.memref_slice %arg14[%add3A_581, %dma_wait3A_628] : memref<160x128xi32, #tpu.memory_space<vmem>> -> memref<1x128xi32, #tpu.memory_space<vmem>>
        %dma_wait3A_630 = tpu.memref_squeeze %dma_wait3A_629 : memref<1x128xi32, #tpu.memory_space<vmem>> -> memref<128xi32, #tpu.memory_space<vmem>>
        %dma_wait3A_631 = arith.constant 0 : i32
        %dma_wait3A_632 = arith.constant 0 : i32
        %dma_wait3A_633 = tpu.memref_slice %arg11[%dma_wait3A_631, %dma_wait3A_632] : memref<10240x64xf32, #tpu.memory_space<vmem_shared>> -> memref<10240x64xf32, #tpu.memory_space<vmem_shared>>
        tpu.wait_indirect_dma semaphore(%run_scoped3A : memref<!tpu.dma_semaphore, #tpu.memory_space<semaphore_mem>>) src(%arg20 : memref<128x64xf32, #tpu.memory_space<vmem>>) dst(%dma_wait3A_633 : memref<10240x64xf32, #tpu.memory_space<vmem_shared>>)
        tpu.yield
      }) : () -> ()
      %add3A_594 = arith.constant 2 : i32
      %add3A_595 = arith.addi %mul3A_570, %add3A_594 : i32
      %add3A_596 = arith.constant 4 : i32
      %add3A_597 = arith.addi %add3A_595, %add3A_596 : i32
      %sub3A_598 = arith.constant 1 : i32
      %sub3A_599 = arith.subi %add3A_597, %sub3A_598 : i32
      %lt3A_600 = arith.constant 160 : i32
      %lt3A_601 = arith.cmpi slt, %sub3A_599, %lt3A_600 : i32
      %convert_element_type3A_602 = arith.extui %lt3A_601 : i1 to i32
      %cond3A_603 = arith.constant 0 : i32
      %cond3A_604 = arith.cmpi ne, %convert_element_type3A_602, %cond3A_603 : i32
      scf.if %cond3A_604 {
        %add3A_622 = arith.constant 4 : i32
        %add3A_623 = arith.addi %add3A_595, %add3A_622 : i32
        %sub3A_624 = arith.constant 1 : i32
        %sub3A_625 = arith.subi %add3A_623, %sub3A_624 : i32
        %get3A_626 = arith.index_cast %sub3A_625 : i32 to index
        %get3A_627 = arith.constant 0 : index
        %get3A_628 = tpu.vector_load %arg13[%get3A_626, %get3A_627] {strides = array<i32>} : memref<160x128xi32, #tpu.memory_space<vmem>>, vector<1x16xi32>,
        %get3A_629 = vector.shape_cast %get3A_628 : vector<1x16xi32> to vector<16xi32>
        %add3A_630 = vector.broadcast %add3A_287 : i32 to vector<16xi32>
        %add3A_631 = arith.addi %get3A_629, %add3A_630 : vector<16xi32>
        %swap3A_632 = arith.constant 0 : index
        %swap3A_633 = tpu.vector_load %arg16[%swap3A_632] {strides = array<i32>} : memref<128xi32, #tpu.memory_space<vmem>>, vector<16xi32>,
        %swap3A_634 = vector.shape_cast %swap3A_633 : vector<16xi32> to vector<16xi32>
        %swap3A_635 = vector.shape_cast %add3A_631 : vector<16xi32> to vector<16xi32>
        tpu.vector_store %arg16[%swap3A_632], %swap3A_635 {strides = array<i32>} : memref<128xi32, #tpu.memory_space<vmem>>, vector<16xi32>,
        %get3A_636 = arith.index_cast %sub3A_625 : i32 to index
        %get3A_637 = arith.constant 16 : index
        %get3A_638 = tpu.vector_load %arg13[%get3A_636, %get3A_637] {strides = array<i32>} : memref<160x128xi32, #tpu.memory_space<vmem>>, vector<1x16xi32>,
        %get3A_639 = vector.shape_cast %get3A_638 : vector<1x16xi32> to vector<16xi32>
        %add3A_640 = vector.broadcast %add3A_287 : i32 to vector<16xi32>
        %add3A_641 = arith.addi %get3A_639, %add3A_640 : vector<16xi32>
        %swap3A_642 = arith.constant 16 : index
        %swap3A_643 = tpu.vector_load %arg16[%swap3A_642] {strides = array<i32>} : memref<128xi32, #tpu.memory_space<vmem>>, vector<16xi32>,
        %swap3A_644 = vector.shape_cast %swap3A_643 : vector<16xi32> to vector<16xi32>
        %swap3A_645 = vector.shape_cast %add3A_641 : vector<16xi32> to vector<16xi32>
        tpu.vector_store %arg16[%swap3A_642], %swap3A_645 {strides = array<i32>} : memref<128xi32, #tpu.memory_space<vmem>>, vector<16xi32>,
        %get3A_646 = arith.index_cast %sub3A_625 : i32 to index
        %get3A_647 = arith.constant 32 : index
        %get3A_648 = tpu.vector_load %arg13[%get3A_646, %get3A_647] {strides = array<i32>} : memref<160x128xi32, #tpu.memory_space<vmem>>, vector<1x16xi32>,
        %get3A_649 = vector.shape_cast %get3A_648 : vector<1x16xi32> to vector<16xi32>
        %add3A_650 = vector.broadcast %add3A_287 : i32 to vector<16xi32>
        %add3A_651 = arith.addi %get3A_649, %add3A_650 : vector<16xi32>
        %swap3A_652 = arith.constant 32 : index
        %swap3A_653 = tpu.vector_load %arg16[%swap3A_652] {strides = array<i32>} : memref<128xi32, #tpu.memory_space<vmem>>, vector<16xi32>,
        %swap3A_654 = vector.shape_cast %swap3A_653 : vector<16xi32> to vector<16xi32>
        %swap3A_655 = vector.shape_cast %add3A_651 : vector<16xi32> to vector<16xi32>
        tpu.vector_store %arg16[%swap3A_652], %swap3A_655 {strides = array<i32>} : memref<128xi32, #tpu.memory_space<vmem>>, vector<16xi32>,
        %get3A_656 = arith.index_cast %sub3A_625 : i32 to index
        %get3A_657 = arith.constant 48 : index
        %get3A_658 = tpu.vector_load %arg13[%get3A_656, %get3A_657] {strides = array<i32>} : memref<160x128xi32, #tpu.memory_space<vmem>>, vector<1x16xi32>,
        %get3A_659 = vector.shape_cast %get3A_658 : vector<1x16xi32> to vector<16xi32>
        %add3A_660 = vector.broadcast %add3A_287 : i32 to vector<16xi32>
        %add3A_661 = arith.addi %get3A_659, %add3A_660 : vector<16xi32>
        %swap3A_662 = arith.constant 48 : index
        %swap3A_663 = tpu.vector_load %arg16[%swap3A_662] {strides = array<i32>} : memref<128xi32, #tpu.memory_space<vmem>>, vector<16xi32>,
        %swap3A_664 = vector.shape_cast %swap3A_663 : vector<16xi32> to vector<16xi32>
        %swap3A_665 = vector.shape_cast %add3A_661 : vector<16xi32> to vector<16xi32>
        tpu.vector_store %arg16[%swap3A_662], %swap3A_665 {strides = array<i32>} : memref<128xi32, #tpu.memory_space<vmem>>, vector<16xi32>,
        %get3A_666 = arith.index_cast %sub3A_625 : i32 to index
        %get3A_667 = arith.constant 64 : index
        %get3A_668 = tpu.vector_load %arg13[%get3A_666, %get3A_667] {strides = array<i32>} : memref<160x128xi32, #tpu.memory_space<vmem>>, vector<1x16xi32>,
        %get3A_669 = vector.shape_cast %get3A_668 : vector<1x16xi32> to vector<16xi32>
        %add3A_670 = vector.broadcast %add3A_287 : i32 to vector<16xi32>
        %add3A_671 = arith.addi %get3A_669, %add3A_670 : vector<16xi32>
        %swap3A_672 = arith.constant 64 : index
        %swap3A_673 = tpu.vector_load %arg16[%swap3A_672] {strides = array<i32>} : memref<128xi32, #tpu.memory_space<vmem>>, vector<16xi32>,
        %swap3A_674 = vector.shape_cast %swap3A_673 : vector<16xi32> to vector<16xi32>
        %swap3A_675 = vector.shape_cast %add3A_671 : vector<16xi32> to vector<16xi32>
        tpu.vector_store %arg16[%swap3A_672], %swap3A_675 {strides = array<i32>} : memref<128xi32, #tpu.memory_space<vmem>>, vector<16xi32>,
        %get3A_676 = arith.index_cast %sub3A_625 : i32 to index
        %get3A_677 = arith.constant 80 : index
        %get3A_678 = tpu.vector_load %arg13[%get3A_676, %get3A_677] {strides = array<i32>} : memref<160x128xi32, #tpu.memory_space<vmem>>, vector<1x16xi32>,
        %get3A_679 = vector.shape_cast %get3A_678 : vector<1x16xi32> to vector<16xi32>
        %add3A_680 = vector.broadcast %add3A_287 : i32 to vector<16xi32>
        %add3A_681 = arith.addi %get3A_679, %add3A_680 : vector<16xi32>
        %swap3A_682 = arith.constant 80 : index
        %swap3A_683 = tpu.vector_load %arg16[%swap3A_682] {strides = array<i32>} : memref<128xi32, #tpu.memory_space<vmem>>, vector<16xi32>,
        %swap3A_684 = vector.shape_cast %swap3A_683 : vector<16xi32> to vector<16xi32>
        %swap3A_685 = vector.shape_cast %add3A_681 : vector<16xi32> to vector<16xi32>
        tpu.vector_store %arg16[%swap3A_682], %swap3A_685 {strides = array<i32>} : memref<128xi32, #tpu.memory_space<vmem>>, vector<16xi32>,
        %get3A_686 = arith.index_cast %sub3A_625 : i32 to index
        %get3A_687 = arith.constant 96 : index
        %get3A_688 = tpu.vector_load %arg13[%get3A_686, %get3A_687] {strides = array<i32>} : memref<160x128xi32, #tpu.memory_space<vmem>>, vector<1x16xi32>,
        %get3A_689 = vector.shape_cast %get3A_688 : vector<1x16xi32> to vector<16xi32>
        %add3A_690 = vector.broadcast %add3A_287 : i32 to vector<16xi32>
        %add3A_691 = arith.addi %get3A_689, %add3A_690 : vector<16xi32>
        %swap3A_692 = arith.constant 96 : index
        %swap3A_693 = tpu.vector_load %arg16[%swap3A_692] {strides = array<i32>} : memref<128xi32, #tpu.memory_space<vmem>>, vector<16xi32>,
        %swap3A_694 = vector.shape_cast %swap3A_693 : vector<16xi32> to vector<16xi32>
        %swap3A_695 = vector.shape_cast %add3A_691 : vector<16xi32> to vector<16xi32>
        tpu.vector_store %arg16[%swap3A_692], %swap3A_695 {strides = array<i32>} : memref<128xi32, #tpu.memory_space<vmem>>, vector<16xi32>,
        %get3A_696 = arith.index_cast %sub3A_625 : i32 to index
        %get3A_697 = arith.constant 112 : index
        %get3A_698 = tpu.vector_load %arg13[%get3A_696, %get3A_697] {strides = array<i32>} : memref<160x128xi32, #tpu.memory_space<vmem>>, vector<1x16xi32>,
        %get3A_699 = vector.shape_cast %get3A_698 : vector<1x16xi32> to vector<16xi32>
        %add3A_700 = vector.broadcast %add3A_287 : i32 to vector<16xi32>
        %add3A_701 = arith.addi %get3A_699, %add3A_700 : vector<16xi32>
        %swap3A_702 = arith.constant 112 : index
        %swap3A_703 = tpu.vector_load %arg16[%swap3A_702] {strides = array<i32>} : memref<128xi32, #tpu.memory_space<vmem>>, vector<16xi32>,
        %swap3A_704 = vector.shape_cast %swap3A_703 : vector<16xi32> to vector<16xi32>
        %swap3A_705 = vector.shape_cast %add3A_701 : vector<16xi32> to vector<16xi32>
        tpu.vector_store %arg16[%swap3A_702], %swap3A_705 {strides = array<i32>} : memref<128xi32, #tpu.memory_space<vmem>>, vector<16xi32>,
        %dma_start3A_706 = arith.constant 0 : i32
        %dma_start3A_707 = arith.constant 0 : i32
        %dma_start3A_708 = tpu.memref_slice %arg2[%dma_start3A_706, %dma_start3A_707] : memref<160000x64xf32, #tpu.memory_space<hbm>> -> memref<160000x64xf32, #tpu.memory_space<hbm>>
        tpu.enqueue_indirect_dma source(%dma_start3A_708 : memref<160000x64xf32, #tpu.memory_space<hbm>>) target(%arg20 : memref<128x64xf32, #tpu.memory_space<vmem>>) offsets(%arg16 : memref<128xi32, #tpu.memory_space<vmem>>) semaphore(%arg25 : memref<!tpu.dma_semaphore, #tpu.memory_space<semaphore_mem>>)
      } else {
      }
      %dma_wait3A_605 = arith.constant 0 : i32
      %dma_wait3A_606 = arith.constant 0 : i32
      %dma_wait3A_607 = tpu.memref_slice %arg2[%dma_wait3A_605, %dma_wait3A_606] : memref<160000x64xf32, #tpu.memory_space<hbm>> -> memref<160000x64xf32, #tpu.memory_space<hbm>>
      tpu.wait_indirect_dma semaphore(%arg26 : memref<!tpu.dma_semaphore, #tpu.memory_space<semaphore_mem>>) src(%dma_wait3A_607 : memref<160000x64xf32, #tpu.memory_space<hbm>>) dst(%arg21 : memref<128x64xf32, #tpu.memory_space<vmem>>)
      "tpu.region"() ({
        %run_scoped3A = tpu.sem_alloc : memref<!tpu.dma_semaphore, #tpu.memory_space<semaphore_mem>>
        %dma_start3A_622 = arith.constant 0 : i32
        %dma_start3A_623 = tpu.memref_slice %arg14[%add3A_595, %dma_start3A_622] : memref<160x128xi32, #tpu.memory_space<vmem>> -> memref<1x128xi32, #tpu.memory_space<vmem>>
        %dma_start3A_624 = tpu.memref_squeeze %dma_start3A_623 : memref<1x128xi32, #tpu.memory_space<vmem>> -> memref<128xi32, #tpu.memory_space<vmem>>
        %dma_start3A_625 = arith.constant 0 : i32
        %dma_start3A_626 = arith.constant 0 : i32
        %dma_start3A_627 = tpu.memref_slice %arg11[%dma_start3A_625, %dma_start3A_626] : memref<10240x64xf32, #tpu.memory_space<vmem_shared>> -> memref<10240x64xf32, #tpu.memory_space<vmem_shared>>
        tpu.enqueue_indirect_dma source(%arg21 : memref<128x64xf32, #tpu.memory_space<vmem>>) target(%dma_start3A_627 : memref<10240x64xf32, #tpu.memory_space<vmem_shared>>) offsets(%dma_start3A_624 : memref<128xi32, #tpu.memory_space<vmem>>) semaphore(%run_scoped3A : memref<!tpu.dma_semaphore, #tpu.memory_space<semaphore_mem>>) {add = true}
        %dma_wait3A_628 = arith.constant 0 : i32
        %dma_wait3A_629 = tpu.memref_slice %arg14[%add3A_595, %dma_wait3A_628] : memref<160x128xi32, #tpu.memory_space<vmem>> -> memref<1x128xi32, #tpu.memory_space<vmem>>
        %dma_wait3A_630 = tpu.memref_squeeze %dma_wait3A_629 : memref<1x128xi32, #tpu.memory_space<vmem>> -> memref<128xi32, #tpu.memory_space<vmem>>
        %dma_wait3A_631 = arith.constant 0 : i32
        %dma_wait3A_632 = arith.constant 0 : i32
        %dma_wait3A_633 = tpu.memref_slice %arg11[%dma_wait3A_631, %dma_wait3A_632] : memref<10240x64xf32, #tpu.memory_space<vmem_shared>> -> memref<10240x64xf32, #tpu.memory_space<vmem_shared>>
        tpu.wait_indirect_dma semaphore(%run_scoped3A : memref<!tpu.dma_semaphore, #tpu.memory_space<semaphore_mem>>) src(%arg21 : memref<128x64xf32, #tpu.memory_space<vmem>>) dst(%dma_wait3A_633 : memref<10240x64xf32, #tpu.memory_space<vmem_shared>>)
        tpu.yield
      }) : () -> ()
      %add3A_608 = arith.constant 3 : i32
      %add3A_609 = arith.addi %mul3A_570, %add3A_608 : i32
      %add3A_610 = arith.constant 4 : i32
      %add3A_611 = arith.addi %add3A_609, %add3A_610 : i32
      %sub3A_612 = arith.constant 1 : i32
      %sub3A_613 = arith.subi %add3A_611, %sub3A_612 : i32
      %lt3A_614 = arith.constant 160 : i32
      %lt3A_615 = arith.cmpi slt, %sub3A_613, %lt3A_614 : i32
      %convert_element_type3A_616 = arith.extui %lt3A_615 : i1 to i32
      %cond3A_617 = arith.constant 0 : i32
      %cond3A_618 = arith.cmpi ne, %convert_element_type3A_616, %cond3A_617 : i32
      scf.if %cond3A_618 {
        %add3A_622 = arith.constant 4 : i32
        %add3A_623 = arith.addi %add3A_609, %add3A_622 : i32
        %sub3A_624 = arith.constant 1 : i32
        %sub3A_625 = arith.subi %add3A_623, %sub3A_624 : i32
        %get3A_626 = arith.index_cast %sub3A_625 : i32 to index
        %get3A_627 = arith.constant 0 : index
        %get3A_628 = tpu.vector_load %arg13[%get3A_626, %get3A_627] {strides = array<i32>} : memref<160x128xi32, #tpu.memory_space<vmem>>, vector<1x16xi32>,
        %get3A_629 = vector.shape_cast %get3A_628 : vector<1x16xi32> to vector<16xi32>
        %add3A_630 = vector.broadcast %add3A_287 : i32 to vector<16xi32>
        %add3A_631 = arith.addi %get3A_629, %add3A_630 : vector<16xi32>
        %swap3A_632 = arith.constant 0 : index
        %swap3A_633 = tpu.vector_load %arg17[%swap3A_632] {strides = array<i32>} : memref<128xi32, #tpu.memory_space<vmem>>, vector<16xi32>,
        %swap3A_634 = vector.shape_cast %swap3A_633 : vector<16xi32> to vector<16xi32>
        %swap3A_635 = vector.shape_cast %add3A_631 : vector<16xi32> to vector<16xi32>
        tpu.vector_store %arg17[%swap3A_632], %swap3A_635 {strides = array<i32>} : memref<128xi32, #tpu.memory_space<vmem>>, vector<16xi32>,
        %get3A_636 = arith.index_cast %sub3A_625 : i32 to index
        %get3A_637 = arith.constant 16 : index
        %get3A_638 = tpu.vector_load %arg13[%get3A_636, %get3A_637] {strides = array<i32>} : memref<160x128xi32, #tpu.memory_space<vmem>>, vector<1x16xi32>,
        %get3A_639 = vector.shape_cast %get3A_638 : vector<1x16xi32> to vector<16xi32>
        %add3A_640 = vector.broadcast %add3A_287 : i32 to vector<16xi32>
        %add3A_641 = arith.addi %get3A_639, %add3A_640 : vector<16xi32>
        %swap3A_642 = arith.constant 16 : index
        %swap3A_643 = tpu.vector_load %arg17[%swap3A_642] {strides = array<i32>} : memref<128xi32, #tpu.memory_space<vmem>>, vector<16xi32>,
        %swap3A_644 = vector.shape_cast %swap3A_643 : vector<16xi32> to vector<16xi32>
        %swap3A_645 = vector.shape_cast %add3A_641 : vector<16xi32> to vector<16xi32>
        tpu.vector_store %arg17[%swap3A_642], %swap3A_645 {strides = array<i32>} : memref<128xi32, #tpu.memory_space<vmem>>, vector<16xi32>,
        %get3A_646 = arith.index_cast %sub3A_625 : i32 to index
        %get3A_647 = arith.constant 32 : index
        %get3A_648 = tpu.vector_load %arg13[%get3A_646, %get3A_647] {strides = array<i32>} : memref<160x128xi32, #tpu.memory_space<vmem>>, vector<1x16xi32>,
        %get3A_649 = vector.shape_cast %get3A_648 : vector<1x16xi32> to vector<16xi32>
        %add3A_650 = vector.broadcast %add3A_287 : i32 to vector<16xi32>
        %add3A_651 = arith.addi %get3A_649, %add3A_650 : vector<16xi32>
        %swap3A_652 = arith.constant 32 : index
        %swap3A_653 = tpu.vector_load %arg17[%swap3A_652] {strides = array<i32>} : memref<128xi32, #tpu.memory_space<vmem>>, vector<16xi32>,
        %swap3A_654 = vector.shape_cast %swap3A_653 : vector<16xi32> to vector<16xi32>
        %swap3A_655 = vector.shape_cast %add3A_651 : vector<16xi32> to vector<16xi32>
        tpu.vector_store %arg17[%swap3A_652], %swap3A_655 {strides = array<i32>} : memref<128xi32, #tpu.memory_space<vmem>>, vector<16xi32>,
        %get3A_656 = arith.index_cast %sub3A_625 : i32 to index
        %get3A_657 = arith.constant 48 : index
        %get3A_658 = tpu.vector_load %arg13[%get3A_656, %get3A_657] {strides = array<i32>} : memref<160x128xi32, #tpu.memory_space<vmem>>, vector<1x16xi32>,
        %get3A_659 = vector.shape_cast %get3A_658 : vector<1x16xi32> to vector<16xi32>
        %add3A_660 = vector.broadcast %add3A_287 : i32 to vector<16xi32>
        %add3A_661 = arith.addi %get3A_659, %add3A_660 : vector<16xi32>
        %swap3A_662 = arith.constant 48 : index
        %swap3A_663 = tpu.vector_load %arg17[%swap3A_662] {strides = array<i32>} : memref<128xi32, #tpu.memory_space<vmem>>, vector<16xi32>,
        %swap3A_664 = vector.shape_cast %swap3A_663 : vector<16xi32> to vector<16xi32>
        %swap3A_665 = vector.shape_cast %add3A_661 : vector<16xi32> to vector<16xi32>
        tpu.vector_store %arg17[%swap3A_662], %swap3A_665 {strides = array<i32>} : memref<128xi32, #tpu.memory_space<vmem>>, vector<16xi32>,
        %get3A_666 = arith.index_cast %sub3A_625 : i32 to index
        %get3A_667 = arith.constant 64 : index
        %get3A_668 = tpu.vector_load %arg13[%get3A_666, %get3A_667] {strides = array<i32>} : memref<160x128xi32, #tpu.memory_space<vmem>>, vector<1x16xi32>,
        %get3A_669 = vector.shape_cast %get3A_668 : vector<1x16xi32> to vector<16xi32>
        %add3A_670 = vector.broadcast %add3A_287 : i32 to vector<16xi32>
        %add3A_671 = arith.addi %get3A_669, %add3A_670 : vector<16xi32>
        %swap3A_672 = arith.constant 64 : index
        %swap3A_673 = tpu.vector_load %arg17[%swap3A_672] {strides = array<i32>} : memref<128xi32, #tpu.memory_space<vmem>>, vector<16xi32>,
        %swap3A_674 = vector.shape_cast %swap3A_673 : vector<16xi32> to vector<16xi32>
        %swap3A_675 = vector.shape_cast %add3A_671 : vector<16xi32> to vector<16xi32>
        tpu.vector_store %arg17[%swap3A_672], %swap3A_675 {strides = array<i32>} : memref<128xi32, #tpu.memory_space<vmem>>, vector<16xi32>,
        %get3A_676 = arith.index_cast %sub3A_625 : i32 to index
        %get3A_677 = arith.constant 80 : index
        %get3A_678 = tpu.vector_load %arg13[%get3A_676, %get3A_677] {strides = array<i32>} : memref<160x128xi32, #tpu.memory_space<vmem>>, vector<1x16xi32>,
        %get3A_679 = vector.shape_cast %get3A_678 : vector<1x16xi32> to vector<16xi32>
        %add3A_680 = vector.broadcast %add3A_287 : i32 to vector<16xi32>
        %add3A_681 = arith.addi %get3A_679, %add3A_680 : vector<16xi32>
        %swap3A_682 = arith.constant 80 : index
        %swap3A_683 = tpu.vector_load %arg17[%swap3A_682] {strides = array<i32>} : memref<128xi32, #tpu.memory_space<vmem>>, vector<16xi32>,
        %swap3A_684 = vector.shape_cast %swap3A_683 : vector<16xi32> to vector<16xi32>
        %swap3A_685 = vector.shape_cast %add3A_681 : vector<16xi32> to vector<16xi32>
        tpu.vector_store %arg17[%swap3A_682], %swap3A_685 {strides = array<i32>} : memref<128xi32, #tpu.memory_space<vmem>>, vector<16xi32>,
        %get3A_686 = arith.index_cast %sub3A_625 : i32 to index
        %get3A_687 = arith.constant 96 : index
        %get3A_688 = tpu.vector_load %arg13[%get3A_686, %get3A_687] {strides = array<i32>} : memref<160x128xi32, #tpu.memory_space<vmem>>, vector<1x16xi32>,
        %get3A_689 = vector.shape_cast %get3A_688 : vector<1x16xi32> to vector<16xi32>
        %add3A_690 = vector.broadcast %add3A_287 : i32 to vector<16xi32>
        %add3A_691 = arith.addi %get3A_689, %add3A_690 : vector<16xi32>
        %swap3A_692 = arith.constant 96 : index
        %swap3A_693 = tpu.vector_load %arg17[%swap3A_692] {strides = array<i32>} : memref<128xi32, #tpu.memory_space<vmem>>, vector<16xi32>,
        %swap3A_694 = vector.shape_cast %swap3A_693 : vector<16xi32> to vector<16xi32>
        %swap3A_695 = vector.shape_cast %add3A_691 : vector<16xi32> to vector<16xi32>
        tpu.vector_store %arg17[%swap3A_692], %swap3A_695 {strides = array<i32>} : memref<128xi32, #tpu.memory_space<vmem>>, vector<16xi32>,
        %get3A_696 = arith.index_cast %sub3A_625 : i32 to index
        %get3A_697 = arith.constant 112 : index
        %get3A_698 = tpu.vector_load %arg13[%get3A_696, %get3A_697] {strides = array<i32>} : memref<160x128xi32, #tpu.memory_space<vmem>>, vector<1x16xi32>,
        %get3A_699 = vector.shape_cast %get3A_698 : vector<1x16xi32> to vector<16xi32>
        %add3A_700 = vector.broadcast %add3A_287 : i32 to vector<16xi32>
        %add3A_701 = arith.addi %get3A_699, %add3A_700 : vector<16xi32>
        %swap3A_702 = arith.constant 112 : index
        %swap3A_703 = tpu.vector_load %arg17[%swap3A_702] {strides = array<i32>} : memref<128xi32, #tpu.memory_space<vmem>>, vector<16xi32>,
        %swap3A_704 = vector.shape_cast %swap3A_703 : vector<16xi32> to vector<16xi32>
        %swap3A_705 = vector.shape_cast %add3A_701 : vector<16xi32> to vector<16xi32>
        tpu.vector_store %arg17[%swap3A_702], %swap3A_705 {strides = array<i32>} : memref<128xi32, #tpu.memory_space<vmem>>, vector<16xi32>,
        %dma_start3A_706 = arith.constant 0 : i32
        %dma_start3A_707 = arith.constant 0 : i32
        %dma_start3A_708 = tpu.memref_slice %arg2[%dma_start3A_706, %dma_start3A_707] : memref<160000x64xf32, #tpu.memory_space<hbm>> -> memref<160000x64xf32, #tpu.memory_space<hbm>>
        tpu.enqueue_indirect_dma source(%dma_start3A_708 : memref<160000x64xf32, #tpu.memory_space<hbm>>) target(%arg21 : memref<128x64xf32, #tpu.memory_space<vmem>>) offsets(%arg17 : memref<128xi32, #tpu.memory_space<vmem>>) semaphore(%arg26 : memref<!tpu.dma_semaphore, #tpu.memory_space<semaphore_mem>>)
      } else {
      }
      %dma_wait3A_619 = arith.constant 0 : i32
      %dma_wait3A_620 = arith.constant 0 : i32
      %dma_wait3A_621 = tpu.memref_slice %arg2[%dma_wait3A_619, %dma_wait3A_620] : memref<160000x64xf32, #tpu.memory_space<hbm>> -> memref<160000x64xf32, #tpu.memory_space<hbm>>
      tpu.wait_indirect_dma semaphore(%arg27 : memref<!tpu.dma_semaphore, #tpu.memory_space<semaphore_mem>>) src(%dma_wait3A_621 : memref<160000x64xf32, #tpu.memory_space<hbm>>) dst(%arg22 : memref<128x64xf32, #tpu.memory_space<vmem>>)
      "tpu.region"() ({
        %run_scoped3A = tpu.sem_alloc : memref<!tpu.dma_semaphore, #tpu.memory_space<semaphore_mem>>
        %dma_start3A_622 = arith.constant 0 : i32
        %dma_start3A_623 = tpu.memref_slice %arg14[%add3A_609, %dma_start3A_622] : memref<160x128xi32, #tpu.memory_space<vmem>> -> memref<1x128xi32, #tpu.memory_space<vmem>>
        %dma_start3A_624 = tpu.memref_squeeze %dma_start3A_623 : memref<1x128xi32, #tpu.memory_space<vmem>> -> memref<128xi32, #tpu.memory_space<vmem>>
        %dma_start3A_625 = arith.constant 0 : i32
        %dma_start3A_626 = arith.constant 0 : i32
        %dma_start3A_627 = tpu.memref_slice %arg11[%dma_start3A_625, %dma_start3A_626] : memref<10240x64xf32, #tpu.memory_space<vmem_shared>> -> memref<10240x64xf32, #tpu.memory_space<vmem_shared>>
        tpu.enqueue_indirect_dma source(%arg22 : memref<128x64xf32, #tpu.memory_space<vmem>>) target(%dma_start3A_627 : memref<10240x64xf32, #tpu.memory_space<vmem_shared>>) offsets(%dma_start3A_624 : memref<128xi32, #tpu.memory_space<vmem>>) semaphore(%run_scoped3A : memref<!tpu.dma_semaphore, #tpu.memory_space<semaphore_mem>>) {add = true}
        %dma_wait3A_628 = arith.constant 0 : i32
        %dma_wait3A_629 = tpu.memref_slice %arg14[%add3A_609, %dma_wait3A_628] : memref<160x128xi32, #tpu.memory_space<vmem>> -> memref<1x128xi32, #tpu.memory_space<vmem>>
        %dma_wait3A_630 = tpu.memref_squeeze %dma_wait3A_629 : memref<1x128xi32, #tpu.memory_space<vmem>> -> memref<128xi32, #tpu.memory_space<vmem>>
        %dma_wait3A_631 = arith.constant 0 : i32
        %dma_wait3A_632 = arith.constant 0 : i32
        %dma_wait3A_633 = tpu.memref_slice %arg11[%dma_wait3A_631, %dma_wait3A_632] : memref<10240x64xf32, #tpu.memory_space<vmem_shared>> -> memref<10240x64xf32, #tpu.memory_space<vmem_shared>>
        tpu.wait_indirect_dma semaphore(%run_scoped3A : memref<!tpu.dma_semaphore, #tpu.memory_space<semaphore_mem>>) src(%arg22 : memref<128x64xf32, #tpu.memory_space<vmem>>) dst(%dma_wait3A_633 : memref<10240x64xf32, #tpu.memory_space<vmem_shared>>)
        tpu.yield
      }) : () -> ()
    }
    %scan3A_566 = arith.constant 40 : i32
    %barrier3A_567 = arith.constant 0 : index
    tpu.barrier barrier_id(%barrier3A_567)
    "tpu.region"() ({
      %run_scoped3A = tpu.sem_alloc : memref<!tpu.dma_semaphore, #tpu.memory_space<semaphore_mem>>
      %dma_start3A_568 = arith.constant 0 : i32
      %dma_start3A_569 = tpu.memref_slice %arg9[%add3A, %dma_start3A_568] : memref<20000x64xf32, #tpu.memory_space<hbm>> -> memref<625x64xf32, #tpu.memory_space<hbm>>
      %dma_start3A_570 = arith.constant 0 : i32
      %dma_start3A_571 = tpu.memref_slice %arg11[%mul3A_2, %dma_start3A_570] : memref<10240x64xf32, #tpu.memory_space<vmem_shared>> -> memref<625x64xf32, #tpu.memory_space<vmem_shared>>
      tpu.enqueue_dma source(%dma_start3A_571 : memref<625x64xf32, #tpu.memory_space<vmem_shared>>) target(%dma_start3A_569 : memref<625x64xf32, #tpu.memory_space<hbm>>) target_semaphore(%run_scoped3A : memref<!tpu.dma_semaphore, #tpu.memory_space<semaphore_mem>>)
      %dma_wait3A = arith.constant 0 : i32
      %dma_wait3A_572 = tpu.memref_slice %arg9[%add3A, %dma_wait3A] : memref<20000x64xf32, #tpu.memory_space<hbm>> -> memref<625x64xf32, #tpu.memory_space<hbm>>
      %dma_wait3A_573 = arith.constant 0 : i32
      %dma_wait3A_574 = tpu.memref_slice %arg11[%mul3A_2, %dma_wait3A_573] : memref<10240x64xf32, #tpu.memory_space<vmem_shared>> -> memref<625x64xf32, #tpu.memory_space<vmem_shared>>
      tpu.wait_dma2 semaphore(%run_scoped3A : memref<!tpu.dma_semaphore, #tpu.memory_space<semaphore_mem>>) src(%dma_wait3A_574 : memref<625x64xf32, #tpu.memory_space<vmem_shared>>) dst(%dma_wait3A_572 : memref<625x64xf32, #tpu.memory_space<hbm>>)
      tpu.yield
    }) : () -> ()
    return
  }
}

module attributes {stable_mosaic.version = 14 : i64} {
  func.func @_gidx_body(%arg0: memref<2560x128xi32, #tpu.memory_space<vmem>>, %arg1: memref<2560x128xi32, #tpu.memory_space<vmem>>, %arg2: memref<2560x128xi32, #tpu.memory_space<vmem>>) attributes {dimension_semantics = [], scalar_prefetch = 0 : i64, scratch_operands = 0 : i64, tpu.core_type = #tpu.core_type<tc>} {
    %get3A = arith.constant 0 : index
    %get3A_0 = arith.constant 0 : index
    %get3A_1 = vector.load %arg1[%get3A, %get3A_0] : memref<2560x128xi32, #tpu.memory_space<vmem>>, vector<2560x128xi32>
    %mul3A = arith.constant 20000 : i32
    %mul3A_2 = vector.broadcast %mul3A : i32 to vector<2560x128xi32>
    %mul3A_3 = arith.muli %get3A_1, %mul3A_2 : vector<2560x128xi32>
    %get3A_4 = arith.constant 0 : index
    %get3A_5 = arith.constant 0 : index
    %get3A_6 = vector.load %arg0[%get3A_4, %get3A_5] : memref<2560x128xi32, #tpu.memory_space<vmem>>, vector<2560x128xi32>
    %mul3A_7 = arith.constant 2 : i32
    %mul3A_8 = vector.broadcast %mul3A_7 : i32 to vector<2560x128xi32>
    %mul3A_9 = arith.muli %get3A_6, %mul3A_8 : vector<2560x128xi32>
    %add3A = arith.addi %mul3A_3, %mul3A_9 : vector<2560x128xi32>
    %swap3A = arith.constant 0 : index
    %swap3A_10 = arith.constant 0 : index
    %swap3A_11 = vector.load %arg2[%swap3A, %swap3A_10] : memref<2560x128xi32, #tpu.memory_space<vmem>>, vector<2560x128xi32>
    tpu.vector_store %arg2[%swap3A, %swap3A_10], %add3A {strides = array<i32>} : memref<2560x128xi32, #tpu.memory_space<vmem>>, vector<2560x128xi32>,
    return
  }
}

module attributes {stable_mosaic.version = 14 : i64} {
  func.func @_tables_body(%arg0: i32, %arg1: i32, %arg2: memref<2000x128xf32, #tpu.memory_space<vmem>>, %arg3: memref<1x128x128xf32, #tpu.memory_space<vmem>>, %arg4: memref<1x2000x128xf32, #tpu.memory_space<vmem>>) attributes {dimension_semantics = [#tpu.dimension_semantics<arbitrary>, #tpu.dimension_semantics<arbitrary>], iteration_bounds = array<i64: 8, 5>, scalar_prefetch = 0 : i64, scratch_operands = 0 : i64, tpu.core_type = #tpu.core_type<tc>, window_params = [{transform_indices = @transform_0, window_bounds = array<i64: 2000, 128>}, {transform_indices = @transform_1, window_bounds = array<i64: 1, 128, 128>}, {transform_indices = @transform_2, window_bounds = array<i64: 1, 2000, 128>}]} {
    %get3A = arith.constant 0 : index
    %get3A_0 = arith.constant 0 : index
    %get3A_1 = vector.load %arg2[%get3A, %get3A_0] : memref<2000x128xf32, #tpu.memory_space<vmem>>, vector<2000x128xf32>
    %get3A_2 = arith.constant 0 : index
    %get3A_3 = arith.constant 0 : index
    %get3A_4 = arith.constant 0 : index
    %get3A_5 = vector.load %arg3[%get3A_2, %get3A_3, %get3A_4] : memref<1x128x128xf32, #tpu.memory_space<vmem>>, vector<1x128x128xf32>
    %get3A_6 = vector.shape_cast %get3A_5 : vector<1x128x128xf32> to vector<128x128xf32>
    %dot_general3A = arith.constant dense<0.000000e+00> : vector<2000x128xf32>
    %dot_general3A_7 = tpu.matmul %get3A_1, %get3A_6, %dot_general3A {dimension_numbers = #tpu.dot_dimension_numbers<[1], [0], [0], [1], [0, 0, 1, 1], [], []>, transpose_lhs_hint = false} : vector<2000x128xf32>, vector<128x128xf32>, vector<2000x128xf32> -> vector<2000x128xf32>
    %swap3A = arith.constant 0 : index
    %swap3A_8 = arith.constant 0 : index
    %swap3A_9 = arith.constant 0 : index
    %swap3A_10 = vector.load %arg4[%swap3A, %swap3A_8, %swap3A_9] : memref<1x2000x128xf32, #tpu.memory_space<vmem>>, vector<1x2000x128xf32>
    %swap3A_11 = vector.shape_cast %swap3A_10 : vector<1x2000x128xf32> to vector<2000x128xf32>
    %swap3A_12 = vector.shape_cast %dot_general3A_7 : vector<2000x128xf32> to vector<1x2000x128xf32>
    tpu.vector_store %arg4[%swap3A, %swap3A_8, %swap3A_9], %swap3A_12 {strides = array<i32>} : memref<1x2000x128xf32, #tpu.memory_space<vmem>>, vector<1x2000x128xf32>,
    return
  }
  func.func @transform_0(%arg0: i32, %arg1: i32) -> (i32, i32) {
    %c0_i32 = arith.constant 0 : i32
    %c0_i32_0 = arith.constant 0 : i32
    return %arg1, %c0_i32 : i32, i32
  }
  func.func @transform_1(%arg0: i32, %arg1: i32) -> (i32, i32, i32) {
    %c0_i32 = arith.constant 0 : i32
    %c0_i32_0 = arith.constant 0 : i32
    %c0_i32_1 = arith.constant 0 : i32
    return %arg0, %c0_i32, %c0_i32_0 : i32, i32, i32
  }
  func.func @transform_2(%arg0: i32, %arg1: i32) -> (i32, i32, i32) {
    %c0_i32 = arith.constant 0 : i32
    %c0_i32_0 = arith.constant 0 : i32
    return %arg0, %arg1, %c0_i32 : i32, i32, i32
  }
}

module attributes {stable_mosaic.version = 14 : i64} {
  func.func @_post_body(%arg0: i32, %arg1: memref<2x2000x64xf32, #tpu.memory_space<vmem>>, %arg2: memref<2x2000x64xf32, #tpu.memory_space<vmem>>, %arg3: memref<2x2000x16xf32, #tpu.memory_space<vmem>>, %arg4: memref<2000x128xf32, #tpu.memory_space<vmem>>, %arg5: memref<2000x1xf32, #tpu.memory_space<vmem>>, %arg6: memref<2000x1xi32, #tpu.memory_space<vmem>>, %arg7: memref<2000x1xi32, #tpu.memory_space<vmem>>, %arg8: memref<128x128xf32, #tpu.memory_space<vmem>>, %arg9: memref<1x128xf32, #tpu.memory_space<vmem>>, %arg10: memref<128x128xf32, #tpu.memory_space<vmem>>, %arg11: memref<1x128xf32, #tpu.memory_space<vmem>>, %arg12: memref<128x1xf32, #tpu.memory_space<vmem>>, %arg13: memref<1x1xf32, #tpu.memory_space<vmem>>, %arg14: memref<128x128xf32, #tpu.memory_space<vmem>>, %arg15: memref<1x128xf32, #tpu.memory_space<vmem>>, %arg16: memref<128x128xf32, #tpu.memory_space<vmem>>, %arg17: memref<1x128xf32, #tpu.memory_space<vmem>>, %arg18: memref<128x1xf32, #tpu.memory_space<vmem>>, %arg19: memref<1x1xf32, #tpu.memory_space<vmem>>, %arg20: memref<1x256xf32, #tpu.memory_space<vmem>>) attributes {dimension_semantics = [#tpu.dimension_semantics<arbitrary>], iteration_bounds = array<i64: 5>, scalar_prefetch = 0 : i64, scratch_operands = 0 : i64, tpu.core_type = #tpu.core_type<tc>, window_params = [{transform_indices = @transform_0, window_bounds = array<i64: 2, 2000, 64>}, {transform_indices = @transform_1, window_bounds = array<i64: 2, 2000, 64>}, {transform_indices = @transform_2, window_bounds = array<i64: 2, 2000, 16>}, {transform_indices = @transform_3, window_bounds = array<i64: 2000, 128>}, {transform_indices = @transform_4, window_bounds = array<i64: 2000, 1>}, {transform_indices = @transform_5, window_bounds = array<i64: 2000, 1>}, {transform_indices = @transform_6, window_bounds = array<i64: 2000, 1>}, {pipeline_mode = #tpu.pipeline_mode<synchronous>, transform_indices = @transform_7, window_bounds = array<i64: 128, 128>}, {pipeline_mode = #tpu.pipeline_mode<synchronous>, transform_indices = @transform_8, window_bounds = array<i64: 1, 128>}, {pipeline_mode = #tpu.pipeline_mode<synchronous>, transform_indices = @transform_9, window_bounds = array<i64: 128, 128>}, {pipeline_mode = #tpu.pipeline_mode<synchronous>, transform_indices = @transform_10, window_bounds = array<i64: 1, 128>}, {pipeline_mode = #tpu.pipeline_mode<synchronous>, transform_indices = @transform_11, window_bounds = array<i64: 128, 1>}, {pipeline_mode = #tpu.pipeline_mode<synchronous>, transform_indices = @transform_12, window_bounds = array<i64: 1, 1>}, {pipeline_mode = #tpu.pipeline_mode<synchronous>, transform_indices = @transform_13, window_bounds = array<i64: 128, 128>}, {pipeline_mode = #tpu.pipeline_mode<synchronous>, transform_indices = @transform_14, window_bounds = array<i64: 1, 128>}, {pipeline_mode = #tpu.pipeline_mode<synchronous>, transform_indices = @transform_15, window_bounds = array<i64: 128, 128>}, {pipeline_mode = #tpu.pipeline_mode<synchronous>, transform_indices = @transform_16, window_bounds = array<i64: 1, 128>}, {pipeline_mode = #tpu.pipeline_mode<synchronous>, transform_indices = @transform_17, window_bounds = array<i64: 128, 1>}, {pipeline_mode = #tpu.pipeline_mode<synchronous>, transform_indices = @transform_18, window_bounds = array<i64: 1, 1>}, {pipeline_mode = #tpu.pipeline_mode<synchronous>, transform_indices = @transform_19, window_bounds = array<i64: 1, 256>}]} {
    %get3A = arith.constant 0 : index
    %get3A_0 = arith.constant 0 : index
    %get3A_1 = arith.constant 0 : index
    %get3A_2 = vector.load %arg3[%get3A, %get3A_0, %get3A_1] : memref<2x2000x16xf32, #tpu.memory_space<vmem>>, vector<1x2000x1xf32>
    %get3A_3 = vector.shape_cast %get3A_2 : vector<1x2000x1xf32> to vector<2000x1xf32>
    %get3A_4 = arith.constant 1 : index
    %get3A_5 = arith.constant 0 : index
    %get3A_6 = arith.constant 0 : index
    %get3A_7 = vector.load %arg3[%get3A_4, %get3A_5, %get3A_6] : memref<2x2000x16xf32, #tpu.memory_space<vmem>>, vector<1x2000x1xf32>
    %get3A_8 = vector.shape_cast %get3A_7 : vector<1x2000x1xf32> to vector<2000x1xf32>
    %add3A = arith.addf %get3A_3, %get3A_8 : vector<2000x1xf32>
    %max3A = arith.constant 1.000000e+00 : f32
    %max3A_9 = vector.broadcast %max3A : f32 to vector<2000x1xf32>
    %max3A_10 = arith.maximumf %add3A, %max3A_9 : vector<2000x1xf32>
    %get3A_11 = arith.constant 0 : index
    %get3A_12 = arith.constant 0 : index
    %get3A_13 = vector.load %arg4[%get3A_11, %get3A_12] : memref<2000x128xf32, #tpu.memory_space<vmem>>, vector<2000x128xf32>
    %get3A_14 = arith.constant 0 : index
    %get3A_15 = arith.constant 0 : index
    %get3A_16 = arith.constant 0 : index
    %get3A_17 = vector.load %arg1[%get3A_14, %get3A_15, %get3A_16] : memref<2x2000x64xf32, #tpu.memory_space<vmem>>, vector<1x2000x64xf32>
    %get3A_18 = vector.shape_cast %get3A_17 : vector<1x2000x64xf32> to vector<2000x64xf32>
    %get3A_19 = arith.constant 1 : index
    %get3A_20 = arith.constant 0 : index
    %get3A_21 = arith.constant 0 : index
    %get3A_22 = vector.load %arg1[%get3A_19, %get3A_20, %get3A_21] : memref<2x2000x64xf32, #tpu.memory_space<vmem>>, vector<1x2000x64xf32>
    %get3A_23 = vector.shape_cast %get3A_22 : vector<1x2000x64xf32> to vector<2000x64xf32>
    %concatenate3A = tpu.concatenate %get3A_18, %get3A_23 in 1 : vector<2000x64xf32>, vector<2000x64xf32> -> vector<2000x128xf32>
    %div3A = vector.broadcast %max3A_10 : vector<2000x1xf32> to vector<2000x128xf32>
    %div3A_24 = arith.divf %concatenate3A, %div3A : vector<2000x128xf32>
    %get3A_25 = arith.constant 0 : index
    %get3A_26 = arith.constant 0 : index
    %get3A_27 = vector.load %arg8[%get3A_25, %get3A_26] : memref<128x128xf32, #tpu.memory_space<vmem>>, vector<128x128xf32>
    %dot_general3A = arith.constant dense<0.000000e+00> : vector<2000x128xf32>
    %dot_general3A_28 = tpu.matmul %get3A_13, %get3A_27, %dot_general3A {dimension_numbers = #tpu.dot_dimension_numbers<[1], [0], [0], [1], [0, 0, 1, 1], [], []>, transpose_lhs_hint = false} : vector<2000x128xf32>, vector<128x128xf32>, vector<2000x128xf32> -> vector<2000x128xf32>
    %add3A_29 = arith.addf %div3A_24, %dot_general3A_28 : vector<2000x128xf32>
    %get3A_30 = arith.constant 0 : index
    %get3A_31 = arith.constant 0 : index
    %get3A_32 = vector.load %arg9[%get3A_30, %get3A_31] : memref<1x128xf32, #tpu.memory_space<vmem>>, vector<1x128xf32>
    %add3A_33 = vector.broadcast %get3A_32 : vector<1x128xf32> to vector<2000x128xf32>
    %add3A_34 = arith.addf %add3A_29, %add3A_33 : vector<2000x128xf32>
    %max3A_35 = arith.constant 0.000000e+00 : f32
    %max3A_36 = vector.broadcast %max3A_35 : f32 to vector<2000x128xf32>
    %max3A_37 = arith.maximumf %add3A_34, %max3A_36 : vector<2000x128xf32>
    %get3A_38 = arith.constant 0 : index
    %get3A_39 = arith.constant 0 : index
    %get3A_40 = vector.load %arg10[%get3A_38, %get3A_39] : memref<128x128xf32, #tpu.memory_space<vmem>>, vector<128x128xf32>
    %dot_general3A_41 = arith.constant dense<0.000000e+00> : vector<2000x128xf32>
    %dot_general3A_42 = tpu.matmul %max3A_37, %get3A_40, %dot_general3A_41 {dimension_numbers = #tpu.dot_dimension_numbers<[1], [0], [0], [1], [0, 0, 1, 1], [], []>, transpose_lhs_hint = false} : vector<2000x128xf32>, vector<128x128xf32>, vector<2000x128xf32> -> vector<2000x128xf32>
    %get3A_43 = arith.constant 0 : index
    %get3A_44 = arith.constant 0 : index
    %get3A_45 = vector.load %arg11[%get3A_43, %get3A_44] : memref<1x128xf32, #tpu.memory_space<vmem>>, vector<1x128xf32>
    %add3A_46 = vector.broadcast %get3A_45 : vector<1x128xf32> to vector<2000x128xf32>
    %add3A_47 = arith.addf %dot_general3A_42, %add3A_46 : vector<2000x128xf32>
    %max3A_48 = arith.constant 0.000000e+00 : f32
    %max3A_49 = vector.broadcast %max3A_48 : f32 to vector<2000x128xf32>
    %max3A_50 = arith.maximumf %add3A_47, %max3A_49 : vector<2000x128xf32>
    %get3A_51 = arith.constant 0 : index
    %get3A_52 = arith.constant 0 : index
    %get3A_53 = vector.load %arg12[%get3A_51, %get3A_52] : memref<128x1xf32, #tpu.memory_space<vmem>>, vector<128x1xf32>
    %dot_general3A_54 = arith.constant dense<0.000000e+00> : vector<2000x1xf32>
    %dot_general3A_55 = tpu.matmul %max3A_50, %get3A_53, %dot_general3A_54 {dimension_numbers = #tpu.dot_dimension_numbers<[1], [0], [0], [1], [0, 0, 1, 1], [], []>, transpose_lhs_hint = false} : vector<2000x128xf32>, vector<128x1xf32>, vector<2000x1xf32> -> vector<2000x1xf32>
    %get3A_56 = arith.constant 0 : index
    %get3A_57 = arith.constant 0 : index
    %get3A_58 = vector.load %arg13[%get3A_56, %get3A_57] : memref<1x1xf32, #tpu.memory_space<vmem>>, vector<1x1xf32>
    %add3A_59 = vector.broadcast %get3A_58 : vector<1x1xf32> to vector<2000x1xf32>
    %add3A_60 = arith.addf %dot_general3A_55, %add3A_59 : vector<2000x1xf32>
    %abs3A = math.absf %add3A_60 : vector<2000x1xf32>
    %get3A_61 = arith.constant 0 : index
    %get3A_62 = arith.constant 0 : index
    %get3A_63 = arith.constant 0 : index
    %get3A_64 = vector.load %arg2[%get3A_61, %get3A_62, %get3A_63] : memref<2x2000x64xf32, #tpu.memory_space<vmem>>, vector<1x2000x64xf32>
    %get3A_65 = vector.shape_cast %get3A_64 : vector<1x2000x64xf32> to vector<2000x64xf32>
    %get3A_66 = arith.constant 1 : index
    %get3A_67 = arith.constant 0 : index
    %get3A_68 = arith.constant 0 : index
    %get3A_69 = vector.load %arg2[%get3A_66, %get3A_67, %get3A_68] : memref<2x2000x64xf32, #tpu.memory_space<vmem>>, vector<1x2000x64xf32>
    %get3A_70 = vector.shape_cast %get3A_69 : vector<1x2000x64xf32> to vector<2000x64xf32>
    %concatenate3A_71 = tpu.concatenate %get3A_65, %get3A_70 in 1 : vector<2000x64xf32>, vector<2000x64xf32> -> vector<2000x128xf32>
    %div3A_72 = vector.broadcast %max3A_10 : vector<2000x1xf32> to vector<2000x128xf32>
    %div3A_73 = arith.divf %concatenate3A_71, %div3A_72 : vector<2000x128xf32>
    %get3A_74 = arith.constant 0 : index
    %get3A_75 = arith.constant 0 : index
    %get3A_76 = vector.load %arg14[%get3A_74, %get3A_75] : memref<128x128xf32, #tpu.memory_space<vmem>>, vector<128x128xf32>
    %dot_general3A_77 = arith.constant dense<0.000000e+00> : vector<2000x128xf32>
    %dot_general3A_78 = tpu.matmul %get3A_13, %get3A_76, %dot_general3A_77 {dimension_numbers = #tpu.dot_dimension_numbers<[1], [0], [0], [1], [0, 0, 1, 1], [], []>, transpose_lhs_hint = false} : vector<2000x128xf32>, vector<128x128xf32>, vector<2000x128xf32> -> vector<2000x128xf32>
    %add3A_79 = arith.addf %div3A_73, %dot_general3A_78 : vector<2000x128xf32>
    %get3A_80 = arith.constant 0 : index
    %get3A_81 = arith.constant 0 : index
    %get3A_82 = vector.load %arg15[%get3A_80, %get3A_81] : memref<1x128xf32, #tpu.memory_space<vmem>>, vector<1x128xf32>
    %add3A_83 = vector.broadcast %get3A_82 : vector<1x128xf32> to vector<2000x128xf32>
    %add3A_84 = arith.addf %add3A_79, %add3A_83 : vector<2000x128xf32>
    %max3A_85 = arith.constant 0.000000e+00 : f32
    %max3A_86 = vector.broadcast %max3A_85 : f32 to vector<2000x128xf32>
    %max3A_87 = arith.maximumf %add3A_84, %max3A_86 : vector<2000x128xf32>
    %get3A_88 = arith.constant 0 : index
    %get3A_89 = arith.constant 0 : index
    %get3A_90 = vector.load %arg16[%get3A_88, %get3A_89] : memref<128x128xf32, #tpu.memory_space<vmem>>, vector<128x128xf32>
    %dot_general3A_91 = arith.constant dense<0.000000e+00> : vector<2000x128xf32>
    %dot_general3A_92 = tpu.matmul %max3A_87, %get3A_90, %dot_general3A_91 {dimension_numbers = #tpu.dot_dimension_numbers<[1], [0], [0], [1], [0, 0, 1, 1], [], []>, transpose_lhs_hint = false} : vector<2000x128xf32>, vector<128x128xf32>, vector<2000x128xf32> -> vector<2000x128xf32>
    %get3A_93 = arith.constant 0 : index
    %get3A_94 = arith.constant 0 : index
    %get3A_95 = vector.load %arg17[%get3A_93, %get3A_94] : memref<1x128xf32, #tpu.memory_space<vmem>>, vector<1x128xf32>
    %add3A_96 = vector.broadcast %get3A_95 : vector<1x128xf32> to vector<2000x128xf32>
    %add3A_97 = arith.addf %dot_general3A_92, %add3A_96 : vector<2000x128xf32>
    %max3A_98 = arith.constant 0.000000e+00 : f32
    %max3A_99 = vector.broadcast %max3A_98 : f32 to vector<2000x128xf32>
    %max3A_100 = arith.maximumf %add3A_97, %max3A_99 : vector<2000x128xf32>
    %get3A_101 = arith.constant 0 : index
    %get3A_102 = arith.constant 0 : index
    %get3A_103 = vector.load %arg18[%get3A_101, %get3A_102] : memref<128x1xf32, #tpu.memory_space<vmem>>, vector<128x1xf32>
    %dot_general3A_104 = arith.constant dense<0.000000e+00> : vector<2000x1xf32>
    %dot_general3A_105 = tpu.matmul %max3A_100, %get3A_103, %dot_general3A_104 {dimension_numbers = #tpu.dot_dimension_numbers<[1], [0], [0], [1], [0, 0, 1, 1], [], []>, transpose_lhs_hint = false} : vector<2000x128xf32>, vector<128x1xf32>, vector<2000x1xf32> -> vector<2000x1xf32>
    %get3A_106 = arith.constant 0 : index
    %get3A_107 = arith.constant 0 : index
    %get3A_108 = vector.load %arg19[%get3A_106, %get3A_107] : memref<1x1xf32, #tpu.memory_space<vmem>>, vector<1x1xf32>
    %add3A_109 = vector.broadcast %get3A_108 : vector<1x1xf32> to vector<2000x1xf32>
    %add3A_110 = arith.addf %dot_general3A_105, %add3A_109 : vector<2000x1xf32>
    %get3A_111 = arith.constant 0 : index
    %get3A_112 = arith.constant 0 : index
    %get3A_113 = vector.load %arg6[%get3A_111, %get3A_112] : memref<2000x1xi32, #tpu.memory_space<vmem>>, vector<2000x1xi32>
    %eq3A = arith.constant 0 : i32
    %eq3A_114 = vector.broadcast %eq3A : i32 to vector<2000x1xi32>
    %eq3A_115 = arith.cmpi eq, %get3A_113, %eq3A_114 : vector<2000x1xi32>
    %get3A_116 = arith.constant 0 : index
    %get3A_117 = arith.constant 0 : index
    %get3A_118 = vector.load %arg5[%get3A_116, %get3A_117] : memref<2000x1xf32, #tpu.memory_space<vmem>>, vector<2000x1xf32>
    %mul3A = arith.mulf %abs3A, %get3A_118 : vector<2000x1xf32>
    %add3A_119 = arith.addf %mul3A, %add3A_110 : vector<2000x1xf32>
    %jit3A = arith.constant 0.000000e+00 : f32
    %broadcast_in_dim3A = vector.broadcast %jit3A : f32 to vector<2000x1xf32>
    %select_n3A = arith.select %eq3A_115, %add3A_119, %broadcast_in_dim3A : vector<2000x1xi1>, vector<2000x1xf32>
    %get3A_120 = arith.constant 0 : index
    %get3A_121 = arith.constant 0 : index
    %get3A_122 = vector.load %arg7[%get3A_120, %get3A_121] : memref<2000x1xi32, #tpu.memory_space<vmem>>, vector<2000x1xi32>
    %iota3A = tpu.iota {dimensions = array<i32: 1>} : vector<2000x256xi32>
    %eq3A_123 = vector.broadcast %get3A_122 : vector<2000x1xi32> to vector<2000x256xi32>
    %eq3A_124 = arith.cmpi eq, %eq3A_123, %iota3A : vector<2000x256xi32>
    %convert_element_type3A = arith.extui %eq3A_124 : vector<2000x256xi1> to vector<2000x256xi32>
    %convert_element_type3A_125 = arith.sitofp %convert_element_type3A : vector<2000x256xi32> to vector<2000x256xf32>
    %dot_general3A_126 = arith.constant dense<0.000000e+00> : vector<1x256xf32>
    %dot_general3A_127 = tpu.matmul %select_n3A, %convert_element_type3A_125, %dot_general3A_126 {dimension_numbers = #tpu.dot_dimension_numbers<[0], [0], [1], [1], [0, 1, 1, 1], [], []>, transpose_lhs_hint = false} : vector<2000x1xf32>, vector<2000x256xf32>, vector<1x256xf32> -> vector<1x256xf32>
    %eq3A_128 = arith.constant 0 : i32
    %eq3A_129 = arith.cmpi eq, %arg0, %eq3A_128 : i32
    %convert_element_type3A_130 = arith.extui %eq3A_129 : i1 to i32
    %cond3A = arith.constant 0 : i32
    %cond3A_131 = arith.cmpi ne, %convert_element_type3A_130, %cond3A : i32
    scf.if %cond3A_131 {
      %broadcast_in_dim3A_138 = arith.constant 0.000000e+00 : f32
      %broadcast_in_dim3A_139 = vector.broadcast %broadcast_in_dim3A_138 : f32 to vector<1x256xf32>
      %swap3A_140 = arith.constant 0 : index
      %swap3A_141 = arith.constant 0 : index
      %swap3A_142 = vector.load %arg20[%swap3A_140, %swap3A_141] : memref<1x256xf32, #tpu.memory_space<vmem>>, vector<1x256xf32>
      tpu.vector_store %arg20[%swap3A_140, %swap3A_141], %broadcast_in_dim3A_139 {strides = array<i32>} : memref<1x256xf32, #tpu.memory_space<vmem>>, vector<1x256xf32>,
    } else {
    }
    %get3A_132 = arith.constant 0 : index
    %get3A_133 = arith.constant 0 : index
    %get3A_134 = vector.load %arg20[%get3A_132, %get3A_133] : memref<1x256xf32, #tpu.memory_space<vmem>>, vector<1x256xf32>
    %add3A_135 = arith.addf %get3A_134, %dot_general3A_127 : vector<1x256xf32>
    %swap3A = arith.constant 0 : index
    %swap3A_136 = arith.constant 0 : index
    %swap3A_137 = vector.load %arg20[%swap3A, %swap3A_136] : memref<1x256xf32, #tpu.memory_space<vmem>>, vector<1x256xf32>
    tpu.vector_store %arg20[%swap3A, %swap3A_136], %add3A_135 {strides = array<i32>} : memref<1x256xf32, #tpu.memory_space<vmem>>, vector<1x256xf32>,
    return
  }
  func.func @transform_0(%arg0: i32) -> (i32, i32, i32) {
    %c0_i32 = arith.constant 0 : i32
    %c0_i32_0 = arith.constant 0 : i32
    %c0_i32_1 = arith.constant 0 : i32
    return %c0_i32, %arg0, %c0_i32_0 : i32, i32, i32
  }
  func.func @transform_1(%arg0: i32) -> (i32, i32, i32) {
    %c0_i32 = arith.constant 0 : i32
    %c0_i32_0 = arith.constant 0 : i32
    %c0_i32_1 = arith.constant 0 : i32
    return %c0_i32, %arg0, %c0_i32_0 : i32, i32, i32
  }
  func.func @transform_2(%arg0: i32) -> (i32, i32, i32) {
    %c0_i32 = arith.constant 0 : i32
    %c0_i32_0 = arith.constant 0 : i32
    %c0_i32_1 = arith.constant 0 : i32
    return %c0_i32, %arg0, %c0_i32_0 : i32, i32, i32
  }
  func.func @transform_3(%arg0: i32) -> (i32, i32) {
    %c0_i32 = arith.constant 0 : i32
    %c0_i32_0 = arith.constant 0 : i32
    return %arg0, %c0_i32 : i32, i32
  }
  func.func @transform_4(%arg0: i32) -> (i32, i32) {
    %c0_i32 = arith.constant 0 : i32
    %c0_i32_0 = arith.constant 0 : i32
    return %arg0, %c0_i32 : i32, i32
  }
  func.func @transform_5(%arg0: i32) -> (i32, i32) {
    %c0_i32 = arith.constant 0 : i32
    %c0_i32_0 = arith.constant 0 : i32
    return %arg0, %c0_i32 : i32, i32
  }
  func.func @transform_6(%arg0: i32) -> (i32, i32) {
    %c0_i32 = arith.constant 0 : i32
    %c0_i32_0 = arith.constant 0 : i32
    return %arg0, %c0_i32 : i32, i32
  }
  func.func @transform_7(%arg0: i32) -> (i32, i32) {
    %c0_i32 = arith.constant 0 : i32
    %c0_i32_0 = arith.constant 0 : i32
    %c0_i32_1 = arith.constant 0 : i32
    return %c0_i32, %c0_i32_0 : i32, i32
  }
  func.func @transform_8(%arg0: i32) -> (i32, i32) {
    %c0_i32 = arith.constant 0 : i32
    %c0_i32_0 = arith.constant 0 : i32
    %c0_i32_1 = arith.constant 0 : i32
    return %c0_i32, %c0_i32_0 : i32, i32
  }
  func.func @transform_9(%arg0: i32) -> (i32, i32) {
    %c0_i32 = arith.constant 0 : i32
    %c0_i32_0 = arith.constant 0 : i32
    %c0_i32_1 = arith.constant 0 : i32
    return %c0_i32, %c0_i32_0 : i32, i32
  }
  func.func @transform_10(%arg0: i32) -> (i32, i32) {
    %c0_i32 = arith.constant 0 : i32
    %c0_i32_0 = arith.constant 0 : i32
    %c0_i32_1 = arith.constant 0 : i32
    return %c0_i32, %c0_i32_0 : i32, i32
  }
  func.func @transform_11(%arg0: i32) -> (i32, i32) {
    %c0_i32 = arith.constant 0 : i32
    %c0_i32_0 = arith.constant 0 : i32
    %c0_i32_1 = arith.constant 0 : i32
    return %c0_i32, %c0_i32_0 : i32, i32
  }
  func.func @transform_12(%arg0: i32) -> (i32, i32) {
    %c0_i32 = arith.constant 0 : i32
    %c0_i32_0 = arith.constant 0 : i32
    %c0_i32_1 = arith.constant 0 : i32
    return %c0_i32, %c0_i32_0 : i32, i32
  }
  func.func @transform_13(%arg0: i32) -> (i32, i32) {
    %c0_i32 = arith.constant 0 : i32
    %c0_i32_0 = arith.constant 0 : i32
    %c0_i32_1 = arith.constant 0 : i32
    return %c0_i32, %c0_i32_0 : i32, i32
  }
  func.func @transform_14(%arg0: i32) -> (i32, i32) {
    %c0_i32 = arith.constant 0 : i32
    %c0_i32_0 = arith.constant 0 : i32
    %c0_i32_1 = arith.constant 0 : i32
    return %c0_i32, %c0_i32_0 : i32, i32
  }
  func.func @transform_15(%arg0: i32) -> (i32, i32) {
    %c0_i32 = arith.constant 0 : i32
    %c0_i32_0 = arith.constant 0 : i32
    %c0_i32_1 = arith.constant 0 : i32
    return %c0_i32, %c0_i32_0 : i32, i32
  }
  func.func @transform_16(%arg0: i32) -> (i32, i32) {
    %c0_i32 = arith.constant 0 : i32
    %c0_i32_0 = arith.constant 0 : i32
    %c0_i32_1 = arith.constant 0 : i32
    return %c0_i32, %c0_i32_0 : i32, i32
  }
  func.func @transform_17(%arg0: i32) -> (i32, i32) {
    %c0_i32 = arith.constant 0 : i32
    %c0_i32_0 = arith.constant 0 : i32
    %c0_i32_1 = arith.constant 0 : i32
    return %c0_i32, %c0_i32_0 : i32, i32
  }
  func.func @transform_18(%arg0: i32) -> (i32, i32) {
    %c0_i32 = arith.constant 0 : i32
    %c0_i32_0 = arith.constant 0 : i32
    %c0_i32_1 = arith.constant 0 : i32
    return %c0_i32, %c0_i32_0 : i32, i32
  }
  func.func @transform_19(%arg0: i32) -> (i32, i32) {
    %c0_i32 = arith.constant 0 : i32
    %c0_i32_0 = arith.constant 0 : i32
    %c0_i32_1 = arith.constant 0 : i32
    return %c0_i32, %c0_i32_0 : i32, i32
  }
}

</mosaic_0001>

<sc_bundles>
// kernel: kernel.6.cloned.1.call-start
scs
__scs_entry_jumppad:
0x0: {  	(pc) =	sbr.rel $0x88, $3  }
0x1: {  	(tag) =	ssettag $0x0;
	lr =	simm.s32 $0x1  }
0x2: {  	[smem:$0x3F8D] =	sst lr;
	_ =	strace $0xD0000000  }
0x3: {  	_ = 	snop  }
0x4: {  	_ = 	snop  }
0x5: {  	_ = 	snop  }
0x6: {  	_ = 	snop  }
0x7: {  	_ = 	snop  }
__scs_overlays_trampoline_lowered:
0x8: {  	[smem:$0x3F9C] =	sst s0  }
0x9: {  	[smem:$0x3F9D] =	sst s1  }
0xa: {  	[smem:$0x3F9E] =	sst s2  }
0xb: {  	[smem:$0x3F9F] =	sst s3  }
0xc: {  	[smem:$0x3FA0] =	sst s4  }
0xd: {  	[smem:$0x3FA1] =	sst s5  }
0xe: {  	[smem:$0x3FA2] =	sst s6  }
0xf: {  	[smem:$0x3FA3] =	sst s7  }
0x10: {  	[smem:$0x3FA4] =	sst s8  }
0x11: {  	[smem:$0x3FA5] =	sst s9;
	s0 =	simm.s32 @!p0 $0x0  }
0x12: {  	s1 =	sld [smem:$0x3F8B];
	s0 =	simm.s32 @p0 $0x1  }
0x13: {  	[smem:$0x3FA6] =	sst s0;
	s0 =	simm.s32 @!p1 $0x0  }
0x14: {  	s2 =	sld [smem:$0x3F8A];
	s0 =	simm.s32 @p1 $0x1  }
0x15: {  	[smem:$0x3FA7] =	sst s0;
	s0 =	simm.s32 @!p2 $0x0  }
0x16: {  	s3 =	sld [smem:$0x3FDB];
	s0 =	simm.s32 @p2 $0x1  }
0x17: {  	s4 =	simm.s32 $0x1BF5;
	[smem:$0x3FA9] =	sst s0  }
0x18: {  	s0 =	sld [smem:$0x3F8C];
	_ =	swait.ge [sflag:s4], $0x0  }
0x19: {  	s7 =	sld [smem:$0x3F8D]  }
0x1a: {  	s8 =	sadd.s32 $0xFFFFE003, lr  }
0x1b: {  	s9 =	sadd.s32 $0xFFFFFEF7, lr;
	s5 =	simm.s32 $0xFFFFFFFF;
	p2 =	slt.u32 s8, $0xFFFFF086  }
0x1c: {  	p1 =	slt.u32 s9, $0xF7A;
	s5 =	simm.s32 @!p2 $0x0  }
0x1d: {  	s5 =	simm.s32 @p1 $0x1;
	p0 =	seq.s32 s7, s2  }
0x1e: {  	s7 =	smul.u32 @!p0 $0xF7A, s2;
	p2 =	seq.s32 @!p0 s5, $0x0  }
0x1f: {  	s9 =	smul.u32 $0xF7A, s1;
	s8 =	simm.s32 @!p0 $0x1BF5;
	p2 =	por !p2, p0  }
0x20: {  	[sflag:s8] =	ssyncset.s32 @!p0 $0xFFFFF086;
	s6 =	sadd.s32 @!p0 s3, s7;
	s7 =	simm.s32 @!p0 $0x108  }
0x21: {  	s3 =	sadd.s32 s3, s9;
	s6 =	sadd.s32 @!p0 $0x88, s6;
	s7 =	simm.s32 @p2 $0x1082  }
0x22: {  	[simem:s7], [sflag:s8] =	dma.local @!p0 [hbm:s6], $0xF7A  }
0x23: {  	s9 =	sor.u32 $0xD0000000, s2;
	s6 =	simm.s32 $0x108;
	_ =	swait.ge @!p0 [sflag:s8], $0x0  }
0x24: {  	s3 =	sadd.s32 $0x88, s3;
	s6 =	simm.s32 @!p1 $0x1082;
	[sflag:s4] =	ssyncset.s32 $0xFFFFF086  }
0x25: {  	[simem:s6], [sflag:s4] =	dma.local [hbm:s3], $0xF7A  }
0x26: {  	[smem:$0x3F8D] =	sst s1;
	(tag) =	ssettag s2;
	_ =	strace s9  }
0x27: {  	s1 =	sld [smem:$0x3F9D]  }
0x28: {  	s2 =	sld [smem:$0x3F9E]  }
0x29: {  	s4 =	sld [smem:$0x3FA0]  }
0x2a: {  	p0 =	seq.s32 s5, $0x0;
	s5 =	sld [smem:$0x3FA1]  }
0x2b: {  	s6 =	sld [smem:$0x3FA2]  }
0x2c: {  	s7 =	sld [smem:$0x3FA3]  }
0x2d: {  	s3 =	simm.s32 $0x108;
	s8 =	sld [smem:$0x3FA4]  }
0x2e: {  	s3 =	simm.s32 @!p0 $0x1082;
	s9 =	sld [smem:$0x3FA5]  }
0x2f: {  	lr =	sadd.s32 s0, s3;
	s0 =	sld [smem:$0x3F9C]  }
0x30: {  	s3 =	sld [smem:$0x3F9F]  }
0x31: {  	[smem:$0x3FA8] =	sst s10  }
0x32: {  	s10 =	sld [smem:$0x3FA6];
	_ =	sdelay $0x3  }
0x33: {  	p0 =	seq.s32 s10, $0x1;
	s10 =	sld [smem:$0x3FA8];
	_ =	sdelay $0x3  }
0x34: {  	[smem:$0x3FA8] =	sst s10  }
0x35: {  	s10 =	sld [smem:$0x3FA7];
	_ =	sdelay $0x3  }
0x36: {  	p1 =	seq.s32 s10, $0x1;
	s10 =	sld [smem:$0x3FA8];
	_ =	sdelay $0x3  }
0x37: {  	[smem:$0x3FA8] =	sst s10  }
0x38: {  	s10 =	sld [smem:$0x3FA9]  }
0x39: {  	_ = 	snop;
	(pc) =	sbr.ind lr, $3  }
0x3a: {  	_ = 	snop  }
0x3b: {  	_ = 	snop  }
0x3c: {  	p2 =	seq.s32 s10, $0x1;
	s10 =	sld [smem:$0x3FA8]  }
0x3d: {  	_ =	shalt  }
0x3e: {  	_ =	shalt  }
0x3f: {  	_ =	shalt  }
0x40: {  	_ =	shalt  }
0x41: {  	_ =	shalt  }
0x42: {  	_ =	shalt  }
0x43: {  	_ =	shalt  }
0x44: {  	_ =	shalt  }
0x45: {  	_ =	shalt  }
0x46: {  	_ =	shalt  }
0x47: {  	_ =	shalt  }
0x48: {  	_ =	shalt  }
0x49: {  	_ =	shalt  }
0x4a: {  	_ =	shalt  }
0x4b: {  	_ =	shalt  }
0x4c: {  	_ =	shalt  }
0x4d: {  	_ =	shalt  }
0x4e: {  	_ =	shalt  }
0x4f: {  	_ =	shalt  }
0x50: {  	_ =	shalt  }
0x51: {  	_ =	shalt  }
0x52: {  	_ =	shalt  }
0x53: {  	_ =	shalt  }
0x54: {  	_ =	shalt  }
0x55: {  	_ =	shalt  }
0x56: {  	_ =	shalt  }
0x57: {  	_ =	shalt  }
0x58: {  	_ =	shalt  }
0x59: {  	_ =	shalt  }
0x5a: {  	_ =	shalt  }
0x5b: {  	_ =	shalt  }
0x5c: {  	_ =	shalt  }
0x5d: {  	_ =	shalt  }
0x5e: {  	_ =	shalt  }
0x5f: {  	_ =	shalt  }
0x60: {  	_ =	shalt  }
0x61: {  	_ =	shalt  }
0x62: {  	_ =	shalt  }
0x63: {  	_ =	shalt  }
0x64: {  	_ =	shalt  }
0x65: {  	_ =	shalt  }
0x66: {  	_ =	shalt  }
0x67: {  	_ =	shalt  }
0x68: {  	_ =	shalt  }
0x69: {  	_ =	shalt  }
0x6a: {  	_ =	shalt  }
0x6b: {  	_ =	shalt  }
0x6c: {  	_ =	shalt  }
0x6d: {  	_ =	shalt  }
0x6e: {  	_ =	shalt  }
0x6f: {  	_ =	shalt  }
0x70: {  	_ =	shalt  }
0x71: {  	_ =	shalt  }
0x72: {  	_ =	shalt  }
0x73: {  	_ =	shalt  }
0x74: {  	_ =	shalt  }
0x75: {  	_ =	shalt  }
0x76: {  	_ =	shalt  }
0x77: {  	_ =	shalt  }
0x78: {  	_ =	shalt  }
0x79: {  	_ =	shalt  }
0x7a: {  	_ =	shalt  }
0x7b: {  	_ =	shalt  }
0x7c: {  	_ =	shalt  }
0x7d: {  	_ =	shalt  }
0x7e: {  	_ =	shalt  }
0x7f: {  	_ =	shalt  }
0x80: {  	_ =	shalt  }
0x81: {  	_ =	shalt  }
0x82: {  	_ =	shalt  }
0x83: {  	_ =	shalt  }
0x84: {  	_ =	shalt  }
0x85: {  	_ =	shalt  }
0x86: {  	_ =	shalt  }
0x87: {  	_ =	shalt  }
.Lfunc_end0:
.L_simem_size_0:
called_computation_lowered:
.L_overlay_start_0:
0x88: {  	s2 =	sld [smem:$0x3FD9]  }
0x89: {  	s3 =	sld [smem:$0x3FFE];
	_ =	sdelay $0x1  }
0x8a: {  	s1 =	srdreg.scid  }
0x8b: {  	s0 =	sand.u32 $0x1, s1  }
0x8c: {  	s16 =	sshll.u32 s0, $0xA;
	s2 =	sadd.s32 s3, s2  }
0x8d: {  	s2 =	sadd.s32 s2, s16  }
0x8e: {  	[smem:$0x3FB4] =	sst s2  }
0x8f: {  	_ = 	snop  }
0x90: {  	(tm) =	ssettm $0x1  }
0x91: {  	s17 =	sld [smem:$0x3FFB];
	_ =	sdelay $0x3  }
0x92: {  	_ =	strace s17  }
0x93: {  	s2 =	sld [smem:$0x3FFC];
	_ =	sdelay $0x3  }
0x94: {  	_ =	strace s2  }
0x95: {  	s2 =	sld [smem:$0x3FFD];
	_ =	sdelay $0x3  }
0x96: {  	_ =	strace s2  }
0x97: {  	_ =	strace $0x8FFFFFFF  }
0x98: {  	s18 =	sld [smem:$0x3FDB];
	_ =	sdelay $0x1  }
0x99: {  	s19 =	simm.s32 $_scs_section_size  }
0x9a: {  	s4 =	simm.s32 $_size__tile_overlayer_lowered;
	s5 =	simm.s32 $_tile_overlayer_lowered  }
0x9b: {  	s22 =	simm.s32 $0x1BFF;
	s21 =	sshll.u32 s5, $0x1;
	s2 =	sadd.s32 s19, s18  }
0x9c: {  	s6 =	simm.s32 $0x0;
	s20 =	sshll.u32 s4, $0x1;
	s4 =	sadd.s32 s21, s2  }
0x9d: {  	[timem:s6], [sflag:s22] =	dma.local [hbm:s4], s20  }
0x9e: {  	_ =	swait.ge [sflag:s22], s20  }
0x9f: {  	s3 =	ssub.s32 $0x0, s20;
	[sflag:s22] =	ssyncset.done $0x0  }
0xa0: {  	[sflag:s22] =	ssyncadd.s32 s3;
	_ =	sdelay $0x1  }
0xa1: {  	s23 =	simm.s32 $0x1B8B  }
0xa2: {  	_ =	swait.ge [sflag:s23], $0x1  }
0xa3: {  	[sflag:s23] =	ssyncset.done $0x0  }
0xa4: {  	s25 =	simm.s32 $0x1B8E;
	s24 =	sld [smem:$0x3FFE];
	[sflag:s23] =	ssyncadd.s32 $0xFFFFFFFF  }
0xa5: {  	s26 =	simm.s32 $execute0_lowered;
	[smem:$0x3FD2] =	sst s25  }
0xa6: {  	s4 =	sshll.u32 s26, $0x1;
	_ =	strace $0x80000046;
	[dreg:$0x1] =	wrdreg $0xFFFFFFFF  }
0xa7: {  	s28 =	simm.s32 $_size_execute0_lowered;
	s2 =	sadd.s32 s2, s4;
	[dreg:$0x0] =	wrdreg $0x0  }
0xa8: {  	s4 =	sshll.u32 s28, $0x1;
	[dreg:$0x2] =	wrdreg s2  }
0xa9: {  	[dreg:$0x3] =	wrdreg s4  }
0xaa: {  	[dreg:$0x4] =	wrdreg $0xC0  }
0xab: {  	_ =	task [dreg:s6], $0x5FFFF  }
0xac: {  	[dreg:$0x1] =	wrdreg $0xFFFFFFFF  }
0xad: {  	[dreg:$0x0] =	wrdreg $0x60  }
0xae: {  	[dreg:$0x2] =	wrdreg s24  }
0xaf: {  	[dreg:$0x3] =	wrdreg $0x0  }
0xb0: {  	[dreg:$0x4] =	wrdreg $0xA0000  }
0xb1: {  	[dreg:$0x5] =	wrdreg $0x9  }
0xb2: {  	_ =	task.clear_ibuf [dreg:s6], $0x6FFFF;
	_ =	strace $0x90000046  }
0xb3: {  	s29 =	simm.s32 $0x9;
	_ =	strace $0x80000048  }
0xb4: {  	_ =	swait.ge [sflag:s29], $0x1  }
0xb5: {  	[sflag:s29] =	ssyncadd.s32 $0xFFFFFFFF  }
0xb6: {  	_ =	strace $0x90000048  }
0xb7: {  	_ =	sfence  }
0xb8: {  	s30 =	sld [smem:$0x0];
	_ =	sdelay $0x2  }
0xb9: {  	s31 =	sshll.u32 s1, $0xD;
	s1 =	sshrl.u32 s1, $0x2  }
0xba: {  	s3 =	sand.u32 $0x4000, s31;
	s1 =	sadd.s32 s1, s30  }
0xbb: {  	s0 =	sor.u32 s3, s0;
	s1 =	sshll.u32 s1, $0x11  }
0xbc: {  	s0 =	sor.u32 s1, s0  }
0xbd: {  	s0 =	sadd.s32 $0x8F2B, s0  }
0xbe: {  	[sflag:s0] =	ssyncadd.remote.s32 $0x1  }
0xbf: {  	_ =	sfence.sel $0xFFFF  }
0xc0: {  	[dreg:$0x0] =	wrdreg $0xFFFFFFFF;
	(pc) =	sbr.abs _section_cstart, $3  }
0xc1: {  	[dreg:$0x1] =	wrdreg $0xFFFFFFFF  }
0xc2: {  	_ =	task.clear_ibuf [dreg:s6], $0x2FFFF;
	_ =	strace $0x9FFFFFFF  }
0xc3: {  	(tm) =	ssettm $0x7FFFFFFF  }
tec
execute0_lowered:
.L_overlay_start_1:
0x0: {  	(tag) =	ssettag $0x1  }
0x1: {  	s0 =	rddreg [dreg:$0x0]  }
0x2: {  	s2 =	rddreg [dreg:$0x1]  }
0x3: {  	s3 =	rddreg [dreg:$0x2];
	s14 =	stileid.u32  }
0x4: {  	s4 =	simm.s32 $0x0;
	s7 =	srdreg.scid;
	s1 =	smul.u32 $0xA00, s14  }
0x5: {  	s22 =	simm.s32 $0x80;
	s24 =	simm.s32 $0x16800;
	s25 =	smul.u32 $0xA000, s14  }
0x6: {  	s28 =	simm.s32 $0x18A00;
	s30 =	simm.s32 $0x1AA00;
	s6 =	smul.u32 $0x2800, s14  }
0x7: {  	s31 =	simm.s32 $0x16980;
	[smem:$0x7FF] =	sst s4;
	s8 =	smul.u32 $0x271, s14  }
0x8: {  	s5 =	sadd.s32 $0x17000, s0;
	s7 =	sand.u32 $0x1, s7;
	s16 =	smul.u32 $0x27100, s14  }
0x9: {  	s26 =	sadd.s32 $0x168800, s0;
	s17 =	smul.u32 $0x9C40, s14;
	s14 =	simm.s32 $0x16900  }
0xa: {  	_ =	strace $0x80000047;
	s11 =	smul.u32 $0x2710, s7;
	[dreg:$0x4] =	wrdreg s26  }
0xb: {  	s29 =	ssub.s32 $0x2, s7;
	s23 =	sor.u32 $0x13880, s7;
	p0 =	seq.s32 s7, $0x0  }
0xc: {  	v0 =	vmov s7;
	s7 =	simm.s32 $0x0;
	s9 =	sshrl.u32 s25, $0x3;
	s10 =	sshrl.u32 s6, $0x3  }
0xd: {  	s1 =	sadd.s32 s1, s0;
	s13 =	sshrl.u32 s29, $0x1;
	s4 =	sadd.s32 s25, s2  }
0xe: {  	s6 =	sadd.s32 s6, s3;
	s20 =	sshrl.u32 s17, $0x2;
	s17 =	simm.s32 $0x1  }
0xf: {  	s9 =	sadd.s32 s9, s0;
	s12 =	sadd.s32 s10, s0;
	s8 =	sadd.s32 s8, s11  }
0x10: {  	s13 =	ssub.s32 s29, s13;
	s15 =	sadd.s32 $0x3000, s1;
	s1 =	sadd.s32 $0xD000, s1  }
0x11: {  	[dreg:$0x7] =	wrdreg s4;
	s21 =	sadd.s32 s20, s3;
	s29 =	sshrl.u32 s6, $0x3  }
0x12: {  	s20 =	simm.s32 $0x2;
	s6 =	simm.s32 $0x4;
	[dreg:$0x5] =	wrdreg s15  }
0x13: {  	s11 =	sshll.u32 s8, $0x3;
	s8 =	sshll.u32 s8, $0x1;
	[dreg:$0x6] =	wrdreg s1  }
0x14: {  	s15 =	sadd.s32 $0x14F800, s9;
	s18 =	sadd.s32 $0x163800, s12;
	[dreg:$0xf] =	wrdreg s29  }
0x15: {  	s1 =	sshrl.u32 s16, $0x2;
	s26 =	smax.u32 s13, $0x1;
	[dreg:$0x9] =	wrdreg s18  }
0x16: {  	s11 =	sadd.s32 s11, s0;
	s0 =	sadd.s32 s8, s0;
	[dreg:$0xe] =	wrdreg s26  }
0x17: {  	s1 =	sadd.s32 s1, s2;
	s18 =	simm.s32 $0x5;
	[dreg:$0x8] =	wrdreg s15  }
.Ltmp0:
0x18: {  	s19 =	sadd.s32 $0x168A00, s11;
	[dreg:$0xb] =	wrdreg s1;
	(pc) =	sbr.rel .LBB2_1-.Ltmp0, $4  }
0x19: {  	s26 =	simm.s32 $0x16880;
	s0 =	sadd.s32 $0x1B6E00, s0;
	[dreg:$0xa] =	wrdreg s19  }
0x1a: {  	s25 =	sadd.s32 $0x18FC00, s11;
	s1 =	simm.s32 $0x3;
	[dreg:$0xc] =	wrdreg s0  }
0x1b: {  	[dreg:$0xd] =	wrdreg s25;
	s0 =	sshrl.u32 s21, $0x3;
	s25 =	simm.s32 $0x16A00  }
0x1c: {  	v1 =	vmov s23;
	s19 =	simm.s32 $0x6;
	[dreg:$0x10] =	wrdreg s0;
	s0 =	simm.s32 $0x1CA00  }
.LBB2_8:
0x1d: {  	[bflag:$0x0] =	sbarrier.arrive $0xFFFF  }
0x1e: {  	s4 =	rddreg [dreg:$0xd]  }
0x1f: {  	[hbm:s4], [sflag:s8] =	dma.local [spmem:s11], $0x1388  }
0x20: {  	_ =	swait.ge [sflag:s18], $0x1388  }
0x21: {  	s7 =	sadd.s32 $0x1, s7;
	s29 =	rddreg [dreg:$0xe]  }
0x22: {  	p1 =	sne.s32 s7, s29  }
.Ltmp1:
0x23: {  	_ = 	snop;
	(pc) =	sbr.rel @!p1 .LBB2_9-.Ltmp1, $3  }
0x24: {  	_ =	sdelay $0x1  }
0x25: {  	[sflag:s18] =	ssyncset.done $0x0  }
0x26: {  	[sflag:s18] =	ssyncadd.s32 $0xFFFFEC78  }
.LBB2_1:
0x27: {  	s4 =	simm.s32 $0x0;
	s8 =	rddreg [dreg:$0x4];
	s9 =	simm.s32 $0x1EA00  }
0x28: {  	[tilespmem:s9], [sflag:$0x5] =	stream.linear.gather [hbm4b:s8+s4], $0x800, $0x38;
	[tilespmem:$0x1F200] =	vst v63  }
0x29: {  	_ =	swait.ge [sflag:s18], $0x800  }
0x2a: {  	[sflag:s18] =	ssyncset.done $0x0  }
0x2b: {  	s23 =	simm.s32 $0xC800;
	s21 =	rddreg [dreg:$0x5];
	[sflag:s18] =	ssyncadd.s32 $0xFFFFF800  }
0x2c: {  	[tilespmem:s23], [sflag:$0x5] =	stream.linear.gather [hbm4b:s21+s4], $0x5000, $0x38;
	[tilespmem:$0x1F200] =	vst v63  }
0x2d: {  	_ =	swait.ge [sflag:s18], $0x5000  }
0x2e: {  	[sflag:s18] =	ssyncset.done $0x0  }
0x2f: {  	s11 =	simm.s32 $0x11800;
	s10 =	rddreg [dreg:$0x6];
	[sflag:s18] =	ssyncadd.s32 $0xFFFFB000  }
0x30: {  	[tilespmem:s11], [sflag:$0x5] =	stream.linear.gather [hbm4b:s10+s4], $0x5000, $0x38;
	[tilespmem:$0x1F200] =	vst v63  }
0x31: {  	s12 =	stileid.u32;
	_ =	swait.ge [sflag:s18], $0x5000  }
0x32: {  	s4 =	sshll.u32 s12, $0x6;
	s13 =	rddreg [dreg:$0x7]  }
0x33: {  	s8 =	sor.u32 $0x1C05, s4;
	[sflag:s18] =	ssyncset.done $0x0;
	s4 =	sshrl.u32 s13, $0x3  }
0x34: {  	[sflag:s18] =	ssyncadd.s32 $0xFFFFB000;
	[dreg:$0x11] =	wrdreg s4  }
0x35: {  	[spmem:s4], [sflag:s8] =	dma.local [hbm:s15], $0x1400  }
0x36: {  	_ =	swait.ge [sflag:s18], $0x1400  }
0x37: {  	[sflag:s18] =	ssyncset.done $0x0;
	s16 =	rddreg [dreg:$0x9]  }
0x38: {  	s21 =	rddreg [dreg:$0xf];
	[sflag:s18] =	ssyncadd.s32 $0xFFFFEC00  }
0x39: {  	[spmem:s21], [sflag:s8] =	dma.local [hbm:s16], $0x500  }
0x3a: {  	_ =	swait.ge [sflag:s18], $0x500  }
0x3b: {  	[sflag:s18] =	ssyncset.done $0x0  }
0x3c: {  	[sflag:s18] =	ssyncadd.s32 $0xFFFFFB00  }
0x3d: {  	[bflag:$0x0] =	sbarrier.arrive $0xFFFF  }
0x3e: {  	v2 =	vld [tilespmem:$0xC800]  }
0x3f: {  	v3 =	vld [tilespmem:$0xC810]  }
0x40: {  	v4 =	vld [tilespmem:$0xC820]  }
0x41: {  	v5 =	vld [tilespmem:$0xC830]  }
0x42: {  	v6 =	vld [tilespmem:$0xC840]  }
0x43: {  	v7 =	vld [tilespmem:$0xC850];
	v2 =	vadd.s32 v0, v2  }
0x44: {  	[tilespmem:$0x16800] =	vst v2;
	v2 =	vadd.s32 v0, v3;
	v3 =	vld [tilespmem:$0xC860]  }
0x45: {  	v53 =	vld [tilespmem:$0xC870];
	[tilespmem:$0x16810] =	vst v2;
	v2 =	vadd.s32 v0, v4  }
0x46: {  	[tilespmem:$0x16820] =	vst v2;
	v2 =	vadd.s32 v0, v5  }
0x47: {  	[tilespmem:$0x16830] =	vst v2;
	v2 =	vadd.s32 v0, v6  }
0x48: {  	[tilespmem:$0x16840] =	vst v2;
	v2 =	vadd.s32 v0, v7  }
0x49: {  	[tilespmem:$0x16850] =	vst v2;
	v2 =	vadd.s32 v0, v3  }
0x4a: {  	[tilespmem:$0x16860] =	vst v2;
	v2 =	vadd.s32 v0, v53  }
0x4b: {  	[tilespmem:$0x16870] =	vst v2  }
0x4c: {  	[tilespmem:s25], [sflag:$0x1] =	stream.indirect.gather [hbm4b:s5+s22], $0x40, s24, s22, $0xb8;
	[tilespmem:$0x1F200] =	vst v63  }
0x4d: {  	v2 =	vld [tilespmem:$0xC880]  }
0x4e: {  	v3 =	vld [tilespmem:$0xC890]  }
0x4f: {  	v54 =	vld [tilespmem:$0xC8A0]  }
0x50: {  	v55 =	vld [tilespmem:$0xC8B0]  }
0x51: {  	v56 =	vld [tilespmem:$0xC8C0]  }
0x52: {  	v57 =	vld [tilespmem:$0xC8D0];
	v2 =	vadd.s32 v0, v2  }
0x53: {  	[tilespmem:$0x16880] =	vst v2;
	v2 =	vadd.s32 v0, v3;
	v3 =	vld [tilespmem:$0xC8E0]  }
0x54: {  	v58 =	vld [tilespmem:$0xC8F0];
	[tilespmem:$0x16890] =	vst v2;
	v2 =	vadd.s32 v0, v54  }
0x55: {  	[tilespmem:$0x168A0] =	vst v2;
	v2 =	vadd.s32 v0, v55  }
0x56: {  	[tilespmem:$0x168B0] =	vst v2;
	v2 =	vadd.s32 v0, v56  }
0x57: {  	[tilespmem:$0x168C0] =	vst v2;
	v2 =	vadd.s32 v0, v57  }
0x58: {  	[tilespmem:$0x168D0] =	vst v2;
	v2 =	vadd.s32 v0, v3  }
0x59: {  	[tilespmem:$0x168E0] =	vst v2;
	v2 =	vadd.s32 v0, v58  }
0x5a: {  	[tilespmem:$0x168F0] =	vst v2  }
0x5b: {  	[tilespmem:s28], [sflag:$0x2] =	stream.indirect.gather [hbm4b:s5+s22], $0x40, s26, s22, $0xb8;
	[tilespmem:$0x1F200] =	vst v63  }
0x5c: {  	v2 =	vld [tilespmem:$0xC900]  }
0x5d: {  	v3 =	vld [tilespmem:$0xC910]  }
0x5e: {  	v59 =	vld [tilespmem:$0xC920]  }
0x5f: {  	v60 =	vld [tilespmem:$0xC930]  }
0x60: {  	v61 =	vld [tilespmem:$0xC940]  }
0x61: {  	v62 =	vld [tilespmem:$0xC950];
	v2 =	vadd.s32 v0, v2  }
0x62: {  	[tilespmem:$0x16900] =	vst v2;
	v2 =	vadd.s32 v0, v3;
	v3 =	vld [tilespmem:$0xC960]  }
0x63: {  	v63 =	vld [tilespmem:$0xC970];
	[tilespmem:$0x16910] =	vst v2;
	v2 =	vadd.s32 v0, v59  }
0x64: {  	[tilespmem:$0x16920] =	vst v2;
	v2 =	vadd.s32 v0, v60  }
0x65: {  	[tilespmem:$0x16930] =	vst v2;
	v2 =	vadd.s32 v0, v61  }
0x66: {  	[tilespmem:$0x16940] =	vst v2;
	v2 =	vadd.s32 v0, v62  }
0x67: {  	[tilespmem:$0x16950] =	vst v2;
	v2 =	vadd.s32 v0, v3  }
0x68: {  	[tilespmem:$0x16960] =	vst v2;
	v2 =	vadd.s32 v0, v63  }
0x69: {  	s23 =	simm.s32 $0x0;
	[tilespmem:$0x16970] =	vst v2  }
0x6a: {  	[tilespmem:s30], [sflag:$0x3] =	stream.indirect.gather [hbm4b:s5+s22], $0x40, s14, s22, $0xb8;
	[tilespmem:$0x1F200] =	vst v63  }
0x6b: {  	v2 =	vld [tilespmem:s23+$0xC980];
	_ =	sdelay $0x4  }
0x6c: {  	v2 =	vadd.s32 v0, v2  }
0x6d: {  	[tilespmem:$0x16980] =	vst v2  }
0x6e: {  	v2 =	vld [tilespmem:s23+$0xC990];
	_ =	sdelay $0x4  }
0x6f: {  	v2 =	vadd.s32 v0, v2  }
0x70: {  	[tilespmem:$0x16990] =	vst v2  }
0x71: {  	v2 =	vld [tilespmem:s23+$0xC9A0];
	_ =	sdelay $0x4  }
0x72: {  	v2 =	vadd.s32 v0, v2  }
0x73: {  	[tilespmem:$0x169A0] =	vst v2  }
0x74: {  	v2 =	vld [tilespmem:s23+$0xC9B0];
	_ =	sdelay $0x4  }
0x75: {  	v2 =	vadd.s32 v0, v2  }
0x76: {  	[tilespmem:$0x169B0] =	vst v2  }
0x77: {  	v2 =	vld [tilespmem:s23+$0xC9C0];
	_ =	sdelay $0x4  }
0x78: {  	v2 =	vadd.s32 v0, v2  }
0x79: {  	[tilespmem:$0x169C0] =	vst v2  }
0x7a: {  	v2 =	vld [tilespmem:s23+$0xC9D0];
	_ =	sdelay $0x4  }
0x7b: {  	v2 =	vadd.s32 v0, v2  }
0x7c: {  	[tilespmem:$0x169D0] =	vst v2  }
0x7d: {  	v2 =	vld [tilespmem:s23+$0xC9E0];
	_ =	sdelay $0x4  }
0x7e: {  	v2 =	vadd.s32 v0, v2  }
0x7f: {  	[tilespmem:$0x169E0] =	vst v2  }
0x80: {  	v2 =	vld [tilespmem:s23+$0xC9F0];
	_ =	sdelay $0x4  }
0x81: {  	v2 =	vadd.s32 v0, v2  }
0x82: {  	[tilespmem:$0x169F0] =	vst v2  }
0x83: {  	[tilespmem:s0], [sflag:$0x4] =	stream.indirect.gather [hbm4b:s5+s22], $0x40, s31, s22, $0xb8;
	[tilespmem:$0x1F200] =	vst v63  }
0x84: {  	p3 =	por $0x0, $0x0;
	s11 =	simm.s32 $0x1;
	_ =	swait.ge [sflag:s17], $0x2000  }
0x85: {  	s12 =	simm.s32 $0x11800;
	s4 =	simm.s32 $0x1;
	[sflag:s17] =	ssyncset.done $0x0  }
0x86: {  	s11 =	simm.s32 @!p0 $0x0;
	s4 =	simm.s32 @!p3 $0x0;
	[sflag:s17] =	ssyncadd.s32 $0xFFFFE000  }
0x87: {  	[spmem:s2] =	stream.indirect.scatter.add.f32 [tilespmem:s25], [sflag:$0x6], $0x40, s12, s22, $0xb8;
	[tilespmem:$0x1F200] =	vst v63  }
0x88: {  	p1 =	seq.s32 s11, s4;
	_ =	swait.ge [sflag:s19], $0x2000  }
0x89: {  	s4 =	simm.s32 @!p1 $0x80;
	[sflag:s19] =	ssyncset.done $0x0  }
0x8a: {  	s13 =	simm.s32 @!p1 $0x1EA00;
	s14 =	simm.s32 @!p1 $0x6;
	[sflag:s19] =	ssyncadd.s32 $0xFFFFE000  }
0x8b: {  	[spmem:s3] =	stream.indirect.scatter.add.f32 @!p1 [tilespmem:s13], [sflag:$0x6], $0x10, s12, s4, $0xb8;
	[tilespmem:$0x1F200] =	vst v63  }
0x8c: {  	_ =	swait.ge @!p1 [sflag:s14], $0x800  }
0x8d: {  	p2 =	por $0x0, $0x0;
	[sflag:s14] =	ssyncset.done @!p1 $0x0  }
0x8e: {  	s4 =	simm.s32 @!p2 $0x0;
	[sflag:s14] =	ssyncadd.s32 @!p1 $0xFFFFF800  }
0x8f: {  	v2 =	vld @!p2 [tilespmem:s4+$0xCA00];
	_ =	sdelay $0x4  }
0x90: {  	v2 =	vadd.s32 @!p2 v0, v2  }
0x91: {  	[tilespmem:$0x16800] =	vst @!p2 v2  }
0x92: {  	v2 =	vld @!p2 [tilespmem:s4+$0xCA10];
	_ =	sdelay $0x4  }
0x93: {  	v2 =	vadd.s32 @!p2 v0, v2  }
0x94: {  	[tilespmem:$0x16810] =	vst @!p2 v2  }
0x95: {  	v2 =	vld @!p2 [tilespmem:s4+$0xCA20];
	_ =	sdelay $0x4  }
0x96: {  	v2 =	vadd.s32 @!p2 v0, v2  }
0x97: {  	[tilespmem:$0x16820] =	vst @!p2 v2  }
0x98: {  	v2 =	vld @!p2 [tilespmem:s4+$0xCA30];
	_ =	sdelay $0x4  }
0x99: {  	v2 =	vadd.s32 @!p2 v0, v2  }
0x9a: {  	[tilespmem:$0x16830] =	vst @!p2 v2  }
0x9b: {  	v2 =	vld @!p2 [tilespmem:s4+$0xCA40];
	_ =	sdelay $0x4  }
0x9c: {  	v2 =	vadd.s32 @!p2 v0, v2  }
0x9d: {  	[tilespmem:$0x16840] =	vst @!p2 v2  }
0x9e: {  	v2 =	vld @!p2 [tilespmem:s4+$0xCA50];
	_ =	sdelay $0x4  }
0x9f: {  	v2 =	vadd.s32 @!p2 v0, v2  }
0xa0: {  	[tilespmem:$0x16850] =	vst @!p2 v2  }
0xa1: {  	v2 =	vld @!p2 [tilespmem:s4+$0xCA60];
	_ =	sdelay $0x4  }
0xa2: {  	v2 =	vadd.s32 @!p2 v0, v2  }
0xa3: {  	[tilespmem:$0x16860] =	vst @!p2 v2  }
0xa4: {  	v2 =	vld @!p2 [tilespmem:s4+$0xCA70];
	_ =	sdelay $0x4  }
0xa5: {  	v2 =	vadd.s32 @!p2 v0, v2  }
0xa6: {  	s12 =	simm.s32 @!p2 $0x80;
	s13 =	simm.s32 @!p2 $0x16800;
	s14 =	simm.s32 @!p2 $0x16A00;
	[tilespmem:$0x16870] =	vst @!p2 v2  }
0xa7: {  	[tilespmem:s14], [sflag:$0x1] =	stream.indirect.gather @!p2 [hbm4b:s5+s12], $0x40, s13, s12, $0xb8;
	[tilespmem:$0x1F200] =	vst v63  }
0xa8: {  	_ =	swait.ge [sflag:s20], $0x2000  }
0xa9: {  	[sflag:s20] =	ssyncset.done $0x0  }
0xaa: {  	s15 =	simm.s32 $0x11880;
	p1 =	por !p3, !p3;
	[sflag:s20] =	ssyncadd.s32 $0xFFFFE000  }
0xab: {  	[spmem:s2] =	stream.indirect.scatter.add.f32 [tilespmem:s28], [sflag:$0x6], $0x40, s15, s22, $0xb8;
	[tilespmem:$0x1F200] =	vst v63  }
0xac: {  	p1 =	por @!p0 p3, p3;
	_ =	swait.ge [sflag:s19], $0x2000  }
0xad: {  	s16 =	simm.s32 @p1 $0x6;
	[sflag:s19] =	ssyncset.done $0x0  }
0xae: {  	s13 =	simm.s32 @p1 $0x80;
	s14 =	simm.s32 @p1 $0x1EA00;
	[sflag:s19] =	ssyncadd.s32 $0xFFFFE000  }
0xaf: {  	[spmem:s3] =	stream.indirect.scatter.add.f32 @p1 [tilespmem:s14], [sflag:$0x6], $0x10, s15, s13, $0xb8;
	[tilespmem:$0x1F200] =	vst v63  }
0xb0: {  	_ =	swait.ge @p1 [sflag:s16], $0x800  }
0xb1: {  	[sflag:s16] =	ssyncset.done @p1 $0x0  }
0xb2: {  	[sflag:s16] =	ssyncadd.s32 @p1 $0xFFFFF800  }
0xb3: {  	v2 =	vld @!p2 [tilespmem:s4+$0xCA80];
	_ =	sdelay $0x4  }
0xb4: {  	v2 =	vadd.s32 @!p2 v0, v2  }
0xb5: {  	[tilespmem:$0x16880] =	vst @!p2 v2  }
0xb6: {  	v2 =	vld @!p2 [tilespmem:s4+$0xCA90];
	_ =	sdelay $0x4  }
0xb7: {  	v2 =	vadd.s32 @!p2 v0, v2  }
0xb8: {  	[tilespmem:$0x16890] =	vst @!p2 v2  }
0xb9: {  	v2 =	vld @!p2 [tilespmem:s4+$0xCAA0];
	_ =	sdelay $0x4  }
0xba: {  	v2 =	vadd.s32 @!p2 v0, v2  }
0xbb: {  	[tilespmem:$0x168A0] =	vst @!p2 v2  }
0xbc: {  	v2 =	vld @!p2 [tilespmem:s4+$0xCAB0];
	_ =	sdelay $0x4  }
0xbd: {  	v2 =	vadd.s32 @!p2 v0, v2  }
0xbe: {  	[tilespmem:$0x168B0] =	vst @!p2 v2  }
0xbf: {  	v2 =	vld @!p2 [tilespmem:s4+$0xCAC0];
	_ =	sdelay $0x4  }
0xc0: {  	v2 =	vadd.s32 @!p2 v0, v2  }
0xc1: {  	[tilespmem:$0x168C0] =	vst @!p2 v2  }
0xc2: {  	v2 =	vld @!p2 [tilespmem:s4+$0xCAD0];
	_ =	sdelay $0x4  }
0xc3: {  	v2 =	vadd.s32 @!p2 v0, v2  }
0xc4: {  	[tilespmem:$0x168D0] =	vst @!p2 v2  }
0xc5: {  	v2 =	vld @!p2 [tilespmem:s4+$0xCAE0];
	_ =	sdelay $0x4  }
0xc6: {  	v2 =	vadd.s32 @!p2 v0, v2  }
0xc7: {  	[tilespmem:$0x168E0] =	vst @!p2 v2  }
0xc8: {  	v2 =	vld @!p2 [tilespmem:s4+$0xCAF0];
	_ =	sdelay $0x4  }
0xc9: {  	v2 =	vadd.s32 @!p2 v0, v2  }
0xca: {  	s21 =	simm.s32 @!p2 $0x18A00;
	s15 =	simm.s32 @!p2 $0x16880;
	[tilespmem:$0x168F0] =	vst @!p2 v2  }
0xcb: {  	[tilespmem:s21], [sflag:$0x2] =	stream.indirect.gather @!p2 [hbm4b:s5+s12], $0x40, s15, s12, $0xb8;
	[tilespmem:$0x1F200] =	vst v63  }
0xcc: {  	_ =	swait.ge [sflag:s1], $0x2000  }
0xcd: {  	[sflag:s1] =	ssyncset.done $0x0  }
0xce: {  	s15 =	simm.s32 $0x11900;
	[sflag:s1] =	ssyncadd.s32 $0xFFFFE000  }
0xcf: {  	[spmem:s2] =	stream.indirect.scatter.add.f32 [tilespmem:s30], [sflag:$0x6], $0x40, s15, s22, $0xb8;
	[tilespmem:$0x1F200] =	vst v63  }
0xd0: {  	_ =	swait.ge [sflag:s19], $0x2000  }
0xd1: {  	[sflag:s19] =	ssyncset.done $0x0  }
0xd2: {  	[sflag:s19] =	ssyncadd.s32 $0xFFFFE000  }
0xd3: {  	[spmem:s3] =	stream.indirect.scatter.add.f32 @p1 [tilespmem:s14], [sflag:$0x6], $0x10, s15, s13, $0xb8;
	[tilespmem:$0x1F200] =	vst v63  }
0xd4: {  	_ =	swait.ge @p1 [sflag:s16], $0x800  }
0xd5: {  	[sflag:s16] =	ssyncset.done @p1 $0x0  }
0xd6: {  	[sflag:s16] =	ssyncadd.s32 @p1 $0xFFFFF800  }
0xd7: {  	v2 =	vld @!p2 [tilespmem:s4+$0xCB00];
	_ =	sdelay $0x4  }
0xd8: {  	v2 =	vadd.s32 @!p2 v0, v2  }
0xd9: {  	[tilespmem:$0x16900] =	vst @!p2 v2  }
0xda: {  	v2 =	vld @!p2 [tilespmem:s4+$0xCB10];
	_ =	sdelay $0x4  }
0xdb: {  	v2 =	vadd.s32 @!p2 v0, v2  }
0xdc: {  	[tilespmem:$0x16910] =	vst @!p2 v2  }
0xdd: {  	v2 =	vld @!p2 [tilespmem:s4+$0xCB20];
	_ =	sdelay $0x4  }
0xde: {  	v2 =	vadd.s32 @!p2 v0, v2  }
0xdf: {  	[tilespmem:$0x16920] =	vst @!p2 v2  }
0xe0: {  	v2 =	vld @!p2 [tilespmem:s4+$0xCB30];
	_ =	sdelay $0x4  }
0xe1: {  	v2 =	vadd.s32 @!p2 v0, v2  }
0xe2: {  	[tilespmem:$0x16930] =	vst @!p2 v2  }
0xe3: {  	v2 =	vld @!p2 [tilespmem:s4+$0xCB40];
	_ =	sdelay $0x4  }
0xe4: {  	v2 =	vadd.s32 @!p2 v0, v2  }
0xe5: {  	[tilespmem:$0x16940] =	vst @!p2 v2  }
0xe6: {  	v2 =	vld @!p2 [tilespmem:s4+$0xCB50];
	_ =	sdelay $0x4  }
0xe7: {  	v2 =	vadd.s32 @!p2 v0, v2  }
0xe8: {  	[tilespmem:$0x16950] =	vst @!p2 v2  }
0xe9: {  	v2 =	vld @!p2 [tilespmem:s4+$0xCB60];
	_ =	sdelay $0x4  }
0xea: {  	v2 =	vadd.s32 @!p2 v0, v2  }
0xeb: {  	[tilespmem:$0x16960] =	vst @!p2 v2  }
0xec: {  	v2 =	vld @!p2 [tilespmem:s4+$0xCB70];
	_ =	sdelay $0x4  }
0xed: {  	v2 =	vadd.s32 @!p2 v0, v2  }
0xee: {  	s15 =	simm.s32 @!p2 $0x1AA00;
	s4 =	simm.s32 @!p2 $0x16900;
	[tilespmem:$0x16970] =	vst @!p2 v2  }
0xef: {  	[tilespmem:s15], [sflag:$0x3] =	stream.indirect.gather @!p2 [hbm4b:s5+s12], $0x40, s4, s12, $0xb8;
	[tilespmem:$0x1F200] =	vst v63  }
0xf0: {  	_ =	swait.ge [sflag:s6], $0x2000  }
0xf1: {  	[sflag:s6] =	ssyncset.done $0x0  }
0xf2: {  	s4 =	simm.s32 $0x11980;
	[sflag:s6] =	ssyncadd.s32 $0xFFFFE000  }
0xf3: {  	[spmem:s2] =	stream.indirect.scatter.add.f32 [tilespmem:s0], [sflag:$0x6], $0x40, s4, s22, $0xb8;
	[tilespmem:$0x1F200] =	vst v63  }
0xf4: {  	_ =	swait.ge [sflag:s19], $0x2000  }
0xf5: {  	[sflag:s19] =	ssyncset.done $0x0  }
0xf6: {  	[sflag:s19] =	ssyncadd.s32 $0xFFFFE000  }
0xf7: {  	[spmem:s3] =	stream.indirect.scatter.add.f32 @p1 [tilespmem:s14], [sflag:$0x5], $0x10, s4, s13, $0xb8;
	[tilespmem:$0x1F200] =	vst v63  }
0xf8: {  	s29 =	simm.s32 $0x1000;
	s4 =	simm.s32 @p1 $0x5  }
0xf9: {  	s12 =	simm.s32 $0x800;
	s13 =	simm.s32 $0x1;
	_ =	swait.ge @p1 [sflag:s4], $0x800  }
.LBB2_2:
0xfa: {  	s14 =	sshra.s32 s12, $0x2  }
0xfb: {  	[sflag:s4] =	ssyncset.done @p1 $0x0;
	s16 =	smov.u32 s29;
	s29 =	sadd.s32 $0x800, s29  }
0xfc: {  	p2 =	sne.s32 s29, $0x14000;
	[sflag:s4] =	ssyncadd.s32 @p1 $0xFFFFF800  }
0xfd: {  	v2 =	vld [tilespmem:s14+$0xC980];
	_ =	sdelay $0x4  }
0xfe: {  	v2 =	vadd.s32 v0, v2  }
0xff: {  	[tilespmem:$0x16980] =	vst v2  }
0x100: {  	v2 =	vld [tilespmem:s14+$0xC990];
	_ =	sdelay $0x4  }
0x101: {  	v2 =	vadd.s32 v0, v2  }
0x102: {  	[tilespmem:$0x16990] =	vst v2  }
0x103: {  	v2 =	vld [tilespmem:s14+$0xC9A0];
	_ =	sdelay $0x4  }
0x104: {  	v2 =	vadd.s32 v0, v2  }
0x105: {  	[tilespmem:$0x169A0] =	vst v2  }
0x106: {  	v2 =	vld [tilespmem:s14+$0xC9B0];
	_ =	sdelay $0x4  }
0x107: {  	v2 =	vadd.s32 v0, v2  }
0x108: {  	[tilespmem:$0x169B0] =	vst v2  }
0x109: {  	v2 =	vld [tilespmem:s14+$0xC9C0];
	_ =	sdelay $0x4  }
0x10a: {  	v2 =	vadd.s32 v0, v2  }
0x10b: {  	[tilespmem:$0x169C0] =	vst v2  }
0x10c: {  	v2 =	vld [tilespmem:s14+$0xC9D0];
	_ =	sdelay $0x4  }
0x10d: {  	v2 =	vadd.s32 v0, v2  }
0x10e: {  	[tilespmem:$0x169D0] =	vst v2  }
0x10f: {  	v2 =	vld [tilespmem:s14+$0xC9E0];
	_ =	sdelay $0x4  }
0x110: {  	v2 =	vadd.s32 v0, v2  }
0x111: {  	[tilespmem:$0x169E0] =	vst v2  }
0x112: {  	v2 =	vld [tilespmem:s14+$0xC9F0];
	_ =	sdelay $0x4  }
0x113: {  	v2 =	vadd.s32 v0, v2  }
0x114: {  	[tilespmem:$0x169F0] =	vst v2  }
0x115: {  	[tilespmem:s0], [sflag:$0x4] =	stream.indirect.gather [hbm4b:s5+s22], $0x40, s31, s22, $0xb8;
	[tilespmem:$0x1F200] =	vst v63  }
0x116: {  	p4 =	sgt.u32 s13, $0x13;
	_ =	swait.ge [sflag:s17], $0x2000  }
0x117: {  	s15 =	simm.s32 $0x1;
	s4 =	sadd.s32 $0x11800, s14;
	[sflag:s17] =	ssyncset.done $0x0  }
0x118: {  	p1 =	por !p4, !p4;
	s15 =	simm.s32 @!p4 $0x0;
	[sflag:s17] =	ssyncadd.s32 $0xFFFFE000  }
0x119: {  	[spmem:s2] =	stream.indirect.scatter.add.f32 [tilespmem:s25], [sflag:$0x6], $0x40, s4, s22, $0xb8;
	[tilespmem:$0x1F200] =	vst v63  }
0x11a: {  	p5 =	seq.s32 s11, s15;
	_ =	swait.ge [sflag:s19], $0x2000  }
0x11b: {  	s15 =	simm.s32 @!p5 $0x80;
	s21 =	simm.s32 @!p5 $0x1EA00;
	[sflag:s19] =	ssyncset.done $0x0  }
0x11c: {  	s23 =	simm.s32 @!p5 $0x6;
	[sflag:s19] =	ssyncadd.s32 $0xFFFFE000  }
0x11d: {  	[spmem:s3] =	stream.indirect.scatter.add.f32 @!p5 [tilespmem:s21], [sflag:$0x6], $0x10, s4, s15, $0xb8;
	[tilespmem:$0x1F200] =	vst v63  }
0x11e: {  	p3 =	seq.s32 s12, $0x13800;
	_ =	swait.ge @!p5 [sflag:s23], $0x800  }
0x11f: {  	s15 =	sshra.s32 @!p3 s12, $0x2;
	s12 =	smov.u32 s16;
	[sflag:s23] =	ssyncset.done @!p5 $0x0  }
0x120: {  	[sflag:s23] =	ssyncadd.s32 @!p5 $0xFFFFF800  }
0x121: {  	v2 =	vld @!p3 [tilespmem:s15+$0xCA00];
	_ =	sdelay $0x4  }
0x122: {  	v2 =	vadd.s32 @!p3 v0, v2  }
0x123: {  	[tilespmem:$0x16800] =	vst @!p3 v2  }
0x124: {  	v2 =	vld @!p3 [tilespmem:s15+$0xCA10];
	_ =	sdelay $0x4  }
0x125: {  	v2 =	vadd.s32 @!p3 v0, v2  }
0x126: {  	[tilespmem:$0x16810] =	vst @!p3 v2  }
0x127: {  	v2 =	vld @!p3 [tilespmem:s15+$0xCA20];
	_ =	sdelay $0x4  }
0x128: {  	v2 =	vadd.s32 @!p3 v0, v2  }
0x129: {  	[tilespmem:$0x16820] =	vst @!p3 v2  }
0x12a: {  	v2 =	vld @!p3 [tilespmem:s15+$0xCA30];
	_ =	sdelay $0x4  }
0x12b: {  	v2 =	vadd.s32 @!p3 v0, v2  }
0x12c: {  	[tilespmem:$0x16830] =	vst @!p3 v2  }
0x12d: {  	v2 =	vld @!p3 [tilespmem:s15+$0xCA40];
	_ =	sdelay $0x4  }
0x12e: {  	v2 =	vadd.s32 @!p3 v0, v2  }
0x12f: {  	[tilespmem:$0x16840] =	vst @!p3 v2  }
0x130: {  	v2 =	vld @!p3 [tilespmem:s15+$0xCA50];
	_ =	sdelay $0x4  }
0x131: {  	v2 =	vadd.s32 @!p3 v0, v2  }
0x132: {  	[tilespmem:$0x16850] =	vst @!p3 v2  }
0x133: {  	v2 =	vld @!p3 [tilespmem:s15+$0xCA60];
	_ =	sdelay $0x4  }
0x134: {  	v2 =	vadd.s32 @!p3 v0, v2  }
0x135: {  	[tilespmem:$0x16860] =	vst @!p3 v2  }
0x136: {  	v2 =	vld @!p3 [tilespmem:s15+$0xCA70];
	_ =	sdelay $0x4  }
0x137: {  	s16 =	simm.s32 @!p3 $0x80;
	s4 =	simm.s32 @!p3 $0x16800;
	s21 =	simm.s32 @!p3 $0x16A00;
	v2 =	vadd.s32 @!p3 v0, v2  }
0x138: {  	[tilespmem:$0x16870] =	vst @!p3 v2  }
0x139: {  	[tilespmem:s21], [sflag:$0x1] =	stream.indirect.gather @!p3 [hbm4b:s5+s16], $0x40, s4, s16, $0xb8;
	[tilespmem:$0x1F200] =	vst v63  }
0x13a: {  	_ =	swait.ge [sflag:s20], $0x2000  }
0x13b: {  	s10 =	sadd.s32 $0x11880, s14;
	[sflag:s20] =	ssyncset.done $0x0  }
0x13c: {  	[sflag:s20] =	ssyncadd.s32 $0xFFFFE000  }
0x13d: {  	[spmem:s2] =	stream.indirect.scatter.add.f32 [tilespmem:s28], [sflag:$0x6], $0x40, s10, s22, $0xb8;
	[tilespmem:$0x1F200] =	vst v63  }
0x13e: {  	p1 =	por @!p0 p4, p4;
	_ =	swait.ge [sflag:s19], $0x2000  }
0x13f: {  	s23 =	simm.s32 @p1 $0x1EA00;
	s21 =	simm.s32 @p1 $0x80;
	[sflag:s19] =	ssyncset.done $0x0  }
0x140: {  	s4 =	simm.s32 @p1 $0x6;
	[sflag:s19] =	ssyncadd.s32 $0xFFFFE000  }
0x141: {  	[spmem:s3] =	stream.indirect.scatter.add.f32 @p1 [tilespmem:s23], [sflag:$0x6], $0x10, s10, s21, $0xb8;
	[tilespmem:$0x1F200] =	vst v63  }
0x142: {  	_ =	swait.ge @p1 [sflag:s4], $0x800  }
0x143: {  	[sflag:s4] =	ssyncset.done @p1 $0x0  }
0x144: {  	[sflag:s4] =	ssyncadd.s32 @p1 $0xFFFFF800  }
0x145: {  	v2 =	vld @!p3 [tilespmem:s15+$0xCA80];
	_ =	sdelay $0x4  }
0x146: {  	v2 =	vadd.s32 @!p3 v0, v2  }
0x147: {  	[tilespmem:$0x16880] =	vst @!p3 v2  }
0x148: {  	v2 =	vld @!p3 [tilespmem:s15+$0xCA90];
	_ =	sdelay $0x4  }
0x149: {  	v2 =	vadd.s32 @!p3 v0, v2  }
0x14a: {  	[tilespmem:$0x16890] =	vst @!p3 v2  }
0x14b: {  	v2 =	vld @!p3 [tilespmem:s15+$0xCAA0];
	_ =	sdelay $0x4  }
0x14c: {  	v2 =	vadd.s32 @!p3 v0, v2  }
0x14d: {  	[tilespmem:$0x168A0] =	vst @!p3 v2  }
0x14e: {  	v2 =	vld @!p3 [tilespmem:s15+$0xCAB0];
	_ =	sdelay $0x4  }
0x14f: {  	v2 =	vadd.s32 @!p3 v0, v2  }
0x150: {  	[tilespmem:$0x168B0] =	vst @!p3 v2  }
0x151: {  	v2 =	vld @!p3 [tilespmem:s15+$0xCAC0];
	_ =	sdelay $0x4  }
0x152: {  	v2 =	vadd.s32 @!p3 v0, v2  }
0x153: {  	[tilespmem:$0x168C0] =	vst @!p3 v2  }
0x154: {  	v2 =	vld @!p3 [tilespmem:s15+$0xCAD0];
	_ =	sdelay $0x4  }
0x155: {  	v2 =	vadd.s32 @!p3 v0, v2  }
0x156: {  	[tilespmem:$0x168D0] =	vst @!p3 v2  }
0x157: {  	v2 =	vld @!p3 [tilespmem:s15+$0xCAE0];
	_ =	sdelay $0x4  }
0x158: {  	v2 =	vadd.s32 @!p3 v0, v2  }
0x159: {  	[tilespmem:$0x168E0] =	vst @!p3 v2  }
0x15a: {  	v2 =	vld @!p3 [tilespmem:s15+$0xCAF0];
	_ =	sdelay $0x4  }
0x15b: {  	s9 =	simm.s32 @!p3 $0x18A00;
	s10 =	simm.s32 @!p3 $0x16880;
	v2 =	vadd.s32 @!p3 v0, v2  }
0x15c: {  	[tilespmem:$0x168F0] =	vst @!p3 v2  }
0x15d: {  	[tilespmem:s9], [sflag:$0x2] =	stream.indirect.gather @!p3 [hbm4b:s5+s16], $0x40, s10, s16, $0xb8;
	[tilespmem:$0x1F200] =	vst v63  }
0x15e: {  	_ =	swait.ge [sflag:s1], $0x2000  }
0x15f: {  	s9 =	sadd.s32 $0x11900, s14;
	[sflag:s1] =	ssyncset.done $0x0  }
0x160: {  	[sflag:s1] =	ssyncadd.s32 $0xFFFFE000  }
0x161: {  	[spmem:s2] =	stream.indirect.scatter.add.f32 [tilespmem:s30], [sflag:$0x6], $0x40, s9, s22, $0xb8;
	[tilespmem:$0x1F200] =	vst v63  }
0x162: {  	_ =	swait.ge [sflag:s19], $0x2000  }
0x163: {  	[sflag:s19] =	ssyncset.done $0x0  }
0x164: {  	[sflag:s19] =	ssyncadd.s32 $0xFFFFE000  }
0x165: {  	[spmem:s3] =	stream.indirect.scatter.add.f32 @p1 [tilespmem:s23], [sflag:$0x6], $0x10, s9, s21, $0xb8;
	[tilespmem:$0x1F200] =	vst v63  }
0x166: {  	_ =	swait.ge @p1 [sflag:s4], $0x800  }
0x167: {  	[sflag:s4] =	ssyncset.done @p1 $0x0  }
0x168: {  	[sflag:s4] =	ssyncadd.s32 @p1 $0xFFFFF800  }
0x169: {  	v2 =	vld @!p3 [tilespmem:s15+$0xCB00];
	_ =	sdelay $0x4  }
0x16a: {  	v2 =	vadd.s32 @!p3 v0, v2  }
0x16b: {  	[tilespmem:$0x16900] =	vst @!p3 v2  }
0x16c: {  	v2 =	vld @!p3 [tilespmem:s15+$0xCB10];
	_ =	sdelay $0x4  }
0x16d: {  	v2 =	vadd.s32 @!p3 v0, v2  }
0x16e: {  	[tilespmem:$0x16910] =	vst @!p3 v2  }
0x16f: {  	v2 =	vld @!p3 [tilespmem:s15+$0xCB20];
	_ =	sdelay $0x4  }
0x170: {  	v2 =	vadd.s32 @!p3 v0, v2  }
0x171: {  	[tilespmem:$0x16920] =	vst @!p3 v2  }
0x172: {  	v2 =	vld @!p3 [tilespmem:s15+$0xCB30];
	_ =	sdelay $0x4  }
0x173: {  	v2 =	vadd.s32 @!p3 v0, v2  }
0x174: {  	[tilespmem:$0x16930] =	vst @!p3 v2  }
0x175: {  	v2 =	vld @!p3 [tilespmem:s15+$0xCB40];
	_ =	sdelay $0x4  }
0x176: {  	v2 =	vadd.s32 @!p3 v0, v2  }
0x177: {  	[tilespmem:$0x16940] =	vst @!p3 v2  }
0x178: {  	v2 =	vld @!p3 [tilespmem:s15+$0xCB50];
	_ =	sdelay $0x4  }
0x179: {  	v2 =	vadd.s32 @!p3 v0, v2  }
0x17a: {  	[tilespmem:$0x16950] =	vst @!p3 v2  }
0x17b: {  	v2 =	vld @!p3 [tilespmem:s15+$0xCB60];
	_ =	sdelay $0x4  }
0x17c: {  	v2 =	vadd.s32 @!p3 v0, v2  }
0x17d: {  	[tilespmem:$0x16960] =	vst @!p3 v2  }
0x17e: {  	v2 =	vld @!p3 [tilespmem:s15+$0xCB70];
	_ =	sdelay $0x4  }
0x17f: {  	s9 =	simm.s32 @!p3 $0x1AA00;
	s4 =	simm.s32 @!p3 $0x16900;
	v2 =	vadd.s32 @!p3 v0, v2  }
0x180: {  	[tilespmem:$0x16970] =	vst @!p3 v2  }
0x181: {  	[tilespmem:s9], [sflag:$0x3] =	stream.indirect.gather @!p3 [hbm4b:s5+s16], $0x40, s4, s16, $0xb8;
	[tilespmem:$0x1F200] =	vst v63  }
0x182: {  	_ =	swait.ge [sflag:s6], $0x2000  }
0x183: {  	s9 =	sadd.s32 $0x11980, s14;
	[sflag:s6] =	ssyncset.done $0x0  }
0x184: {  	[sflag:s6] =	ssyncadd.s32 $0xFFFFE000  }
0x185: {  	[spmem:s2] =	stream.indirect.scatter.add.f32 [tilespmem:s0], [sflag:$0x6], $0x40, s9, s22, $0xb8;
	[tilespmem:$0x1F200] =	vst v63  }
.Ltmp2:
0x186: {  	_ =	swait.ge [sflag:s19], $0x2000;
	(pc) =	sbr.rel @p2 .LBB2_2-.Ltmp2, $4  }
0x187: {  	[sflag:s19] =	ssyncset.done $0x0  }
0x188: {  	s4 =	simm.s32 @p1 $0x5;
	[sflag:s19] =	ssyncadd.s32 $0xFFFFE000  }
0x189: {  	[spmem:s3] =	stream.indirect.scatter.add.f32 @p1 [tilespmem:s23], [sflag:$0x5], $0x10, s9, s21, $0xb8;
	[tilespmem:$0x1F200] =	vst v63  }
0x18a: {  	s13 =	sadd.s32 $0x1, s13;
	_ =	swait.ge @p1 [sflag:s4], $0x800  }
0x18b: {  	[sflag:s4] =	ssyncset.done @p1 $0x0  }
0x18c: {  	s14 =	sshra.s32 s12, $0x2;
	[sflag:s4] =	ssyncadd.s32 @p1 $0xFFFFF800  }
0x18d: {  	v2 =	vld [tilespmem:s14+$0xC980];
	_ =	sdelay $0x4  }
0x18e: {  	v2 =	vadd.s32 v0, v2  }
0x18f: {  	[tilespmem:$0x16980] =	vst v2  }
0x190: {  	v2 =	vld [tilespmem:s14+$0xC990];
	_ =	sdelay $0x4  }
0x191: {  	v2 =	vadd.s32 v0, v2  }
0x192: {  	[tilespmem:$0x16990] =	vst v2  }
0x193: {  	v2 =	vld [tilespmem:s14+$0xC9A0];
	_ =	sdelay $0x4  }
0x194: {  	v2 =	vadd.s32 v0, v2  }
0x195: {  	[tilespmem:$0x169A0] =	vst v2  }
0x196: {  	v2 =	vld [tilespmem:s14+$0xC9B0];
	_ =	sdelay $0x4  }
0x197: {  	v2 =	vadd.s32 v0, v2  }
0x198: {  	[tilespmem:$0x169B0] =	vst v2  }
0x199: {  	v2 =	vld [tilespmem:s14+$0xC9C0];
	_ =	sdelay $0x4  }
0x19a: {  	v2 =	vadd.s32 v0, v2  }
0x19b: {  	[tilespmem:$0x169C0] =	vst v2  }
0x19c: {  	v2 =	vld [tilespmem:s14+$0xC9D0];
	_ =	sdelay $0x4  }
0x19d: {  	v2 =	vadd.s32 v0, v2  }
0x19e: {  	[tilespmem:$0x169D0] =	vst v2  }
0x19f: {  	v2 =	vld [tilespmem:s14+$0xC9E0];
	_ =	sdelay $0x4  }
0x1a0: {  	v2 =	vadd.s32 v0, v2  }
0x1a1: {  	[tilespmem:$0x169E0] =	vst v2  }
0x1a2: {  	v2 =	vld [tilespmem:s14+$0xC9F0];
	_ =	sdelay $0x4  }
0x1a3: {  	v2 =	vadd.s32 v0, v2  }
0x1a4: {  	[tilespmem:$0x169F0] =	vst v2  }
0x1a5: {  	[tilespmem:s0], [sflag:$0x4] =	stream.indirect.gather [hbm4b:s5+s22], $0x40, s31, s22, $0xb8;
	[tilespmem:$0x1F200] =	vst v63  }
0x1a6: {  	_ =	swait.ge [sflag:s17], $0x2000  }
0x1a7: {  	p3 =	sgt.u32 s13, $0x13;
	s4 =	simm.s32 $0x1;
	[sflag:s17] =	ssyncset.done $0x0  }
0x1a8: {  	s9 =	sadd.s32 $0x11800, s14;
	s4 =	simm.s32 @!p3 $0x0;
	[sflag:s17] =	ssyncadd.s32 $0xFFFFE000  }
0x1a9: {  	[spmem:s2] =	stream.indirect.scatter.add.f32 [tilespmem:s25], [sflag:$0x6], $0x40, s9, s22, $0xb8;
	[tilespmem:$0x1F200] =	vst v63  }
0x1aa: {  	p2 =	seq.s32 s11, s4;
	_ =	swait.ge [sflag:s19], $0x2000  }
0x1ab: {  	s4 =	simm.s32 @!p2 $0x80;
	[sflag:s19] =	ssyncset.done $0x0  }
0x1ac: {  	s10 =	simm.s32 @!p2 $0x1EA00;
	s11 =	simm.s32 @!p2 $0x6;
	[sflag:s19] =	ssyncadd.s32 $0xFFFFE000  }
0x1ad: {  	[spmem:s3] =	stream.indirect.scatter.add.f32 @!p2 [tilespmem:s10], [sflag:$0x6], $0x10, s9, s4, $0xb8;
	[tilespmem:$0x1F200] =	vst v63  }
0x1ae: {  	_ =	swait.ge @!p2 [sflag:s11], $0x800  }
0x1af: {  	p1 =	seq.s32 s12, $0x13800;
	[sflag:s11] =	ssyncset.done @!p2 $0x0  }
0x1b0: {  	s4 =	sshra.s32 @!p1 s12, $0x2;
	[sflag:s11] =	ssyncadd.s32 @!p2 $0xFFFFF800  }
0x1b1: {  	v2 =	vld @!p1 [tilespmem:s4+$0xCA00];
	_ =	sdelay $0x4  }
0x1b2: {  	v2 =	vadd.s32 @!p1 v0, v2  }
0x1b3: {  	[tilespmem:$0x16800] =	vst @!p1 v2  }
0x1b4: {  	v2 =	vld @!p1 [tilespmem:s4+$0xCA10];
	_ =	sdelay $0x4  }
0x1b5: {  	v2 =	vadd.s32 @!p1 v0, v2  }
0x1b6: {  	[tilespmem:$0x16810] =	vst @!p1 v2  }
0x1b7: {  	v2 =	vld @!p1 [tilespmem:s4+$0xCA20];
	_ =	sdelay $0x4  }
0x1b8: {  	v2 =	vadd.s32 @!p1 v0, v2  }
0x1b9: {  	[tilespmem:$0x16820] =	vst @!p1 v2  }
0x1ba: {  	v2 =	vld @!p1 [tilespmem:s4+$0xCA30];
	_ =	sdelay $0x4  }
0x1bb: {  	v2 =	vadd.s32 @!p1 v0, v2  }
0x1bc: {  	[tilespmem:$0x16830] =	vst @!p1 v2  }
0x1bd: {  	v2 =	vld @!p1 [tilespmem:s4+$0xCA40];
	_ =	sdelay $0x4  }
0x1be: {  	v2 =	vadd.s32 @!p1 v0, v2  }
0x1bf: {  	[tilespmem:$0x16840] =	vst @!p1 v2  }
0x1c0: {  	v2 =	vld @!p1 [tilespmem:s4+$0xCA50];
	_ =	sdelay $0x4  }
0x1c1: {  	v2 =	vadd.s32 @!p1 v0, v2  }
0x1c2: {  	[tilespmem:$0x16850] =	vst @!p1 v2  }
0x1c3: {  	v2 =	vld @!p1 [tilespmem:s4+$0xCA60];
	_ =	sdelay $0x4  }
0x1c4: {  	v2 =	vadd.s32 @!p1 v0, v2  }
0x1c5: {  	[tilespmem:$0x16860] =	vst @!p1 v2  }
0x1c6: {  	v2 =	vld @!p1 [tilespmem:s4+$0xCA70];
	_ =	sdelay $0x4  }
0x1c7: {  	v2 =	vadd.s32 @!p1 v0, v2  }
0x1c8: {  	s9 =	simm.s32 @!p1 $0x16800;
	s10 =	simm.s32 @!p1 $0x16A00;
	s11 =	simm.s32 @!p1 $0x80;
	[tilespmem:$0x16870] =	vst @!p1 v2  }
0x1c9: {  	[tilespmem:s10], [sflag:$0x1] =	stream.indirect.gather @!p1 [hbm4b:s5+s11], $0x40, s9, s11, $0xb8;
	[tilespmem:$0x1F200] =	vst v63  }
0x1ca: {  	_ =	swait.ge [sflag:s20], $0x2000  }
0x1cb: {  	[sflag:s20] =	ssyncset.done $0x0  }
0x1cc: {  	p2 =	por !p3, !p3;
	s9 =	sadd.s32 $0x11880, s14;
	[sflag:s20] =	ssyncadd.s32 $0xFFFFE000  }
0x1cd: {  	[spmem:s2] =	stream.indirect.scatter.add.f32 [tilespmem:s28], [sflag:$0x6], $0x40, s9, s22, $0xb8;
	[tilespmem:$0x1F200] =	vst v63  }
0x1ce: {  	p2 =	por @!p0 p3, p3;
	_ =	swait.ge [sflag:s19], $0x2000  }
0x1cf: {  	s12 =	simm.s32 @p2 $0x80;
	[sflag:s19] =	ssyncset.done $0x0  }
0x1d0: {  	s13 =	simm.s32 @p2 $0x1EA00;
	s10 =	simm.s32 @p2 $0x6;
	[sflag:s19] =	ssyncadd.s32 $0xFFFFE000  }
0x1d1: {  	[spmem:s3] =	stream.indirect.scatter.add.f32 @p2 [tilespmem:s13], [sflag:$0x6], $0x10, s9, s12, $0xb8;
	[tilespmem:$0x1F200] =	vst v63  }
0x1d2: {  	_ =	swait.ge @p2 [sflag:s10], $0x800  }
0x1d3: {  	[sflag:s10] =	ssyncset.done @p2 $0x0  }
0x1d4: {  	[sflag:s10] =	ssyncadd.s32 @p2 $0xFFFFF800  }
0x1d5: {  	v2 =	vld @!p1 [tilespmem:s4+$0xCA80];
	_ =	sdelay $0x4  }
0x1d6: {  	v2 =	vadd.s32 @!p1 v0, v2  }
0x1d7: {  	[tilespmem:$0x16880] =	vst @!p1 v2  }
0x1d8: {  	v2 =	vld @!p1 [tilespmem:s4+$0xCA90];
	_ =	sdelay $0x4  }
0x1d9: {  	v2 =	vadd.s32 @!p1 v0, v2  }
0x1da: {  	[tilespmem:$0x16890] =	vst @!p1 v2  }
0x1db: {  	v2 =	vld @!p1 [tilespmem:s4+$0xCAA0];
	_ =	sdelay $0x4  }
0x1dc: {  	v2 =	vadd.s32 @!p1 v0, v2  }
0x1dd: {  	[tilespmem:$0x168A0] =	vst @!p1 v2  }
0x1de: {  	v2 =	vld @!p1 [tilespmem:s4+$0xCAB0];
	_ =	sdelay $0x4  }
0x1df: {  	v2 =	vadd.s32 @!p1 v0, v2  }
0x1e0: {  	[tilespmem:$0x168B0] =	vst @!p1 v2  }
0x1e1: {  	v2 =	vld @!p1 [tilespmem:s4+$0xCAC0];
	_ =	sdelay $0x4  }
0x1e2: {  	v2 =	vadd.s32 @!p1 v0, v2  }
0x1e3: {  	[tilespmem:$0x168C0] =	vst @!p1 v2  }
0x1e4: {  	v2 =	vld @!p1 [tilespmem:s4+$0xCAD0];
	_ =	sdelay $0x4  }
0x1e5: {  	v2 =	vadd.s32 @!p1 v0, v2  }
0x1e6: {  	[tilespmem:$0x168D0] =	vst @!p1 v2  }
0x1e7: {  	v2 =	vld @!p1 [tilespmem:s4+$0xCAE0];
	_ =	sdelay $0x4  }
0x1e8: {  	v2 =	vadd.s32 @!p1 v0, v2  }
0x1e9: {  	[tilespmem:$0x168E0] =	vst @!p1 v2  }
0x1ea: {  	v2 =	vld @!p1 [tilespmem:s4+$0xCAF0];
	_ =	sdelay $0x4  }
0x1eb: {  	v2 =	vadd.s32 @!p1 v0, v2  }
0x1ec: {  	s15 =	simm.s32 @!p1 $0x18A00;
	s9 =	simm.s32 @!p1 $0x16880;
	[tilespmem:$0x168F0] =	vst @!p1 v2  }
0x1ed: {  	[tilespmem:s15], [sflag:$0x2] =	stream.indirect.gather @!p1 [hbm4b:s5+s11], $0x40, s9, s11, $0xb8;
	[tilespmem:$0x1F200] =	vst v63  }
0x1ee: {  	_ =	swait.ge [sflag:s1], $0x2000  }
0x1ef: {  	[sflag:s1] =	ssyncset.done $0x0  }
0x1f0: {  	s9 =	sadd.s32 $0x11900, s14;
	[sflag:s1] =	ssyncadd.s32 $0xFFFFE000  }
0x1f1: {  	[spmem:s2] =	stream.indirect.scatter.add.f32 [tilespmem:s30], [sflag:$0x6], $0x40, s9, s22, $0xb8;
	[tilespmem:$0x1F200] =	vst v63  }
0x1f2: {  	_ =	swait.ge [sflag:s19], $0x2000  }
0x1f3: {  	[sflag:s19] =	ssyncset.done $0x0  }
0x1f4: {  	[sflag:s19] =	ssyncadd.s32 $0xFFFFE000  }
0x1f5: {  	[spmem:s3] =	stream.indirect.scatter.add.f32 @p2 [tilespmem:s13], [sflag:$0x6], $0x10, s9, s12, $0xb8;
	[tilespmem:$0x1F200] =	vst v63  }
0x1f6: {  	_ =	swait.ge @p2 [sflag:s10], $0x800  }
0x1f7: {  	[sflag:s10] =	ssyncset.done @p2 $0x0  }
0x1f8: {  	[sflag:s10] =	ssyncadd.s32 @p2 $0xFFFFF800  }
0x1f9: {  	v2 =	vld @!p1 [tilespmem:s4+$0xCB00];
	_ =	sdelay $0x4  }
0x1fa: {  	v2 =	vadd.s32 @!p1 v0, v2  }
0x1fb: {  	[tilespmem:$0x16900] =	vst @!p1 v2  }
0x1fc: {  	v2 =	vld @!p1 [tilespmem:s4+$0xCB10];
	_ =	sdelay $0x4  }
0x1fd: {  	v2 =	vadd.s32 @!p1 v0, v2  }
0x1fe: {  	[tilespmem:$0x16910] =	vst @!p1 v2  }
0x1ff: {  	v2 =	vld @!p1 [tilespmem:s4+$0xCB20];
	_ =	sdelay $0x4  }
0x200: {  	v2 =	vadd.s32 @!p1 v0, v2  }
0x201: {  	[tilespmem:$0x16920] =	vst @!p1 v2  }
0x202: {  	v2 =	vld @!p1 [tilespmem:s4+$0xCB30];
	_ =	sdelay $0x4  }
0x203: {  	v2 =	vadd.s32 @!p1 v0, v2  }
0x204: {  	[tilespmem:$0x16930] =	vst @!p1 v2  }
0x205: {  	v2 =	vld @!p1 [tilespmem:s4+$0xCB40];
	_ =	sdelay $0x4  }
0x206: {  	v2 =	vadd.s32 @!p1 v0, v2  }
0x207: {  	[tilespmem:$0x16940] =	vst @!p1 v2  }
0x208: {  	v2 =	vld @!p1 [tilespmem:s4+$0xCB50];
	_ =	sdelay $0x4  }
0x209: {  	v2 =	vadd.s32 @!p1 v0, v2  }
0x20a: {  	[tilespmem:$0x16950] =	vst @!p1 v2  }
0x20b: {  	v2 =	vld @!p1 [tilespmem:s4+$0xCB60];
	_ =	sdelay $0x4  }
0x20c: {  	v2 =	vadd.s32 @!p1 v0, v2  }
0x20d: {  	[tilespmem:$0x16960] =	vst @!p1 v2  }
0x20e: {  	v2 =	vld @!p1 [tilespmem:s4+$0xCB70];
	_ =	sdelay $0x4  }
0x20f: {  	v2 =	vadd.s32 @!p1 v0, v2  }
0x210: {  	s9 =	simm.s32 @!p1 $0x1AA00;
	s4 =	simm.s32 @!p1 $0x16900;
	[tilespmem:$0x16970] =	vst @!p1 v2  }
0x211: {  	[tilespmem:s9], [sflag:$0x3] =	stream.indirect.gather @!p1 [hbm4b:s5+s11], $0x40, s4, s11, $0xb8;
	[tilespmem:$0x1F200] =	vst v63  }
0x212: {  	_ =	swait.ge [sflag:s6], $0x2000  }
0x213: {  	[sflag:s6] =	ssyncset.done $0x0  }
0x214: {  	s4 =	sadd.s32 $0x11980, s14;
	[sflag:s6] =	ssyncadd.s32 $0xFFFFE000  }
0x215: {  	[spmem:s2] =	stream.indirect.scatter.add.f32 [tilespmem:s0], [sflag:$0x6], $0x40, s4, s22, $0xb8;
	[tilespmem:$0x1F200] =	vst v63  }
0x216: {  	_ =	swait.ge [sflag:s19], $0x2000  }
0x217: {  	[sflag:s19] =	ssyncset.done $0x0  }
0x218: {  	[sflag:s19] =	ssyncadd.s32 $0xFFFFE000  }
0x219: {  	[spmem:s3] =	stream.indirect.scatter.add.f32 @p2 [tilespmem:s13], [sflag:$0x5], $0x10, s4, s12, $0xb8;
	[tilespmem:$0x1F200] =	vst v63  }
0x21a: {  	s4 =	simm.s32 @p2 $0x5  }
0x21b: {  	_ =	swait.ge @p2 [sflag:s4], $0x800  }
0x21c: {  	[sflag:s4] =	ssyncset.done @p2 $0x0  }
0x21d: {  	[sflag:s4] =	ssyncadd.s32 @p2 $0xFFFFF800  }
0x21e: {  	[bflag:$0x0] =	sbarrier.arrive $0xFFFF  }
0x21f: {  	s15 =	rddreg [dreg:$0xb]  }
0x220: {  	s16 =	rddreg [dreg:$0xa];
	s11 =	sshrl.u32 s15, $0x3  }
0x221: {  	[hbm:s16], [sflag:s8] =	dma.local [spmem:s11], $0x1388  }
0x222: {  	_ =	swait.ge [sflag:s18], $0x1388  }
0x223: {  	[sflag:s18] =	ssyncset.done $0x0;
	s21 =	rddreg [dreg:$0xc]  }
0x224: {  	s23 =	rddreg [dreg:$0x10];
	[sflag:s18] =	ssyncadd.s32 $0xFFFFEC78  }
0x225: {  	[hbm:s21], [sflag:s8] =	dma.local [spmem:s23], $0x4E2  }
0x226: {  	_ =	swait.ge [sflag:s18], $0x4E2  }
0x227: {  	[sflag:s18] =	ssyncset.done $0x0;
	s15 =	rddreg [dreg:$0x8]  }
0x228: {  	s29 =	rddreg [dreg:$0x11];
	[sflag:s18] =	ssyncadd.s32 $0xFFFFFB1E  }
0x229: {  	[spmem:s29], [sflag:s8] =	dma.local [hbm:s15], $0x1400  }
0x22a: {  	_ =	swait.ge [sflag:s18], $0x1400  }
0x22b: {  	[sflag:s18] =	ssyncset.done $0x0  }
0x22c: {  	[sflag:s18] =	ssyncadd.s32 $0xFFFFEC00  }
0x22d: {  	[bflag:$0x0] =	sbarrier.arrive $0xFFFF  }
0x22e: {  	v2 =	vld [tilespmem:$0xC800]  }
0x22f: {  	v3 =	vld [tilespmem:$0xC810]  }
0x230: {  	v4 =	vld [tilespmem:$0xC820]  }
0x231: {  	v5 =	vld [tilespmem:$0xC830]  }
0x232: {  	v6 =	vld [tilespmem:$0xC840]  }
0x233: {  	v7 =	vld [tilespmem:$0xC850];
	v2 =	vadd.s32 v1, v2  }
0x234: {  	[tilespmem:$0x16800] =	vst v2;
	v2 =	vadd.s32 v1, v3;
	v3 =	vld [tilespmem:$0xC860]  }
0x235: {  	v53 =	vld [tilespmem:$0xC870];
	[tilespmem:$0x16810] =	vst v2;
	v2 =	vadd.s32 v1, v4  }
0x236: {  	[tilespmem:$0x16820] =	vst v2;
	v2 =	vadd.s32 v1, v5  }
0x237: {  	[tilespmem:$0x16830] =	vst v2;
	v2 =	vadd.s32 v1, v6  }
0x238: {  	[tilespmem:$0x16840] =	vst v2;
	v2 =	vadd.s32 v1, v7  }
0x239: {  	[tilespmem:$0x16850] =	vst v2;
	v2 =	vadd.s32 v1, v3  }
0x23a: {  	[tilespmem:$0x16860] =	vst v2;
	v2 =	vadd.s32 v1, v53  }
0x23b: {  	[tilespmem:$0x16870] =	vst v2  }
0x23c: {  	[tilespmem:s25], [sflag:$0x1] =	stream.indirect.gather [hbm4b:s5+s22], $0x40, s24, s22, $0xb8;
	[tilespmem:$0x1F200] =	vst v63  }
0x23d: {  	v2 =	vld [tilespmem:$0xC880]  }
0x23e: {  	v3 =	vld [tilespmem:$0xC890]  }
0x23f: {  	v54 =	vld [tilespmem:$0xC8A0]  }
0x240: {  	v55 =	vld [tilespmem:$0xC8B0]  }
0x241: {  	v56 =	vld [tilespmem:$0xC8C0]  }
0x242: {  	v57 =	vld [tilespmem:$0xC8D0];
	v2 =	vadd.s32 v1, v2  }
0x243: {  	[tilespmem:$0x16880] =	vst v2;
	v2 =	vadd.s32 v1, v3;
	v3 =	vld [tilespmem:$0xC8E0]  }
0x244: {  	v58 =	vld [tilespmem:$0xC8F0];
	[tilespmem:$0x16890] =	vst v2;
	v2 =	vadd.s32 v1, v54  }
0x245: {  	[tilespmem:$0x168A0] =	vst v2;
	v2 =	vadd.s32 v1, v55  }
0x246: {  	[tilespmem:$0x168B0] =	vst v2;
	v2 =	vadd.s32 v1, v56  }
0x247: {  	[tilespmem:$0x168C0] =	vst v2;
	v2 =	vadd.s32 v1, v57  }
0x248: {  	[tilespmem:$0x168D0] =	vst v2;
	v2 =	vadd.s32 v1, v3  }
0x249: {  	[tilespmem:$0x168E0] =	vst v2;
	v2 =	vadd.s32 v1, v58  }
0x24a: {  	[tilespmem:$0x168F0] =	vst v2  }
0x24b: {  	[tilespmem:s28], [sflag:$0x2] =	stream.indirect.gather [hbm4b:s5+s22], $0x40, s26, s22, $0xb8;
	[tilespmem:$0x1F200] =	vst v63  }
0x24c: {  	v2 =	vld [tilespmem:$0xC900]  }
0x24d: {  	v3 =	vld [tilespmem:$0xC910]  }
0x24e: {  	v59 =	vld [tilespmem:$0xC920]  }
0x24f: {  	v60 =	vld [tilespmem:$0xC930]  }
0x250: {  	v61 =	vld [tilespmem:$0xC940]  }
0x251: {  	v62 =	vld [tilespmem:$0xC950];
	v2 =	vadd.s32 v1, v2  }
0x252: {  	[tilespmem:$0x16900] =	vst v2;
	v2 =	vadd.s32 v1, v3;
	v3 =	vld [tilespmem:$0xC960]  }
0x253: {  	v63 =	vld [tilespmem:$0xC970];
	[tilespmem:$0x16910] =	vst v2;
	v2 =	vadd.s32 v1, v59  }
0x254: {  	[tilespmem:$0x16920] =	vst v2;
	v2 =	vadd.s32 v1, v60  }
0x255: {  	[tilespmem:$0x16930] =	vst v2;
	v2 =	vadd.s32 v1, v61  }
.Ltmp3:
0x256: {  	[tilespmem:$0x16940] =	vst v2;
	v2 =	vadd.s32 v1, v62;
	(pc) =	sbr.rel .LBB2_4-.Ltmp3, $4  }
0x257: {  	[tilespmem:$0x16950] =	vst v2;
	v2 =	vadd.s32 v1, v3  }
0x258: {  	[tilespmem:$0x16960] =	vst v2;
	v2 =	vadd.s32 v1, v63  }
0x259: {  	s14 =	simm.s32 $0x16900;
	s9 =	simm.s32 $0x0;
	[tilespmem:$0x16970] =	vst v2  }
0x25a: {  	[tilespmem:s30], [sflag:$0x3] =	stream.indirect.gather [hbm4b:s5+s22], $0x40, s14, s22, $0xb8;
	[tilespmem:$0x1F200] =	vst v63  }
.LBB2_6:
0x25b: {  	_ =	swait.ge [sflag:s20], $0x2000  }
0x25c: {  	[sflag:s20] =	ssyncset.done $0x0  }
0x25d: {  	[sflag:s20] =	ssyncadd.s32 $0xFFFFE000  }
0x25e: {  	[spmem:s2] =	stream.indirect.scatter.add.f32 [tilespmem:s28], [sflag:$0x5], $0x40, s4, s22, $0xb8;
	[tilespmem:$0x1F200] =	vst v63  }
0x25f: {  	_ =	swait.ge [sflag:s18], $0x2000  }
0x260: {  	[sflag:s18] =	ssyncset.done $0x0  }
0x261: {  	[sflag:s18] =	ssyncadd.s32 $0xFFFFE000  }
.LBB2_7:
0x262: {  	_ =	swait.ge [sflag:s1], $0x2000  }
0x263: {  	[sflag:s1] =	ssyncset.done $0x0  }
0x264: {  	s4 =	sadd.s32 $0x11900, s12;
	[sflag:s1] =	ssyncadd.s32 $0xFFFFE000  }
0x265: {  	[spmem:s2] =	stream.indirect.scatter.add.f32 [tilespmem:s30], [sflag:$0x5], $0x40, s4, s22, $0xb8;
	[tilespmem:$0x1F200] =	vst v63  }
0x266: {  	_ =	swait.ge [sflag:s18], $0x2000  }
0x267: {  	[sflag:s18] =	ssyncset.done $0x0  }
0x268: {  	s4 =	sshra.s32 @!p1 s9, $0x2;
	[sflag:s18] =	ssyncadd.s32 $0xFFFFE000  }
0x269: {  	v2 =	vld @!p1 [tilespmem:s4+$0xCB00];
	_ =	sdelay $0x4  }
0x26a: {  	v2 =	vadd.s32 @!p1 v1, v2  }
0x26b: {  	[tilespmem:$0x16900] =	vst @!p1 v2  }
0x26c: {  	v2 =	vld @!p1 [tilespmem:s4+$0xCB10];
	_ =	sdelay $0x4  }
0x26d: {  	v2 =	vadd.s32 @!p1 v1, v2  }
0x26e: {  	[tilespmem:$0x16910] =	vst @!p1 v2  }
0x26f: {  	v2 =	vld @!p1 [tilespmem:s4+$0xCB20];
	_ =	sdelay $0x4  }
0x270: {  	v2 =	vadd.s32 @!p1 v1, v2  }
0x271: {  	[tilespmem:$0x16920] =	vst @!p1 v2  }
0x272: {  	v2 =	vld @!p1 [tilespmem:s4+$0xCB30];
	_ =	sdelay $0x4  }
0x273: {  	v2 =	vadd.s32 @!p1 v1, v2  }
0x274: {  	[tilespmem:$0x16930] =	vst @!p1 v2  }
0x275: {  	v2 =	vld @!p1 [tilespmem:s4+$0xCB40];
	_ =	sdelay $0x4  }
0x276: {  	v2 =	vadd.s32 @!p1 v1, v2  }
0x277: {  	[tilespmem:$0x16940] =	vst @!p1 v2  }
0x278: {  	v2 =	vld @!p1 [tilespmem:s4+$0xCB50];
	_ =	sdelay $0x4  }
0x279: {  	v2 =	vadd.s32 @!p1 v1, v2  }
0x27a: {  	[tilespmem:$0x16950] =	vst @!p1 v2  }
0x27b: {  	v2 =	vld @!p1 [tilespmem:s4+$0xCB60];
	_ =	sdelay $0x4  }
0x27c: {  	v2 =	vadd.s32 @!p1 v1, v2  }
0x27d: {  	[tilespmem:$0x16960] =	vst @!p1 v2  }
0x27e: {  	v2 =	vld @!p1 [tilespmem:s4+$0xCB70];
	_ =	sdelay $0x4  }
0x27f: {  	v2 =	vadd.s32 @!p1 v1, v2  }
0x280: {  	s10 =	simm.s32 @!p1 $0x16900;
	s13 =	simm.s32 @!p1 $0x1AA00;
	s4 =	simm.s32 @!p1 $0x80;
	[tilespmem:$0x16970] =	vst @!p1 v2  }
0x281: {  	[tilespmem:s13], [sflag:$0x3] =	stream.indirect.gather @!p1 [hbm4b:s5+s4], $0x40, s10, s4, $0xb8;
	[tilespmem:$0x1F200] =	vst v63  }
0x282: {  	s9 =	sadd.s32 $0x800, s9;
	_ =	swait.ge [sflag:s6], $0x2000  }
0x283: {  	p1 =	sne.s32 s9, $0x14000;
	[sflag:s6] =	ssyncset.done $0x0  }
.Ltmp4:
0x284: {  	s29 =	sadd.s32 $0x11980, s12;
	[sflag:s6] =	ssyncadd.s32 $0xFFFFE000;
	(pc) =	sbr.rel @!p1 .LBB2_8-.Ltmp4, $4  }
0x285: {  	[spmem:s2] =	stream.indirect.scatter.add.f32 [tilespmem:s0], [sflag:$0x5], $0x40, s29, s22, $0xb8;
	[tilespmem:$0x1F200] =	vst v63  }
0x286: {  	_ =	swait.ge [sflag:s18], $0x2000  }
0x287: {  	[sflag:s18] =	ssyncset.done $0x0  }
0x288: {  	[sflag:s18] =	ssyncadd.s32 $0xFFFFE000  }
.LBB2_4:
0x289: {  	s12 =	sshra.s32 s9, $0x2  }
0x28a: {  	v2 =	vld [tilespmem:s12+$0xC980];
	_ =	sdelay $0x4  }
0x28b: {  	v2 =	vadd.s32 v1, v2  }
0x28c: {  	[tilespmem:$0x16980] =	vst v2  }
0x28d: {  	v2 =	vld [tilespmem:s12+$0xC990];
	_ =	sdelay $0x4  }
0x28e: {  	v2 =	vadd.s32 v1, v2  }
0x28f: {  	[tilespmem:$0x16990] =	vst v2  }
0x290: {  	v2 =	vld [tilespmem:s12+$0xC9A0];
	_ =	sdelay $0x4  }
0x291: {  	v2 =	vadd.s32 v1, v2  }
0x292: {  	[tilespmem:$0x169A0] =	vst v2  }
0x293: {  	v2 =	vld [tilespmem:s12+$0xC9B0];
	_ =	sdelay $0x4  }
0x294: {  	v2 =	vadd.s32 v1, v2  }
0x295: {  	[tilespmem:$0x169B0] =	vst v2  }
0x296: {  	v2 =	vld [tilespmem:s12+$0xC9C0];
	_ =	sdelay $0x4  }
0x297: {  	v2 =	vadd.s32 v1, v2  }
0x298: {  	[tilespmem:$0x169C0] =	vst v2  }
0x299: {  	v2 =	vld [tilespmem:s12+$0xC9D0];
	_ =	sdelay $0x4  }
0x29a: {  	v2 =	vadd.s32 v1, v2  }
0x29b: {  	[tilespmem:$0x169D0] =	vst v2  }
0x29c: {  	v2 =	vld [tilespmem:s12+$0xC9E0];
	_ =	sdelay $0x4  }
0x29d: {  	v2 =	vadd.s32 v1, v2  }
0x29e: {  	[tilespmem:$0x169E0] =	vst v2  }
0x29f: {  	v2 =	vld [tilespmem:s12+$0xC9F0];
	_ =	sdelay $0x4  }
0x2a0: {  	v2 =	vadd.s32 v1, v2  }
0x2a1: {  	[tilespmem:$0x169F0] =	vst v2  }
0x2a2: {  	[tilespmem:s0], [sflag:$0x4] =	stream.indirect.gather [hbm4b:s5+s22], $0x40, s31, s22, $0xb8;
	[tilespmem:$0x1F200] =	vst v63  }
0x2a3: {  	_ =	swait.ge [sflag:s17], $0x2000  }
0x2a4: {  	p1 =	seq.s32 s9, $0x13800;
	[sflag:s17] =	ssyncset.done $0x0  }
.Ltmp5:
0x2a5: {  	s4 =	sadd.s32 $0x11800, s12;
	[sflag:s17] =	ssyncadd.s32 $0xFFFFE000;
	(pc) =	sbr.rel @p1 .LBB2_6-.Ltmp5, $4  }
0x2a6: {  	[spmem:s2] =	stream.indirect.scatter.add.f32 [tilespmem:s25], [sflag:$0x5], $0x40, s4, s22, $0xb8;
	[tilespmem:$0x1F200] =	vst v63  }
0x2a7: {  	_ =	swait.ge [sflag:s18], $0x2000  }
0x2a8: {  	[sflag:s18] =	ssyncset.done $0x0  }
0x2a9: {  	s4 =	sadd.s32 $0x11880, s12;
	[sflag:s18] =	ssyncadd.s32 $0xFFFFE000  }
0x2aa: {  	v2 =	vld [tilespmem:s12+$0xCA00];
	_ =	sdelay $0x4  }
0x2ab: {  	v2 =	vadd.s32 v1, v2  }
0x2ac: {  	[tilespmem:$0x16800] =	vst v2  }
0x2ad: {  	v2 =	vld [tilespmem:s12+$0xCA10];
	_ =	sdelay $0x4  }
0x2ae: {  	v2 =	vadd.s32 v1, v2  }
0x2af: {  	[tilespmem:$0x16810] =	vst v2  }
0x2b0: {  	v2 =	vld [tilespmem:s12+$0xCA20];
	_ =	sdelay $0x4  }
0x2b1: {  	v2 =	vadd.s32 v1, v2  }
0x2b2: {  	[tilespmem:$0x16820] =	vst v2  }
0x2b3: {  	v2 =	vld [tilespmem:s12+$0xCA30];
	_ =	sdelay $0x4  }
0x2b4: {  	v2 =	vadd.s32 v1, v2  }
0x2b5: {  	[tilespmem:$0x16830] =	vst v2  }
0x2b6: {  	v2 =	vld [tilespmem:s12+$0xCA40];
	_ =	sdelay $0x4  }
0x2b7: {  	v2 =	vadd.s32 v1, v2  }
0x2b8: {  	[tilespmem:$0x16840] =	vst v2  }
0x2b9: {  	v2 =	vld [tilespmem:s12+$0xCA50];
	_ =	sdelay $0x4  }
0x2ba: {  	v2 =	vadd.s32 v1, v2  }
0x2bb: {  	[tilespmem:$0x16850] =	vst v2  }
0x2bc: {  	v2 =	vld [tilespmem:s12+$0xCA60];
	_ =	sdelay $0x4  }
0x2bd: {  	v2 =	vadd.s32 v1, v2  }
0x2be: {  	[tilespmem:$0x16860] =	vst v2  }
0x2bf: {  	v2 =	vld [tilespmem:s12+$0xCA70];
	_ =	sdelay $0x4  }
0x2c0: {  	v2 =	vadd.s32 v1, v2  }
0x2c1: {  	[tilespmem:$0x16870] =	vst v2  }
0x2c2: {  	[tilespmem:s25], [sflag:$0x1] =	stream.indirect.gather [hbm4b:s5+s22], $0x40, s24, s22, $0xb8;
	[tilespmem:$0x1F200] =	vst v63  }
0x2c3: {  	_ =	swait.ge [sflag:s20], $0x2000  }
0x2c4: {  	[sflag:s20] =	ssyncset.done $0x0  }
0x2c5: {  	[sflag:s20] =	ssyncadd.s32 $0xFFFFE000  }
0x2c6: {  	[spmem:s2] =	stream.indirect.scatter.add.f32 [tilespmem:s28], [sflag:$0x5], $0x40, s4, s22, $0xb8;
	[tilespmem:$0x1F200] =	vst v63  }
0x2c7: {  	_ =	swait.ge [sflag:s18], $0x2000  }
0x2c8: {  	[sflag:s18] =	ssyncset.done $0x0  }
0x2c9: {  	[sflag:s18] =	ssyncadd.s32 $0xFFFFE000  }
0x2ca: {  	v2 =	vld [tilespmem:s12+$0xCA80];
	_ =	sdelay $0x4  }
0x2cb: {  	v2 =	vadd.s32 v1, v2  }
0x2cc: {  	[tilespmem:$0x16880] =	vst v2  }
0x2cd: {  	v2 =	vld [tilespmem:s12+$0xCA90];
	_ =	sdelay $0x4  }
0x2ce: {  	v2 =	vadd.s32 v1, v2  }
0x2cf: {  	[tilespmem:$0x16890] =	vst v2  }
0x2d0: {  	v2 =	vld [tilespmem:s12+$0xCAA0];
	_ =	sdelay $0x4  }
0x2d1: {  	v2 =	vadd.s32 v1, v2  }
0x2d2: {  	[tilespmem:$0x168A0] =	vst v2  }
0x2d3: {  	v2 =	vld [tilespmem:s12+$0xCAB0];
	_ =	sdelay $0x4  }
0x2d4: {  	v2 =	vadd.s32 v1, v2  }
0x2d5: {  	[tilespmem:$0x168B0] =	vst v2  }
0x2d6: {  	v2 =	vld [tilespmem:s12+$0xCAC0];
	_ =	sdelay $0x4  }
0x2d7: {  	v2 =	vadd.s32 v1, v2  }
0x2d8: {  	[tilespmem:$0x168C0] =	vst v2  }
0x2d9: {  	v2 =	vld [tilespmem:s12+$0xCAD0];
	_ =	sdelay $0x4  }
0x2da: {  	v2 =	vadd.s32 v1, v2  }
0x2db: {  	[tilespmem:$0x168D0] =	vst v2  }
0x2dc: {  	v2 =	vld [tilespmem:s12+$0xCAE0];
	_ =	sdelay $0x4  }
0x2dd: {  	v2 =	vadd.s32 v1, v2  }
0x2de: {  	[tilespmem:$0x168E0] =	vst v2  }
0x2df: {  	v2 =	vld [tilespmem:s12+$0xCAF0];
	_ =	sdelay $0x2  }
.Ltmp6:
0x2e0: {  	_ = 	snop;
	(pc) =	sbr.rel .LBB2_7-.Ltmp6, $4  }
0x2e1: {  	_ = 	snop  }
0x2e2: {  	v2 =	vadd.s32 v1, v2  }
0x2e3: {  	[tilespmem:$0x168F0] =	vst v2  }
0x2e4: {  	[tilespmem:s28], [sflag:$0x2] =	stream.indirect.gather [hbm4b:s5+s22], $0x40, s26, s22, $0xb8;
	[tilespmem:$0x1F200] =	vst v63  }
.LBB2_9:
0x2e5: {  	_ =	sfence.sel $0x180000  }
0x2e6: {  	[bflag:$0x0] =	sbarrier.arrive $0xFFFF  }
0x2e7: {  	_ =	strace $0x90000047  }
0x2e8: {  	s0 =	stileid.u32;
	[bflag:$0x2] =	sbarrier.arrive $0xFFFF  }
0x2e9: {  	p0 =	sne.s32 s0, $0x0;
	s0 =	rddreg [dreg:$0x3]  }
0x2ea: {  	s0 =	sadd.s32 @!p0 $0x100000, s0  }
0x2eb: {  	[sflag:s0] =	ssyncadd.tile.s32 @!p0 $0x1;
	_ =	shalt  }
.Lfunc_end2:
_tile_overlayer_lowered:
.L_overlay_start_2:
0x2ec: {  	(tag) =	ssettag $0x2  }
0x2ed: {  	s0 =	rddreg [dreg:$0x0];
	s2 =	stileid.u32  }
0x2ee: {  	s1 =	rddreg [dreg:$0x1];
	p0 =	sne.s32 s2, $0x0  }
0x2ef: {  	s3 =	rddreg [dreg:$0x2];
	[bflag:$0x3] =	sbarrier.arrive $0xFFFF;
	s2 =	simm.s32 @!p0 $0x1C05  }
0x2f0: {  	[timem:s3], [sflag:s2] =	dma.local @!p0 [hbm:s0], s1  }
0x2f1: {  	s0 =	simm.s32 @!p0 $0x5  }
0x2f2: {  	_ =	swait.ge @!p0 [sflag:s0], s1  }
0x2f3: {  	s1 =	ssub.s32 @!p0 $0x0, s1;
	[sflag:s0] =	ssyncset.done @!p0 $0x0  }
0x2f4: {  	[sflag:s0] =	ssyncadd.s32 @!p0 s1  }
0x2f5: {  	[bflag:$0x3] =	sbarrier.arrive $0xFFFF  }
0x2f6: {  	_ =	shalt  }

</sc_bundles>
